<compile_context>
chip_gen: v7x
topology: tpu7x:2x2x1
jax: 0.10.2.dev20260603
libtpu: 0.0.44.dev20260713+nightly
codegen_flags: <defaults>
</compile_context>

<pallas_src>
import functools

import jax
import jax.numpy as jnp
import numpy as np
from jax import lax
from jax.experimental import pallas as pl
from jax.experimental.pallas import tpu as pltpu
from jax.experimental.pallas import tpu_sc as plsc

_N = 10000
_E = 320000
_D = 128
_CHUNK = 128
_NC = 2
_NS = 16
_NW = _NC * _NS
_RPW = 80
_NROWS = _E // _CHUNK
_MAIN = _NROWS - 4
_TAIL = 64
_NPAD = 10240
_BLK = 40
_TILE_N = _NPAD // _NS


def _matmul_bias(x, w, b_row):
    def body(x_ref, w_ref, b_ref, o_ref):
        o_ref[...] = lax.dot_general(
            x_ref[...], w_ref[...],
            dimension_numbers=(((1,), (1,)), ((), ())),
            preferred_element_type=jnp.float32,
        ) + b_ref[...]

    return pl.pallas_call(
        body,
        out_shape=jax.ShapeDtypeStruct((_N, _D), jnp.float32),
    )(x, w, b_row)


def _sc_segment_sum(h, adj3d, tail3d, zrows):
    mesh = plsc.VectorSubcoreMesh(core_axis_name="c", subcore_axis_name="s")

    @functools.partial(
        pl.kernel,
        mesh=mesh,
        out_type=jax.ShapeDtypeStruct((_NC * _NPAD, _D), jnp.float32),
        scratch_types=[
            pltpu.VMEM((_BLK * _CHUNK,), jnp.int32),
            pltpu.VMEM((_BLK * _CHUNK,), jnp.int32),
            pltpu.VMEM((_CHUNK, _D), jnp.float32),
            pltpu.VMEM((_CHUNK, _D), jnp.float32),
            pltpu.VMEM_SHARED((_NPAD, _D), jnp.float32),
            pltpu.SemaphoreType.DMA,
            pltpu.SemaphoreType.DMA,
            pltpu.SemaphoreType.DMA,
        ],
    )
    def k(h_hbm, a_hbm, t_hbm, z_hbm, out_hbm, s_v, r_v, rows0, rows1, acc,
          sem0, sem1, semz):
        c = lax.axis_index("c")
        sid = lax.axis_index("s")
        wid = sid * _NC + c

        pltpu.async_copy(z_hbm, acc.at[pl.ds(sid * _TILE_N, _TILE_N)], semz)

        rows = (rows0, rows1)
        sems = (sem0, sem1)
        last = wid == _NW - 1

        def stage(g):
            @pl.when(jnp.logical_not(last))
            def _():
                blk = pl.multiple_of((wid * _RPW + g * _BLK) * _CHUNK, 8)
                pltpu.sync_copy(a_hbm.at[0, pl.ds(blk, _BLK * _CHUNK)], s_v)
                pltpu.sync_copy(a_hbm.at[1, pl.ds(blk, _BLK * _CHUNK)], r_v)

            @pl.when(last & (g == 0))
            def _():
                m16 = (_MAIN - 16) * _CHUNK
                pltpu.sync_copy(a_hbm.at[0, pl.ds(m16, 16 * _CHUNK)],
                                s_v.at[pl.ds(0, 16 * _CHUNK)])
                pltpu.sync_copy(a_hbm.at[1, pl.ds(m16, 16 * _CHUNK)],
                                r_v.at[pl.ds(0, 16 * _CHUNK)])
                pltpu.sync_copy(t_hbm.at[0, pl.ds(0, 24 * _CHUNK)],
                                s_v.at[pl.ds(16 * _CHUNK, 24 * _CHUNK)])
                pltpu.sync_copy(t_hbm.at[1, pl.ds(0, 24 * _CHUNK)],
                                r_v.at[pl.ds(16 * _CHUNK, 24 * _CHUNK)])

            @pl.when(last & (g == 1))
            def _():
                pltpu.sync_copy(t_hbm.at[0, pl.ds(24 * _CHUNK, 40 * _CHUNK)],
                                s_v)
                pltpu.sync_copy(t_hbm.at[1, pl.ds(24 * _CHUNK, 40 * _CHUNK)],
                                r_v)

        def issue_head_gathers():
            pltpu.async_copy(h_hbm.at[s_v.at[pl.ds(0, _CHUNK)]], rows0, sem0)
            pltpu.async_copy(h_hbm.at[s_v.at[pl.ds(_CHUNK, _CHUNK)]], rows1,
                             sem1)

        stage(0)
        issue_head_gathers()
        pltpu.make_async_copy(
            z_hbm, acc.at[pl.ds(sid * _TILE_N, _TILE_N)], semz).wait()
        plsc.subcore_barrier()

        def block(g, carry):
            @pl.when(g > 0)
            def _():
                stage(g)
                issue_head_gathers()

            for j in range(_BLK):
                b = j % 2
                pltpu.make_async_copy(
                    h_hbm.at[s_v.at[pl.ds(j * _CHUNK, _CHUNK)]], rows[b],
                    sems[b]).wait()
                pltpu.sync_copy(
                    rows[b], acc.at[r_v.at[pl.ds(j * _CHUNK, _CHUNK)]],
                    add=True)
                if j + 2 < _BLK:
                    pltpu.async_copy(
                        h_hbm.at[s_v.at[pl.ds((j + 2) * _CHUNK, _CHUNK)]],
                        rows[b], sems[b])
            return carry

        lax.fori_loop(0, _RPW // _BLK, block, 0)

        plsc.subcore_barrier()

        pltpu.sync_copy(
            acc.at[pl.ds(sid * _TILE_N, _TILE_N)],
            out_hbm.at[pl.ds(c * _NPAD + sid * _TILE_N, _TILE_N)],
        )

    return k(h, adj3d, tail3d, zrows)


def _combine_silu(parts):
    def body(p_ref, o_ref):
        t = p_ref[0, pl.ds(0, _N)] + p_ref[1, pl.ds(0, _N)]
        o_ref[...] = t * (1.0 / (1.0 + jnp.exp(-t)))

    return pl.pallas_call(
        body,
        out_shape=jax.ShapeDtypeStruct((_N, _D), jnp.float32),
    )(parts)


_NPAD_E = _TAIL * _CHUNK - 4 * _CHUNK
_PAD_S = np.arange(_NPAD_E, dtype=np.int32) % _N
_PAD_R = (_N + np.arange(_NPAD_E, dtype=np.int32) % (_NPAD - _N)).astype(
    np.int32)


def kernel(x, adj, Wq_w, Wq_b, a_w, a_b, lin_w, lin_b):
    tail_real = lax.slice(adj, (0, _MAIN * _CHUNK), (2, _E))
    tail2d = jnp.concatenate(
        [tail_real,
         jnp.stack([jnp.asarray(_PAD_S), jnp.asarray(_PAD_R)])], axis=1)
    h = _matmul_bias(x, lin_w, lin_b.reshape(1, _D))
    zrows = jnp.asarray(np.zeros((_TILE_N, _D), np.float32))
    parts = _sc_segment_sum(h, adj, tail2d, zrows)
    return _combine_silu(parts.reshape(_NC, _NPAD, _D))

# --- scband reference (transcript-rebuilt; emitter-appended) ---
"""Pipeline reference for scband-gatconvolution-44633300140786 (READ-ONLY COPY).

The authoritative reference and input builder live on the scoring server;
editing this copy changes nothing except your own understanding.
"""

import jax, jax.numpy as jnp
import numpy as np

N_NODES = 10000
N_EDGES = 320000
D_FEAT = 128
D_OUT = 128
NUM_HEADS = 3
QUERY_DIM = 8

def setup_inputs(seed: int = 0) -> dict:
    key = jax.random.key(seed)
    ks = jax.random.split(key, 8)
    x = jax.random.normal(ks[0], (N_NODES, D_FEAT), dtype=jnp.float32)
    adj = jax.random.randint(ks[1], (2, N_EDGES), 0, N_NODES, dtype=jnp.int64 if jax.config.read('jax_enable_x64') else jnp.int32).astype(jnp.int32)
    qd = QUERY_DIM * NUM_HEADS
    # query_fn / W linear: in_features -> query_dim*num_heads
    Wq_w = jax.random.normal(ks[2], (qd, D_FEAT), dtype=jnp.float32) / np.sqrt(D_FEAT)
    Wq_b = jax.random.normal(ks[3], (qd,), dtype=jnp.float32) * 0.01
    # a linear: 2*query_dim*num_heads -> num_heads
    a_w = jax.random.normal(ks[4], (NUM_HEADS, 2 * qd), dtype=jnp.float32) / np.sqrt(2 * qd)
    a_b = jax.random.normal(ks[5], (NUM_HEADS,), dtype=jnp.float32) * 0.01
    # output linear: in_features -> out_features
    lin_w = jax.random.normal(ks[6], (D_OUT, D_FEAT), dtype=jnp.float32) / np.sqrt(D_FEAT)
    lin_b = jax.random.normal(ks[7], (D_OUT,), dtype=jnp.float32) * 0.01
    return {"x": x, "adj": adj, "Wq_w": Wq_w, "Wq_b": Wq_b, "a_w": a_w, "a_b": a_b, "lin_w": lin_w, "lin_b": lin_b}

def reference(x, adj, Wq_w, Wq_b, a_w, a_b, lin_w, lin_b):
    n = x.shape[0]
    s, r = adj[0], adj[1]
    # attention logits (computed as in original forward; alpha is produced but
    # not applied to the aggregation, matching the source module)
    attr = x @ Wq_w.T + Wq_b
    sender_attr = attr[s]
    receiver_attr = attr[r]
    e = jnp.concatenate((sender_attr, receiver_attr), axis=1)
    alpha = e @ a_w.T + a_b
    # message passing: linear transform, gather by sender, scatter-add to receiver
    h = x @ lin_w.T + lin_b
    # dropout with p=0.0 is identity
    h = jax.ops.segment_sum(h[s], r, num_segments=n)
    h = jax.nn.silu(h)
    return h

if __name__ == "__main__":
    import jax
    _d = setup_inputs()
    print(jax.jit(kernel)(*tuple(_d.values())))

</pallas_src>

<mosaic_0001>
#map = affine_map<(d0, d1) -> (0, 0)>
module attributes {stable_mosaic.version = 14 : i64} {
  func.func @k(%arg0: i32, %arg1: i32, %arg2: memref<10000x128xf32, #tpu.memory_space<hbm>>, %arg3: memref<2x320000xi32, #tpu.memory_space<hbm>>, %arg4: memref<2x8192xi32, #tpu.memory_space<hbm>>, %arg5: memref<640x128xf32, #tpu.memory_space<hbm>>, %arg6: memref<20480x128xf32, #tpu.memory_space<hbm>>, %arg7: memref<5120xi32, #tpu.memory_space<vmem>>, %arg8: memref<5120xi32, #tpu.memory_space<vmem>>, %arg9: memref<128x128xf32, #tpu.memory_space<vmem>>, %arg10: memref<128x128xf32, #tpu.memory_space<vmem>>, %arg11: memref<10240x128xf32, #tpu.memory_space<vmem_shared>>, %arg12: memref<!tpu.dma_semaphore, #tpu.memory_space<semaphore_mem>>, %arg13: memref<!tpu.dma_semaphore, #tpu.memory_space<semaphore_mem>>, %arg14: memref<!tpu.dma_semaphore, #tpu.memory_space<semaphore_mem>>) attributes {dimension_semantics = [#tpu.dimension_semantics<core_parallel>, #tpu.dimension_semantics<subcore_parallel>], iteration_bounds = array<i64: 2, 16>, scalar_prefetch = 0 : i64, scratch_operands = 8 : i64, tpu.core_type = #tpu.core_type<sc_vector_subcore>, window_params = [{transform_indices = #map}, {transform_indices = #map}, {transform_indices = #map}, {transform_indices = #map}, {transform_indices = #map}]} {
    %mul3A = arith.constant 2 : i32
    %mul3A_0 = arith.muli %arg1, %mul3A : i32
    %add3A = arith.addi %mul3A_0, %arg0 : i32
    %mul3A_1 = arith.constant 640 : i32
    %mul3A_2 = arith.muli %arg1, %mul3A_1 : i32
    %dma_start3A = arith.constant 0 : i32
    %dma_start3A_3 = tpu.memref_slice %arg11[%mul3A_2, %dma_start3A] : memref<10240x128xf32, #tpu.memory_space<vmem_shared>> -> memref<640x128xf32, #tpu.memory_space<vmem_shared>>
    tpu.enqueue_dma source(%arg5 : memref<640x128xf32, #tpu.memory_space<hbm>>) target(%dma_start3A_3 : memref<640x128xf32, #tpu.memory_space<vmem_shared>>) target_semaphore(%arg14 : memref<!tpu.dma_semaphore, #tpu.memory_space<semaphore_mem>>)
    %eq3A = arith.constant 31 : i32
    %eq3A_4 = arith.cmpi eq, %add3A, %eq3A : i32
    %not3A = arith.constant true
    %not3A_5 = arith.xori %eq3A_4, %not3A : i1
    %convert_element_type3A = arith.extui %not3A_5 : i1 to i32
    %cond3A = arith.constant 0 : i32
    %cond3A_6 = arith.cmpi ne, %convert_element_type3A, %cond3A : i32
    scf.if %cond3A_6 {
      %mul3A_42 = arith.constant 80 : i32
      %mul3A_43 = arith.muli %add3A, %mul3A_42 : i32
      %add3A_44 = arith.constant 0 : i32
      %add3A_45 = arith.addi %mul3A_43, %add3A_44 : i32
      %mul3A_46 = arith.constant 128 : i32
      %mul3A_47 = arith.muli %add3A_45, %mul3A_46 : i32
      %multiple_of3A = tpu.assume_multiple %mul3A_47, 8 : i32
      %run_scoped3A = arith.constant 0 : i32
      "tpu.region"() ({
        %run_scoped3A_49 = tpu.sem_alloc : memref<!tpu.dma_semaphore, #tpu.memory_space<semaphore_mem>>
        %dma_start3A_50 = tpu.memref_slice %arg3[%run_scoped3A, %multiple_of3A] : memref<2x320000xi32, #tpu.memory_space<hbm>> -> memref<1x5120xi32, #tpu.memory_space<hbm>>
        %dma_start3A_51 = tpu.memref_squeeze %dma_start3A_50 : memref<1x5120xi32, #tpu.memory_space<hbm>> -> memref<5120xi32, #tpu.memory_space<hbm>>
        %dma_start3A_52 = tpu.memref_slice %arg3[%run_scoped3A, %multiple_of3A] : memref<2x320000xi32, #tpu.memory_space<hbm>> -> memref<1x5120xi32, #tpu.memory_space<hbm>>
        %dma_start3A_53 = tpu.memref_squeeze %dma_start3A_52 : memref<1x5120xi32, #tpu.memory_space<hbm>> -> memref<5120xi32, #tpu.memory_space<hbm>>
        tpu.enqueue_dma source(%dma_start3A_53 : memref<5120xi32, #tpu.memory_space<hbm>>) target(%arg7 : memref<5120xi32, #tpu.memory_space<vmem>>) target_semaphore(%run_scoped3A_49 : memref<!tpu.dma_semaphore, #tpu.memory_space<semaphore_mem>>)
        %dma_wait3A_54 = tpu.memref_slice %arg3[%run_scoped3A, %multiple_of3A] : memref<2x320000xi32, #tpu.memory_space<hbm>> -> memref<1x5120xi32, #tpu.memory_space<hbm>>
        %dma_wait3A_55 = tpu.memref_squeeze %dma_wait3A_54 : memref<1x5120xi32, #tpu.memory_space<hbm>> -> memref<5120xi32, #tpu.memory_space<hbm>>
        %dma_wait3A_56 = tpu.memref_slice %arg3[%run_scoped3A, %multiple_of3A] : memref<2x320000xi32, #tpu.memory_space<hbm>> -> memref<1x5120xi32, #tpu.memory_space<hbm>>
        %dma_wait3A_57 = tpu.memref_squeeze %dma_wait3A_56 : memref<1x5120xi32, #tpu.memory_space<hbm>> -> memref<5120xi32, #tpu.memory_space<hbm>>
        tpu.wait_dma2 semaphore(%run_scoped3A_49 : memref<!tpu.dma_semaphore, #tpu.memory_space<semaphore_mem>>) src(%dma_wait3A_57 : memref<5120xi32, #tpu.memory_space<hbm>>) dst(%arg7 : memref<5120xi32, #tpu.memory_space<vmem>>)
        tpu.yield
      }) : () -> ()
      %run_scoped3A_48 = arith.constant 1 : i32
      "tpu.region"() ({
        %run_scoped3A_49 = tpu.sem_alloc : memref<!tpu.dma_semaphore, #tpu.memory_space<semaphore_mem>>
        %dma_start3A_50 = tpu.memref_slice %arg3[%run_scoped3A_48, %multiple_of3A] : memref<2x320000xi32, #tpu.memory_space<hbm>> -> memref<1x5120xi32, #tpu.memory_space<hbm>>
        %dma_start3A_51 = tpu.memref_squeeze %dma_start3A_50 : memref<1x5120xi32, #tpu.memory_space<hbm>> -> memref<5120xi32, #tpu.memory_space<hbm>>
        %dma_start3A_52 = tpu.memref_slice %arg3[%run_scoped3A_48, %multiple_of3A] : memref<2x320000xi32, #tpu.memory_space<hbm>> -> memref<1x5120xi32, #tpu.memory_space<hbm>>
        %dma_start3A_53 = tpu.memref_squeeze %dma_start3A_52 : memref<1x5120xi32, #tpu.memory_space<hbm>> -> memref<5120xi32, #tpu.memory_space<hbm>>
        tpu.enqueue_dma source(%dma_start3A_53 : memref<5120xi32, #tpu.memory_space<hbm>>) target(%arg8 : memref<5120xi32, #tpu.memory_space<vmem>>) target_semaphore(%run_scoped3A_49 : memref<!tpu.dma_semaphore, #tpu.memory_space<semaphore_mem>>)
        %dma_wait3A_54 = tpu.memref_slice %arg3[%run_scoped3A_48, %multiple_of3A] : memref<2x320000xi32, #tpu.memory_space<hbm>> -> memref<1x5120xi32, #tpu.memory_space<hbm>>
        %dma_wait3A_55 = tpu.memref_squeeze %dma_wait3A_54 : memref<1x5120xi32, #tpu.memory_space<hbm>> -> memref<5120xi32, #tpu.memory_space<hbm>>
        %dma_wait3A_56 = tpu.memref_slice %arg3[%run_scoped3A_48, %multiple_of3A] : memref<2x320000xi32, #tpu.memory_space<hbm>> -> memref<1x5120xi32, #tpu.memory_space<hbm>>
        %dma_wait3A_57 = tpu.memref_squeeze %dma_wait3A_56 : memref<1x5120xi32, #tpu.memory_space<hbm>> -> memref<5120xi32, #tpu.memory_space<hbm>>
        tpu.wait_dma2 semaphore(%run_scoped3A_49 : memref<!tpu.dma_semaphore, #tpu.memory_space<semaphore_mem>>) src(%dma_wait3A_57 : memref<5120xi32, #tpu.memory_space<hbm>>) dst(%arg8 : memref<5120xi32, #tpu.memory_space<vmem>>)
        tpu.yield
      }) : () -> ()
    } else {
    }
    %and3A = arith.constant true
    %and3A_7 = arith.andi %eq3A_4, %and3A : i1
    %convert_element_type3A_8 = arith.extui %and3A_7 : i1 to i32
    %cond3A_9 = arith.constant 0 : i32
    %cond3A_10 = arith.cmpi ne, %convert_element_type3A_8, %cond3A_9 : i32
    scf.if %cond3A_10 {
      %run_scoped3A = arith.constant 0 : i32
      "tpu.region"() ({
        %run_scoped3A_45 = tpu.sem_alloc : memref<!tpu.dma_semaphore, #tpu.memory_space<semaphore_mem>>
        %dma_start3A_46 = arith.constant 0 : i32
        %dma_start3A_47 = tpu.memref_slice %arg7[%dma_start3A_46] : memref<5120xi32, #tpu.memory_space<vmem>> -> memref<2048xi32, #tpu.memory_space<vmem>>
        %dma_start3A_48 = arith.constant 317440 : i32
        %dma_start3A_49 = tpu.memref_slice %arg3[%run_scoped3A, %dma_start3A_48] : memref<2x320000xi32, #tpu.memory_space<hbm>> -> memref<1x2048xi32, #tpu.memory_space<hbm>>
        %dma_start3A_50 = tpu.memref_squeeze %dma_start3A_49 : memref<1x2048xi32, #tpu.memory_space<hbm>> -> memref<2048xi32, #tpu.memory_space<hbm>>
        %dma_start3A_51 = arith.constant 0 : i32
        %dma_start3A_52 = tpu.memref_slice %arg7[%dma_start3A_51] : memref<5120xi32, #tpu.memory_space<vmem>> -> memref<2048xi32, #tpu.memory_space<vmem>>
        %dma_start3A_53 = arith.constant 317440 : i32
        %dma_start3A_54 = tpu.memref_slice %arg3[%run_scoped3A, %dma_start3A_53] : memref<2x320000xi32, #tpu.memory_space<hbm>> -> memref<1x2048xi32, #tpu.memory_space<hbm>>
        %dma_start3A_55 = tpu.memref_squeeze %dma_start3A_54 : memref<1x2048xi32, #tpu.memory_space<hbm>> -> memref<2048xi32, #tpu.memory_space<hbm>>
        tpu.enqueue_dma source(%dma_start3A_55 : memref<2048xi32, #tpu.memory_space<hbm>>) target(%dma_start3A_52 : memref<2048xi32, #tpu.memory_space<vmem>>) target_semaphore(%run_scoped3A_45 : memref<!tpu.dma_semaphore, #tpu.memory_space<semaphore_mem>>)
        %dma_wait3A_56 = arith.constant 0 : i32
        %dma_wait3A_57 = tpu.memref_slice %arg7[%dma_wait3A_56] : memref<5120xi32, #tpu.memory_space<vmem>> -> memref<2048xi32, #tpu.memory_space<vmem>>
        %dma_wait3A_58 = arith.constant 317440 : i32
        %dma_wait3A_59 = tpu.memref_slice %arg3[%run_scoped3A, %dma_wait3A_58] : memref<2x320000xi32, #tpu.memory_space<hbm>> -> memref<1x2048xi32, #tpu.memory_space<hbm>>
        %dma_wait3A_60 = tpu.memref_squeeze %dma_wait3A_59 : memref<1x2048xi32, #tpu.memory_space<hbm>> -> memref<2048xi32, #tpu.memory_space<hbm>>
        %dma_wait3A_61 = arith.constant 0 : i32
        %dma_wait3A_62 = tpu.memref_slice %arg7[%dma_wait3A_61] : memref<5120xi32, #tpu.memory_space<vmem>> -> memref<2048xi32, #tpu.memory_space<vmem>>
        %dma_wait3A_63 = arith.constant 317440 : i32
        %dma_wait3A_64 = tpu.memref_slice %arg3[%run_scoped3A, %dma_wait3A_63] : memref<2x320000xi32, #tpu.memory_space<hbm>> -> memref<1x2048xi32, #tpu.memory_space<hbm>>
        %dma_wait3A_65 = tpu.memref_squeeze %dma_wait3A_64 : memref<1x2048xi32, #tpu.memory_space<hbm>> -> memref<2048xi32, #tpu.memory_space<hbm>>
        tpu.wait_dma2 semaphore(%run_scoped3A_45 : memref<!tpu.dma_semaphore, #tpu.memory_space<semaphore_mem>>) src(%dma_wait3A_65 : memref<2048xi32, #tpu.memory_space<hbm>>) dst(%dma_wait3A_62 : memref<2048xi32, #tpu.memory_space<vmem>>)
        tpu.yield
      }) : () -> ()
      %run_scoped3A_42 = arith.constant 1 : i32
      "tpu.region"() ({
        %run_scoped3A_45 = tpu.sem_alloc : memref<!tpu.dma_semaphore, #tpu.memory_space<semaphore_mem>>
        %dma_start3A_46 = arith.constant 0 : i32
        %dma_start3A_47 = tpu.memref_slice %arg8[%dma_start3A_46] : memref<5120xi32, #tpu.memory_space<vmem>> -> memref<2048xi32, #tpu.memory_space<vmem>>
        %dma_start3A_48 = arith.constant 317440 : i32
        %dma_start3A_49 = tpu.memref_slice %arg3[%run_scoped3A_42, %dma_start3A_48] : memref<2x320000xi32, #tpu.memory_space<hbm>> -> memref<1x2048xi32, #tpu.memory_space<hbm>>
        %dma_start3A_50 = tpu.memref_squeeze %dma_start3A_49 : memref<1x2048xi32, #tpu.memory_space<hbm>> -> memref<2048xi32, #tpu.memory_space<hbm>>
        %dma_start3A_51 = arith.constant 0 : i32
        %dma_start3A_52 = tpu.memref_slice %arg8[%dma_start3A_51] : memref<5120xi32, #tpu.memory_space<vmem>> -> memref<2048xi32, #tpu.memory_space<vmem>>
        %dma_start3A_53 = arith.constant 317440 : i32
        %dma_start3A_54 = tpu.memref_slice %arg3[%run_scoped3A_42, %dma_start3A_53] : memref<2x320000xi32, #tpu.memory_space<hbm>> -> memref<1x2048xi32, #tpu.memory_space<hbm>>
        %dma_start3A_55 = tpu.memref_squeeze %dma_start3A_54 : memref<1x2048xi32, #tpu.memory_space<hbm>> -> memref<2048xi32, #tpu.memory_space<hbm>>
        tpu.enqueue_dma source(%dma_start3A_55 : memref<2048xi32, #tpu.memory_space<hbm>>) target(%dma_start3A_52 : memref<2048xi32, #tpu.memory_space<vmem>>) target_semaphore(%run_scoped3A_45 : memref<!tpu.dma_semaphore, #tpu.memory_space<semaphore_mem>>)
        %dma_wait3A_56 = arith.constant 0 : i32
        %dma_wait3A_57 = tpu.memref_slice %arg8[%dma_wait3A_56] : memref<5120xi32, #tpu.memory_space<vmem>> -> memref<2048xi32, #tpu.memory_space<vmem>>
        %dma_wait3A_58 = arith.constant 317440 : i32
        %dma_wait3A_59 = tpu.memref_slice %arg3[%run_scoped3A_42, %dma_wait3A_58] : memref<2x320000xi32, #tpu.memory_space<hbm>> -> memref<1x2048xi32, #tpu.memory_space<hbm>>
        %dma_wait3A_60 = tpu.memref_squeeze %dma_wait3A_59 : memref<1x2048xi32, #tpu.memory_space<hbm>> -> memref<2048xi32, #tpu.memory_space<hbm>>
        %dma_wait3A_61 = arith.constant 0 : i32
        %dma_wait3A_62 = tpu.memref_slice %arg8[%dma_wait3A_61] : memref<5120xi32, #tpu.memory_space<vmem>> -> memref<2048xi32, #tpu.memory_space<vmem>>
        %dma_wait3A_63 = arith.constant 317440 : i32
        %dma_wait3A_64 = tpu.memref_slice %arg3[%run_scoped3A_42, %dma_wait3A_63] : memref<2x320000xi32, #tpu.memory_space<hbm>> -> memref<1x2048xi32, #tpu.memory_space<hbm>>
        %dma_wait3A_65 = tpu.memref_squeeze %dma_wait3A_64 : memref<1x2048xi32, #tpu.memory_space<hbm>> -> memref<2048xi32, #tpu.memory_space<hbm>>
        tpu.wait_dma2 semaphore(%run_scoped3A_45 : memref<!tpu.dma_semaphore, #tpu.memory_space<semaphore_mem>>) src(%dma_wait3A_65 : memref<2048xi32, #tpu.memory_space<hbm>>) dst(%dma_wait3A_62 : memref<2048xi32, #tpu.memory_space<vmem>>)
        tpu.yield
      }) : () -> ()
      %run_scoped3A_43 = arith.constant 0 : i32
      "tpu.region"() ({
        %run_scoped3A_45 = tpu.sem_alloc : memref<!tpu.dma_semaphore, #tpu.memory_space<semaphore_mem>>
        %dma_start3A_46 = arith.constant 2048 : i32
        %dma_start3A_47 = tpu.memref_slice %arg7[%dma_start3A_46] : memref<5120xi32, #tpu.memory_space<vmem>> -> memref<3072xi32, #tpu.memory_space<vmem>>
        %dma_start3A_48 = arith.constant 0 : i32
        %dma_start3A_49 = tpu.memref_slice %arg4[%run_scoped3A_43, %dma_start3A_48] : memref<2x8192xi32, #tpu.memory_space<hbm>> -> memref<1x3072xi32, #tpu.memory_space<hbm>>
        %dma_start3A_50 = tpu.memref_squeeze %dma_start3A_49 : memref<1x3072xi32, #tpu.memory_space<hbm>> -> memref<3072xi32, #tpu.memory_space<hbm>>
        %dma_start3A_51 = arith.constant 2048 : i32
        %dma_start3A_52 = tpu.memref_slice %arg7[%dma_start3A_51] : memref<5120xi32, #tpu.memory_space<vmem>> -> memref<3072xi32, #tpu.memory_space<vmem>>
        %dma_start3A_53 = arith.constant 0 : i32
        %dma_start3A_54 = tpu.memref_slice %arg4[%run_scoped3A_43, %dma_start3A_53] : memref<2x8192xi32, #tpu.memory_space<hbm>> -> memref<1x3072xi32, #tpu.memory_space<hbm>>
        %dma_start3A_55 = tpu.memref_squeeze %dma_start3A_54 : memref<1x3072xi32, #tpu.memory_space<hbm>> -> memref<3072xi32, #tpu.memory_space<hbm>>
        tpu.enqueue_dma source(%dma_start3A_55 : memref<3072xi32, #tpu.memory_space<hbm>>) target(%dma_start3A_52 : memref<3072xi32, #tpu.memory_space<vmem>>) target_semaphore(%run_scoped3A_45 : memref<!tpu.dma_semaphore, #tpu.memory_space<semaphore_mem>>)
        %dma_wait3A_56 = arith.constant 2048 : i32
        %dma_wait3A_57 = tpu.memref_slice %arg7[%dma_wait3A_56] : memref<5120xi32, #tpu.memory_space<vmem>> -> memref<3072xi32, #tpu.memory_space<vmem>>
        %dma_wait3A_58 = arith.constant 0 : i32
        %dma_wait3A_59 = tpu.memref_slice %arg4[%run_scoped3A_43, %dma_wait3A_58] : memref<2x8192xi32, #tpu.memory_space<hbm>> -> memref<1x3072xi32, #tpu.memory_space<hbm>>
        %dma_wait3A_60 = tpu.memref_squeeze %dma_wait3A_59 : memref<1x3072xi32, #tpu.memory_space<hbm>> -> memref<3072xi32, #tpu.memory_space<hbm>>
        %dma_wait3A_61 = arith.constant 2048 : i32
        %dma_wait3A_62 = tpu.memref_slice %arg7[%dma_wait3A_61] : memref<5120xi32, #tpu.memory_space<vmem>> -> memref<3072xi32, #tpu.memory_space<vmem>>
        %dma_wait3A_63 = arith.constant 0 : i32
        %dma_wait3A_64 = tpu.memref_slice %arg4[%run_scoped3A_43, %dma_wait3A_63] : memref<2x8192xi32, #tpu.memory_space<hbm>> -> memref<1x3072xi32, #tpu.memory_space<hbm>>
        %dma_wait3A_65 = tpu.memref_squeeze %dma_wait3A_64 : memref<1x3072xi32, #tpu.memory_space<hbm>> -> memref<3072xi32, #tpu.memory_space<hbm>>
        tpu.wait_dma2 semaphore(%run_scoped3A_45 : memref<!tpu.dma_semaphore, #tpu.memory_space<semaphore_mem>>) src(%dma_wait3A_65 : memref<3072xi32, #tpu.memory_space<hbm>>) dst(%dma_wait3A_62 : memref<3072xi32, #tpu.memory_space<vmem>>)
        tpu.yield
      }) : () -> ()
      %run_scoped3A_44 = arith.constant 1 : i32
      "tpu.region"() ({
        %run_scoped3A_45 = tpu.sem_alloc : memref<!tpu.dma_semaphore, #tpu.memory_space<semaphore_mem>>
        %dma_start3A_46 = arith.constant 2048 : i32
        %dma_start3A_47 = tpu.memref_slice %arg8[%dma_start3A_46] : memref<5120xi32, #tpu.memory_space<vmem>> -> memref<3072xi32, #tpu.memory_space<vmem>>
        %dma_start3A_48 = arith.constant 0 : i32
        %dma_start3A_49 = tpu.memref_slice %arg4[%run_scoped3A_44, %dma_start3A_48] : memref<2x8192xi32, #tpu.memory_space<hbm>> -> memref<1x3072xi32, #tpu.memory_space<hbm>>
        %dma_start3A_50 = tpu.memref_squeeze %dma_start3A_49 : memref<1x3072xi32, #tpu.memory_space<hbm>> -> memref<3072xi32, #tpu.memory_space<hbm>>
        %dma_start3A_51 = arith.constant 2048 : i32
        %dma_start3A_52 = tpu.memref_slice %arg8[%dma_start3A_51] : memref<5120xi32, #tpu.memory_space<vmem>> -> memref<3072xi32, #tpu.memory_space<vmem>>
        %dma_start3A_53 = arith.constant 0 : i32
        %dma_start3A_54 = tpu.memref_slice %arg4[%run_scoped3A_44, %dma_start3A_53] : memref<2x8192xi32, #tpu.memory_space<hbm>> -> memref<1x3072xi32, #tpu.memory_space<hbm>>
        %dma_start3A_55 = tpu.memref_squeeze %dma_start3A_54 : memref<1x3072xi32, #tpu.memory_space<hbm>> -> memref<3072xi32, #tpu.memory_space<hbm>>
        tpu.enqueue_dma source(%dma_start3A_55 : memref<3072xi32, #tpu.memory_space<hbm>>) target(%dma_start3A_52 : memref<3072xi32, #tpu.memory_space<vmem>>) target_semaphore(%run_scoped3A_45 : memref<!tpu.dma_semaphore, #tpu.memory_space<semaphore_mem>>)
        %dma_wait3A_56 = arith.constant 2048 : i32
        %dma_wait3A_57 = tpu.memref_slice %arg8[%dma_wait3A_56] : memref<5120xi32, #tpu.memory_space<vmem>> -> memref<3072xi32, #tpu.memory_space<vmem>>
        %dma_wait3A_58 = arith.constant 0 : i32
        %dma_wait3A_59 = tpu.memref_slice %arg4[%run_scoped3A_44, %dma_wait3A_58] : memref<2x8192xi32, #tpu.memory_space<hbm>> -> memref<1x3072xi32, #tpu.memory_space<hbm>>
        %dma_wait3A_60 = tpu.memref_squeeze %dma_wait3A_59 : memref<1x3072xi32, #tpu.memory_space<hbm>> -> memref<3072xi32, #tpu.memory_space<hbm>>
        %dma_wait3A_61 = arith.constant 2048 : i32
        %dma_wait3A_62 = tpu.memref_slice %arg8[%dma_wait3A_61] : memref<5120xi32, #tpu.memory_space<vmem>> -> memref<3072xi32, #tpu.memory_space<vmem>>
        %dma_wait3A_63 = arith.constant 0 : i32
        %dma_wait3A_64 = tpu.memref_slice %arg4[%run_scoped3A_44, %dma_wait3A_63] : memref<2x8192xi32, #tpu.memory_space<hbm>> -> memref<1x3072xi32, #tpu.memory_space<hbm>>
        %dma_wait3A_65 = tpu.memref_squeeze %dma_wait3A_64 : memref<1x3072xi32, #tpu.memory_space<hbm>> -> memref<3072xi32, #tpu.memory_space<hbm>>
        tpu.wait_dma2 semaphore(%run_scoped3A_45 : memref<!tpu.dma_semaphore, #tpu.memory_space<semaphore_mem>>) src(%dma_wait3A_65 : memref<3072xi32, #tpu.memory_space<hbm>>) dst(%dma_wait3A_62 : memref<3072xi32, #tpu.memory_space<vmem>>)
        tpu.yield
      }) : () -> ()
    } else {
    }
    %and3A_11 = arith.constant false
    %and3A_12 = arith.andi %eq3A_4, %and3A_11 : i1
    %convert_element_type3A_13 = arith.extui %and3A_12 : i1 to i32
    %cond3A_14 = arith.constant 0 : i32
    %cond3A_15 = arith.cmpi ne, %convert_element_type3A_13, %cond3A_14 : i32
    scf.if %cond3A_15 {
      %run_scoped3A = arith.constant 0 : i32
      "tpu.region"() ({
        %run_scoped3A_43 = tpu.sem_alloc : memref<!tpu.dma_semaphore, #tpu.memory_space<semaphore_mem>>
        %dma_start3A_44 = arith.constant 3072 : i32
        %dma_start3A_45 = tpu.memref_slice %arg4[%run_scoped3A, %dma_start3A_44] : memref<2x8192xi32, #tpu.memory_space<hbm>> -> memref<1x5120xi32, #tpu.memory_space<hbm>>
        %dma_start3A_46 = tpu.memref_squeeze %dma_start3A_45 : memref<1x5120xi32, #tpu.memory_space<hbm>> -> memref<5120xi32, #tpu.memory_space<hbm>>
        %dma_start3A_47 = arith.constant 3072 : i32
        %dma_start3A_48 = tpu.memref_slice %arg4[%run_scoped3A, %dma_start3A_47] : memref<2x8192xi32, #tpu.memory_space<hbm>> -> memref<1x5120xi32, #tpu.memory_space<hbm>>
        %dma_start3A_49 = tpu.memref_squeeze %dma_start3A_48 : memref<1x5120xi32, #tpu.memory_space<hbm>> -> memref<5120xi32, #tpu.memory_space<hbm>>
        tpu.enqueue_dma source(%dma_start3A_49 : memref<5120xi32, #tpu.memory_space<hbm>>) target(%arg7 : memref<5120xi32, #tpu.memory_space<vmem>>) target_semaphore(%run_scoped3A_43 : memref<!tpu.dma_semaphore, #tpu.memory_space<semaphore_mem>>)
        %dma_wait3A_50 = arith.constant 3072 : i32
        %dma_wait3A_51 = tpu.memref_slice %arg4[%run_scoped3A, %dma_wait3A_50] : memref<2x8192xi32, #tpu.memory_space<hbm>> -> memref<1x5120xi32, #tpu.memory_space<hbm>>
        %dma_wait3A_52 = tpu.memref_squeeze %dma_wait3A_51 : memref<1x5120xi32, #tpu.memory_space<hbm>> -> memref<5120xi32, #tpu.memory_space<hbm>>
        %dma_wait3A_53 = arith.constant 3072 : i32
        %dma_wait3A_54 = tpu.memref_slice %arg4[%run_scoped3A, %dma_wait3A_53] : memref<2x8192xi32, #tpu.memory_space<hbm>> -> memref<1x5120xi32, #tpu.memory_space<hbm>>
        %dma_wait3A_55 = tpu.memref_squeeze %dma_wait3A_54 : memref<1x5120xi32, #tpu.memory_space<hbm>> -> memref<5120xi32, #tpu.memory_space<hbm>>
        tpu.wait_dma2 semaphore(%run_scoped3A_43 : memref<!tpu.dma_semaphore, #tpu.memory_space<semaphore_mem>>) src(%dma_wait3A_55 : memref<5120xi32, #tpu.memory_space<hbm>>) dst(%arg7 : memref<5120xi32, #tpu.memory_space<vmem>>)
        tpu.yield
      }) : () -> ()
      %run_scoped3A_42 = arith.constant 1 : i32
      "tpu.region"() ({
        %run_scoped3A_43 = tpu.sem_alloc : memref<!tpu.dma_semaphore, #tpu.memory_space<semaphore_mem>>
        %dma_start3A_44 = arith.constant 3072 : i32
        %dma_start3A_45 = tpu.memref_slice %arg4[%run_scoped3A_42, %dma_start3A_44] : memref<2x8192xi32, #tpu.memory_space<hbm>> -> memref<1x5120xi32, #tpu.memory_space<hbm>>
        %dma_start3A_46 = tpu.memref_squeeze %dma_start3A_45 : memref<1x5120xi32, #tpu.memory_space<hbm>> -> memref<5120xi32, #tpu.memory_space<hbm>>
        %dma_start3A_47 = arith.constant 3072 : i32
        %dma_start3A_48 = tpu.memref_slice %arg4[%run_scoped3A_42, %dma_start3A_47] : memref<2x8192xi32, #tpu.memory_space<hbm>> -> memref<1x5120xi32, #tpu.memory_space<hbm>>
        %dma_start3A_49 = tpu.memref_squeeze %dma_start3A_48 : memref<1x5120xi32, #tpu.memory_space<hbm>> -> memref<5120xi32, #tpu.memory_space<hbm>>
        tpu.enqueue_dma source(%dma_start3A_49 : memref<5120xi32, #tpu.memory_space<hbm>>) target(%arg8 : memref<5120xi32, #tpu.memory_space<vmem>>) target_semaphore(%run_scoped3A_43 : memref<!tpu.dma_semaphore, #tpu.memory_space<semaphore_mem>>)
        %dma_wait3A_50 = arith.constant 3072 : i32
        %dma_wait3A_51 = tpu.memref_slice %arg4[%run_scoped3A_42, %dma_wait3A_50] : memref<2x8192xi32, #tpu.memory_space<hbm>> -> memref<1x5120xi32, #tpu.memory_space<hbm>>
        %dma_wait3A_52 = tpu.memref_squeeze %dma_wait3A_51 : memref<1x5120xi32, #tpu.memory_space<hbm>> -> memref<5120xi32, #tpu.memory_space<hbm>>
        %dma_wait3A_53 = arith.constant 3072 : i32
        %dma_wait3A_54 = tpu.memref_slice %arg4[%run_scoped3A_42, %dma_wait3A_53] : memref<2x8192xi32, #tpu.memory_space<hbm>> -> memref<1x5120xi32, #tpu.memory_space<hbm>>
        %dma_wait3A_55 = tpu.memref_squeeze %dma_wait3A_54 : memref<1x5120xi32, #tpu.memory_space<hbm>> -> memref<5120xi32, #tpu.memory_space<hbm>>
        tpu.wait_dma2 semaphore(%run_scoped3A_43 : memref<!tpu.dma_semaphore, #tpu.memory_space<semaphore_mem>>) src(%dma_wait3A_55 : memref<5120xi32, #tpu.memory_space<hbm>>) dst(%arg8 : memref<5120xi32, #tpu.memory_space<vmem>>)
        tpu.yield
      }) : () -> ()
    } else {
    }
    %dma_start3A_16 = arith.constant 0 : i32
    %dma_start3A_17 = tpu.memref_slice %arg7[%dma_start3A_16] : memref<5120xi32, #tpu.memory_space<vmem>> -> memref<128xi32, #tpu.memory_space<vmem>>
    %dma_start3A_18 = arith.constant 0 : i32
    %dma_start3A_19 = arith.constant 0 : i32
    %dma_start3A_20 = tpu.memref_slice %arg2[%dma_start3A_18, %dma_start3A_19] : memref<10000x128xf32, #tpu.memory_space<hbm>> -> memref<10000x128xf32, #tpu.memory_space<hbm>>
    tpu.enqueue_indirect_dma source(%dma_start3A_20 : memref<10000x128xf32, #tpu.memory_space<hbm>>) target(%arg9 : memref<128x128xf32, #tpu.memory_space<vmem>>) offsets(%dma_start3A_17 : memref<128xi32, #tpu.memory_space<vmem>>) semaphore(%arg12 : memref<!tpu.dma_semaphore, #tpu.memory_space<semaphore_mem>>)
    %dma_start3A_21 = arith.constant 128 : i32
    %dma_start3A_22 = tpu.memref_slice %arg7[%dma_start3A_21] : memref<5120xi32, #tpu.memory_space<vmem>> -> memref<128xi32, #tpu.memory_space<vmem>>
    %dma_start3A_23 = arith.constant 0 : i32
    %dma_start3A_24 = arith.constant 0 : i32
    %dma_start3A_25 = tpu.memref_slice %arg2[%dma_start3A_23, %dma_start3A_24] : memref<10000x128xf32, #tpu.memory_space<hbm>> -> memref<10000x128xf32, #tpu.memory_space<hbm>>
    tpu.enqueue_indirect_dma source(%dma_start3A_25 : memref<10000x128xf32, #tpu.memory_space<hbm>>) target(%arg10 : memref<128x128xf32, #tpu.memory_space<vmem>>) offsets(%dma_start3A_22 : memref<128xi32, #tpu.memory_space<vmem>>) semaphore(%arg13 : memref<!tpu.dma_semaphore, #tpu.memory_space<semaphore_mem>>)
    %mul3A_26 = arith.constant 640 : i32
    %mul3A_27 = arith.muli %arg1, %mul3A_26 : i32
    %dma_wait3A = arith.constant 0 : i32
    %dma_wait3A_28 = tpu.memref_slice %arg11[%mul3A_27, %dma_wait3A] : memref<10240x128xf32, #tpu.memory_space<vmem_shared>> -> memref<640x128xf32, #tpu.memory_space<vmem_shared>>
    tpu.wait_dma2 semaphore(%arg14 : memref<!tpu.dma_semaphore, #tpu.memory_space<semaphore_mem>>) src(%arg5 : memref<640x128xf32, #tpu.memory_space<hbm>>) dst(%dma_wait3A_28 : memref<640x128xf32, #tpu.memory_space<vmem_shared>>)
    %barrier3A = arith.constant 0 : index
    tpu.barrier barrier_id(%barrier3A)
    %scan3A = arith.constant 0 : i32
    %scan3A_29 = arith.constant 0 : i32
    %scan3A_30 = arith.constant 2 : i32
    %scan3A_31 = arith.addi %scan3A_29, %scan3A_30 : i32
    %scan3A_32 = arith.constant 1 : i32
    scf.for %scan3A_42 = %scan3A_29 to %scan3A_31 step %scan3A_32  : i32 {
      %gt3A = arith.constant 0 : i32
      %gt3A_43 = arith.cmpi sgt, %scan3A_42, %gt3A : i32
      %convert_element_type3A_44 = arith.extui %gt3A_43 : i1 to i32
      %cond3A_45 = arith.constant 0 : i32
      %cond3A_46 = arith.cmpi ne, %convert_element_type3A_44, %cond3A_45 : i32
      scf.if %cond3A_46 {
        %not3A_437 = arith.constant true
        %not3A_438 = arith.xori %eq3A_4, %not3A_437 : i1
        %convert_element_type3A_439 = arith.extui %not3A_438 : i1 to i32
        %cond3A_440 = arith.constant 0 : i32
        %cond3A_441 = arith.cmpi ne, %convert_element_type3A_439, %cond3A_440 : i32
        scf.if %cond3A_441 {
          %mul3A_464 = arith.constant 80 : i32
          %mul3A_465 = arith.muli %add3A, %mul3A_464 : i32
          %mul3A_466 = arith.constant 40 : i32
          %mul3A_467 = arith.muli %scan3A_42, %mul3A_466 : i32
          %add3A_468 = arith.addi %mul3A_465, %mul3A_467 : i32
          %mul3A_469 = arith.constant 128 : i32
          %mul3A_470 = arith.muli %add3A_468, %mul3A_469 : i32
          %multiple_of3A = tpu.assume_multiple %mul3A_470, 8 : i32
          %run_scoped3A = arith.constant 0 : i32
          "tpu.region"() ({
            %run_scoped3A_472 = tpu.sem_alloc : memref<!tpu.dma_semaphore, #tpu.memory_space<semaphore_mem>>
            %dma_start3A_473 = tpu.memref_slice %arg3[%run_scoped3A, %multiple_of3A] : memref<2x320000xi32, #tpu.memory_space<hbm>> -> memref<1x5120xi32, #tpu.memory_space<hbm>>
            %dma_start3A_474 = tpu.memref_squeeze %dma_start3A_473 : memref<1x5120xi32, #tpu.memory_space<hbm>> -> memref<5120xi32, #tpu.memory_space<hbm>>
            %dma_start3A_475 = tpu.memref_slice %arg3[%run_scoped3A, %multiple_of3A] : memref<2x320000xi32, #tpu.memory_space<hbm>> -> memref<1x5120xi32, #tpu.memory_space<hbm>>
            %dma_start3A_476 = tpu.memref_squeeze %dma_start3A_475 : memref<1x5120xi32, #tpu.memory_space<hbm>> -> memref<5120xi32, #tpu.memory_space<hbm>>
            tpu.enqueue_dma source(%dma_start3A_476 : memref<5120xi32, #tpu.memory_space<hbm>>) target(%arg7 : memref<5120xi32, #tpu.memory_space<vmem>>) target_semaphore(%run_scoped3A_472 : memref<!tpu.dma_semaphore, #tpu.memory_space<semaphore_mem>>)
            %dma_wait3A_477 = tpu.memref_slice %arg3[%run_scoped3A, %multiple_of3A] : memref<2x320000xi32, #tpu.memory_space<hbm>> -> memref<1x5120xi32, #tpu.memory_space<hbm>>
            %dma_wait3A_478 = tpu.memref_squeeze %dma_wait3A_477 : memref<1x5120xi32, #tpu.memory_space<hbm>> -> memref<5120xi32, #tpu.memory_space<hbm>>
            %dma_wait3A_479 = tpu.memref_slice %arg3[%run_scoped3A, %multiple_of3A] : memref<2x320000xi32, #tpu.memory_space<hbm>> -> memref<1x5120xi32, #tpu.memory_space<hbm>>
            %dma_wait3A_480 = tpu.memref_squeeze %dma_wait3A_479 : memref<1x5120xi32, #tpu.memory_space<hbm>> -> memref<5120xi32, #tpu.memory_space<hbm>>
            tpu.wait_dma2 semaphore(%run_scoped3A_472 : memref<!tpu.dma_semaphore, #tpu.memory_space<semaphore_mem>>) src(%dma_wait3A_480 : memref<5120xi32, #tpu.memory_space<hbm>>) dst(%arg7 : memref<5120xi32, #tpu.memory_space<vmem>>)
            tpu.yield
          }) : () -> ()
          %run_scoped3A_471 = arith.constant 1 : i32
          "tpu.region"() ({
            %run_scoped3A_472 = tpu.sem_alloc : memref<!tpu.dma_semaphore, #tpu.memory_space<semaphore_mem>>
            %dma_start3A_473 = tpu.memref_slice %arg3[%run_scoped3A_471, %multiple_of3A] : memref<2x320000xi32, #tpu.memory_space<hbm>> -> memref<1x5120xi32, #tpu.memory_space<hbm>>
            %dma_start3A_474 = tpu.memref_squeeze %dma_start3A_473 : memref<1x5120xi32, #tpu.memory_space<hbm>> -> memref<5120xi32, #tpu.memory_space<hbm>>
            %dma_start3A_475 = tpu.memref_slice %arg3[%run_scoped3A_471, %multiple_of3A] : memref<2x320000xi32, #tpu.memory_space<hbm>> -> memref<1x5120xi32, #tpu.memory_space<hbm>>
            %dma_start3A_476 = tpu.memref_squeeze %dma_start3A_475 : memref<1x5120xi32, #tpu.memory_space<hbm>> -> memref<5120xi32, #tpu.memory_space<hbm>>
            tpu.enqueue_dma source(%dma_start3A_476 : memref<5120xi32, #tpu.memory_space<hbm>>) target(%arg8 : memref<5120xi32, #tpu.memory_space<vmem>>) target_semaphore(%run_scoped3A_472 : memref<!tpu.dma_semaphore, #tpu.memory_space<semaphore_mem>>)
            %dma_wait3A_477 = tpu.memref_slice %arg3[%run_scoped3A_471, %multiple_of3A] : memref<2x320000xi32, #tpu.memory_space<hbm>> -> memref<1x5120xi32, #tpu.memory_space<hbm>>
            %dma_wait3A_478 = tpu.memref_squeeze %dma_wait3A_477 : memref<1x5120xi32, #tpu.memory_space<hbm>> -> memref<5120xi32, #tpu.memory_space<hbm>>
            %dma_wait3A_479 = tpu.memref_slice %arg3[%run_scoped3A_471, %multiple_of3A] : memref<2x320000xi32, #tpu.memory_space<hbm>> -> memref<1x5120xi32, #tpu.memory_space<hbm>>
            %dma_wait3A_480 = tpu.memref_squeeze %dma_wait3A_479 : memref<1x5120xi32, #tpu.memory_space<hbm>> -> memref<5120xi32, #tpu.memory_space<hbm>>
            tpu.wait_dma2 semaphore(%run_scoped3A_472 : memref<!tpu.dma_semaphore, #tpu.memory_space<semaphore_mem>>) src(%dma_wait3A_480 : memref<5120xi32, #tpu.memory_space<hbm>>) dst(%arg8 : memref<5120xi32, #tpu.memory_space<vmem>>)
            tpu.yield
          }) : () -> ()
        } else {
        }
        %eq3A_442 = arith.constant 0 : i32
        %eq3A_443 = arith.cmpi eq, %scan3A_42, %eq3A_442 : i32
        %and3A_444 = arith.andi %eq3A_4, %eq3A_443 : i1
        %convert_element_type3A_445 = arith.extui %and3A_444 : i1 to i32
        %cond3A_446 = arith.constant 0 : i32
        %cond3A_447 = arith.cmpi ne, %convert_element_type3A_445, %cond3A_446 : i32
        scf.if %cond3A_447 {
          %run_scoped3A = arith.constant 0 : i32
          "tpu.region"() ({
            %run_scoped3A_467 = tpu.sem_alloc : memref<!tpu.dma_semaphore, #tpu.memory_space<semaphore_mem>>
            %dma_start3A_468 = arith.constant 0 : i32
            %dma_start3A_469 = tpu.memref_slice %arg7[%dma_start3A_468] : memref<5120xi32, #tpu.memory_space<vmem>> -> memref<2048xi32, #tpu.memory_space<vmem>>
            %dma_start3A_470 = arith.constant 317440 : i32
            %dma_start3A_471 = tpu.memref_slice %arg3[%run_scoped3A, %dma_start3A_470] : memref<2x320000xi32, #tpu.memory_space<hbm>> -> memref<1x2048xi32, #tpu.memory_space<hbm>>
            %dma_start3A_472 = tpu.memref_squeeze %dma_start3A_471 : memref<1x2048xi32, #tpu.memory_space<hbm>> -> memref<2048xi32, #tpu.memory_space<hbm>>
            %dma_start3A_473 = arith.constant 0 : i32
            %dma_start3A_474 = tpu.memref_slice %arg7[%dma_start3A_473] : memref<5120xi32, #tpu.memory_space<vmem>> -> memref<2048xi32, #tpu.memory_space<vmem>>
            %dma_start3A_475 = arith.constant 317440 : i32
            %dma_start3A_476 = tpu.memref_slice %arg3[%run_scoped3A, %dma_start3A_475] : memref<2x320000xi32, #tpu.memory_space<hbm>> -> memref<1x2048xi32, #tpu.memory_space<hbm>>
            %dma_start3A_477 = tpu.memref_squeeze %dma_start3A_476 : memref<1x2048xi32, #tpu.memory_space<hbm>> -> memref<2048xi32, #tpu.memory_space<hbm>>
            tpu.enqueue_dma source(%dma_start3A_477 : memref<2048xi32, #tpu.memory_space<hbm>>) target(%dma_start3A_474 : memref<2048xi32, #tpu.memory_space<vmem>>) target_semaphore(%run_scoped3A_467 : memref<!tpu.dma_semaphore, #tpu.memory_space<semaphore_mem>>)
            %dma_wait3A_478 = arith.constant 0 : i32
            %dma_wait3A_479 = tpu.memref_slice %arg7[%dma_wait3A_478] : memref<5120xi32, #tpu.memory_space<vmem>> -> memref<2048xi32, #tpu.memory_space<vmem>>
            %dma_wait3A_480 = arith.constant 317440 : i32
            %dma_wait3A_481 = tpu.memref_slice %arg3[%run_scoped3A, %dma_wait3A_480] : memref<2x320000xi32, #tpu.memory_space<hbm>> -> memref<1x2048xi32, #tpu.memory_space<hbm>>
            %dma_wait3A_482 = tpu.memref_squeeze %dma_wait3A_481 : memref<1x2048xi32, #tpu.memory_space<hbm>> -> memref<2048xi32, #tpu.memory_space<hbm>>
            %dma_wait3A_483 = arith.constant 0 : i32
            %dma_wait3A_484 = tpu.memref_slice %arg7[%dma_wait3A_483] : memref<5120xi32, #tpu.memory_space<vmem>> -> memref<2048xi32, #tpu.memory_space<vmem>>
            %dma_wait3A_485 = arith.constant 317440 : i32
            %dma_wait3A_486 = tpu.memref_slice %arg3[%run_scoped3A, %dma_wait3A_485] : memref<2x320000xi32, #tpu.memory_space<hbm>> -> memref<1x2048xi32, #tpu.memory_space<hbm>>
            %dma_wait3A_487 = tpu.memref_squeeze %dma_wait3A_486 : memref<1x2048xi32, #tpu.memory_space<hbm>> -> memref<2048xi32, #tpu.memory_space<hbm>>
            tpu.wait_dma2 semaphore(%run_scoped3A_467 : memref<!tpu.dma_semaphore, #tpu.memory_space<semaphore_mem>>) src(%dma_wait3A_487 : memref<2048xi32, #tpu.memory_space<hbm>>) dst(%dma_wait3A_484 : memref<2048xi32, #tpu.memory_space<vmem>>)
            tpu.yield
          }) : () -> ()
          %run_scoped3A_464 = arith.constant 1 : i32
          "tpu.region"() ({
            %run_scoped3A_467 = tpu.sem_alloc : memref<!tpu.dma_semaphore, #tpu.memory_space<semaphore_mem>>
            %dma_start3A_468 = arith.constant 0 : i32
            %dma_start3A_469 = tpu.memref_slice %arg8[%dma_start3A_468] : memref<5120xi32, #tpu.memory_space<vmem>> -> memref<2048xi32, #tpu.memory_space<vmem>>
            %dma_start3A_470 = arith.constant 317440 : i32
            %dma_start3A_471 = tpu.memref_slice %arg3[%run_scoped3A_464, %dma_start3A_470] : memref<2x320000xi32, #tpu.memory_space<hbm>> -> memref<1x2048xi32, #tpu.memory_space<hbm>>
            %dma_start3A_472 = tpu.memref_squeeze %dma_start3A_471 : memref<1x2048xi32, #tpu.memory_space<hbm>> -> memref<2048xi32, #tpu.memory_space<hbm>>
            %dma_start3A_473 = arith.constant 0 : i32
            %dma_start3A_474 = tpu.memref_slice %arg8[%dma_start3A_473] : memref<5120xi32, #tpu.memory_space<vmem>> -> memref<2048xi32, #tpu.memory_space<vmem>>
            %dma_start3A_475 = arith.constant 317440 : i32
            %dma_start3A_476 = tpu.memref_slice %arg3[%run_scoped3A_464, %dma_start3A_475] : memref<2x320000xi32, #tpu.memory_space<hbm>> -> memref<1x2048xi32, #tpu.memory_space<hbm>>
            %dma_start3A_477 = tpu.memref_squeeze %dma_start3A_476 : memref<1x2048xi32, #tpu.memory_space<hbm>> -> memref<2048xi32, #tpu.memory_space<hbm>>
            tpu.enqueue_dma source(%dma_start3A_477 : memref<2048xi32, #tpu.memory_space<hbm>>) target(%dma_start3A_474 : memref<2048xi32, #tpu.memory_space<vmem>>) target_semaphore(%run_scoped3A_467 : memref<!tpu.dma_semaphore, #tpu.memory_space<semaphore_mem>>)
            %dma_wait3A_478 = arith.constant 0 : i32
            %dma_wait3A_479 = tpu.memref_slice %arg8[%dma_wait3A_478] : memref<5120xi32, #tpu.memory_space<vmem>> -> memref<2048xi32, #tpu.memory_space<vmem>>
            %dma_wait3A_480 = arith.constant 317440 : i32
            %dma_wait3A_481 = tpu.memref_slice %arg3[%run_scoped3A_464, %dma_wait3A_480] : memref<2x320000xi32, #tpu.memory_space<hbm>> -> memref<1x2048xi32, #tpu.memory_space<hbm>>
            %dma_wait3A_482 = tpu.memref_squeeze %dma_wait3A_481 : memref<1x2048xi32, #tpu.memory_space<hbm>> -> memref<2048xi32, #tpu.memory_space<hbm>>
            %dma_wait3A_483 = arith.constant 0 : i32
            %dma_wait3A_484 = tpu.memref_slice %arg8[%dma_wait3A_483] : memref<5120xi32, #tpu.memory_space<vmem>> -> memref<2048xi32, #tpu.memory_space<vmem>>
            %dma_wait3A_485 = arith.constant 317440 : i32
            %dma_wait3A_486 = tpu.memref_slice %arg3[%run_scoped3A_464, %dma_wait3A_485] : memref<2x320000xi32, #tpu.memory_space<hbm>> -> memref<1x2048xi32, #tpu.memory_space<hbm>>
            %dma_wait3A_487 = tpu.memref_squeeze %dma_wait3A_486 : memref<1x2048xi32, #tpu.memory_space<hbm>> -> memref<2048xi32, #tpu.memory_space<hbm>>
            tpu.wait_dma2 semaphore(%run_scoped3A_467 : memref<!tpu.dma_semaphore, #tpu.memory_space<semaphore_mem>>) src(%dma_wait3A_487 : memref<2048xi32, #tpu.memory_space<hbm>>) dst(%dma_wait3A_484 : memref<2048xi32, #tpu.memory_space<vmem>>)
            tpu.yield
          }) : () -> ()
          %run_scoped3A_465 = arith.constant 0 : i32
          "tpu.region"() ({
            %run_scoped3A_467 = tpu.sem_alloc : memref<!tpu.dma_semaphore, #tpu.memory_space<semaphore_mem>>
            %dma_start3A_468 = arith.constant 2048 : i32
            %dma_start3A_469 = tpu.memref_slice %arg7[%dma_start3A_468] : memref<5120xi32, #tpu.memory_space<vmem>> -> memref<3072xi32, #tpu.memory_space<vmem>>
            %dma_start3A_470 = arith.constant 0 : i32
            %dma_start3A_471 = tpu.memref_slice %arg4[%run_scoped3A_465, %dma_start3A_470] : memref<2x8192xi32, #tpu.memory_space<hbm>> -> memref<1x3072xi32, #tpu.memory_space<hbm>>
            %dma_start3A_472 = tpu.memref_squeeze %dma_start3A_471 : memref<1x3072xi32, #tpu.memory_space<hbm>> -> memref<3072xi32, #tpu.memory_space<hbm>>
            %dma_start3A_473 = arith.constant 2048 : i32
            %dma_start3A_474 = tpu.memref_slice %arg7[%dma_start3A_473] : memref<5120xi32, #tpu.memory_space<vmem>> -> memref<3072xi32, #tpu.memory_space<vmem>>
            %dma_start3A_475 = arith.constant 0 : i32
            %dma_start3A_476 = tpu.memref_slice %arg4[%run_scoped3A_465, %dma_start3A_475] : memref<2x8192xi32, #tpu.memory_space<hbm>> -> memref<1x3072xi32, #tpu.memory_space<hbm>>
            %dma_start3A_477 = tpu.memref_squeeze %dma_start3A_476 : memref<1x3072xi32, #tpu.memory_space<hbm>> -> memref<3072xi32, #tpu.memory_space<hbm>>
            tpu.enqueue_dma source(%dma_start3A_477 : memref<3072xi32, #tpu.memory_space<hbm>>) target(%dma_start3A_474 : memref<3072xi32, #tpu.memory_space<vmem>>) target_semaphore(%run_scoped3A_467 : memref<!tpu.dma_semaphore, #tpu.memory_space<semaphore_mem>>)
            %dma_wait3A_478 = arith.constant 2048 : i32
            %dma_wait3A_479 = tpu.memref_slice %arg7[%dma_wait3A_478] : memref<5120xi32, #tpu.memory_space<vmem>> -> memref<3072xi32, #tpu.memory_space<vmem>>
            %dma_wait3A_480 = arith.constant 0 : i32
            %dma_wait3A_481 = tpu.memref_slice %arg4[%run_scoped3A_465, %dma_wait3A_480] : memref<2x8192xi32, #tpu.memory_space<hbm>> -> memref<1x3072xi32, #tpu.memory_space<hbm>>
            %dma_wait3A_482 = tpu.memref_squeeze %dma_wait3A_481 : memref<1x3072xi32, #tpu.memory_space<hbm>> -> memref<3072xi32, #tpu.memory_space<hbm>>
            %dma_wait3A_483 = arith.constant 2048 : i32
            %dma_wait3A_484 = tpu.memref_slice %arg7[%dma_wait3A_483] : memref<5120xi32, #tpu.memory_space<vmem>> -> memref<3072xi32, #tpu.memory_space<vmem>>
            %dma_wait3A_485 = arith.constant 0 : i32
            %dma_wait3A_486 = tpu.memref_slice %arg4[%run_scoped3A_465, %dma_wait3A_485] : memref<2x8192xi32, #tpu.memory_space<hbm>> -> memref<1x3072xi32, #tpu.memory_space<hbm>>
            %dma_wait3A_487 = tpu.memref_squeeze %dma_wait3A_486 : memref<1x3072xi32, #tpu.memory_space<hbm>> -> memref<3072xi32, #tpu.memory_space<hbm>>
            tpu.wait_dma2 semaphore(%run_scoped3A_467 : memref<!tpu.dma_semaphore, #tpu.memory_space<semaphore_mem>>) src(%dma_wait3A_487 : memref<3072xi32, #tpu.memory_space<hbm>>) dst(%dma_wait3A_484 : memref<3072xi32, #tpu.memory_space<vmem>>)
            tpu.yield
          }) : () -> ()
          %run_scoped3A_466 = arith.constant 1 : i32
          "tpu.region"() ({
            %run_scoped3A_467 = tpu.sem_alloc : memref<!tpu.dma_semaphore, #tpu.memory_space<semaphore_mem>>
            %dma_start3A_468 = arith.constant 2048 : i32
            %dma_start3A_469 = tpu.memref_slice %arg8[%dma_start3A_468] : memref<5120xi32, #tpu.memory_space<vmem>> -> memref<3072xi32, #tpu.memory_space<vmem>>
            %dma_start3A_470 = arith.constant 0 : i32
            %dma_start3A_471 = tpu.memref_slice %arg4[%run_scoped3A_466, %dma_start3A_470] : memref<2x8192xi32, #tpu.memory_space<hbm>> -> memref<1x3072xi32, #tpu.memory_space<hbm>>
            %dma_start3A_472 = tpu.memref_squeeze %dma_start3A_471 : memref<1x3072xi32, #tpu.memory_space<hbm>> -> memref<3072xi32, #tpu.memory_space<hbm>>
            %dma_start3A_473 = arith.constant 2048 : i32
            %dma_start3A_474 = tpu.memref_slice %arg8[%dma_start3A_473] : memref<5120xi32, #tpu.memory_space<vmem>> -> memref<3072xi32, #tpu.memory_space<vmem>>
            %dma_start3A_475 = arith.constant 0 : i32
            %dma_start3A_476 = tpu.memref_slice %arg4[%run_scoped3A_466, %dma_start3A_475] : memref<2x8192xi32, #tpu.memory_space<hbm>> -> memref<1x3072xi32, #tpu.memory_space<hbm>>
            %dma_start3A_477 = tpu.memref_squeeze %dma_start3A_476 : memref<1x3072xi32, #tpu.memory_space<hbm>> -> memref<3072xi32, #tpu.memory_space<hbm>>
            tpu.enqueue_dma source(%dma_start3A_477 : memref<3072xi32, #tpu.memory_space<hbm>>) target(%dma_start3A_474 : memref<3072xi32, #tpu.memory_space<vmem>>) target_semaphore(%run_scoped3A_467 : memref<!tpu.dma_semaphore, #tpu.memory_space<semaphore_mem>>)
            %dma_wait3A_478 = arith.constant 2048 : i32
            %dma_wait3A_479 = tpu.memref_slice %arg8[%dma_wait3A_478] : memref<5120xi32, #tpu.memory_space<vmem>> -> memref<3072xi32, #tpu.memory_space<vmem>>
            %dma_wait3A_480 = arith.constant 0 : i32
            %dma_wait3A_481 = tpu.memref_slice %arg4[%run_scoped3A_466, %dma_wait3A_480] : memref<2x8192xi32, #tpu.memory_space<hbm>> -> memref<1x3072xi32, #tpu.memory_space<hbm>>
            %dma_wait3A_482 = tpu.memref_squeeze %dma_wait3A_481 : memref<1x3072xi32, #tpu.memory_space<hbm>> -> memref<3072xi32, #tpu.memory_space<hbm>>
            %dma_wait3A_483 = arith.constant 2048 : i32
            %dma_wait3A_484 = tpu.memref_slice %arg8[%dma_wait3A_483] : memref<5120xi32, #tpu.memory_space<vmem>> -> memref<3072xi32, #tpu.memory_space<vmem>>
            %dma_wait3A_485 = arith.constant 0 : i32
            %dma_wait3A_486 = tpu.memref_slice %arg4[%run_scoped3A_466, %dma_wait3A_485] : memref<2x8192xi32, #tpu.memory_space<hbm>> -> memref<1x3072xi32, #tpu.memory_space<hbm>>
            %dma_wait3A_487 = tpu.memref_squeeze %dma_wait3A_486 : memref<1x3072xi32, #tpu.memory_space<hbm>> -> memref<3072xi32, #tpu.memory_space<hbm>>
            tpu.wait_dma2 semaphore(%run_scoped3A_467 : memref<!tpu.dma_semaphore, #tpu.memory_space<semaphore_mem>>) src(%dma_wait3A_487 : memref<3072xi32, #tpu.memory_space<hbm>>) dst(%dma_wait3A_484 : memref<3072xi32, #tpu.memory_space<vmem>>)
            tpu.yield
          }) : () -> ()
        } else {
        }
        %eq3A_448 = arith.constant 1 : i32
        %eq3A_449 = arith.cmpi eq, %scan3A_42, %eq3A_448 : i32
        %and3A_450 = arith.andi %eq3A_4, %eq3A_449 : i1
        %convert_element_type3A_451 = arith.extui %and3A_450 : i1 to i32
        %cond3A_452 = arith.constant 0 : i32
        %cond3A_453 = arith.cmpi ne, %convert_element_type3A_451, %cond3A_452 : i32
        scf.if %cond3A_453 {
          %run_scoped3A = arith.constant 0 : i32
          "tpu.region"() ({
            %run_scoped3A_465 = tpu.sem_alloc : memref<!tpu.dma_semaphore, #tpu.memory_space<semaphore_mem>>
            %dma_start3A_466 = arith.constant 3072 : i32
            %dma_start3A_467 = tpu.memref_slice %arg4[%run_scoped3A, %dma_start3A_466] : memref<2x8192xi32, #tpu.memory_space<hbm>> -> memref<1x5120xi32, #tpu.memory_space<hbm>>
            %dma_start3A_468 = tpu.memref_squeeze %dma_start3A_467 : memref<1x5120xi32, #tpu.memory_space<hbm>> -> memref<5120xi32, #tpu.memory_space<hbm>>
            %dma_start3A_469 = arith.constant 3072 : i32
            %dma_start3A_470 = tpu.memref_slice %arg4[%run_scoped3A, %dma_start3A_469] : memref<2x8192xi32, #tpu.memory_space<hbm>> -> memref<1x5120xi32, #tpu.memory_space<hbm>>
            %dma_start3A_471 = tpu.memref_squeeze %dma_start3A_470 : memref<1x5120xi32, #tpu.memory_space<hbm>> -> memref<5120xi32, #tpu.memory_space<hbm>>
            tpu.enqueue_dma source(%dma_start3A_471 : memref<5120xi32, #tpu.memory_space<hbm>>) target(%arg7 : memref<5120xi32, #tpu.memory_space<vmem>>) target_semaphore(%run_scoped3A_465 : memref<!tpu.dma_semaphore, #tpu.memory_space<semaphore_mem>>)
            %dma_wait3A_472 = arith.constant 3072 : i32
            %dma_wait3A_473 = tpu.memref_slice %arg4[%run_scoped3A, %dma_wait3A_472] : memref<2x8192xi32, #tpu.memory_space<hbm>> -> memref<1x5120xi32, #tpu.memory_space<hbm>>
            %dma_wait3A_474 = tpu.memref_squeeze %dma_wait3A_473 : memref<1x5120xi32, #tpu.memory_space<hbm>> -> memref<5120xi32, #tpu.memory_space<hbm>>
            %dma_wait3A_475 = arith.constant 3072 : i32
            %dma_wait3A_476 = tpu.memref_slice %arg4[%run_scoped3A, %dma_wait3A_475] : memref<2x8192xi32, #tpu.memory_space<hbm>> -> memref<1x5120xi32, #tpu.memory_space<hbm>>
            %dma_wait3A_477 = tpu.memref_squeeze %dma_wait3A_476 : memref<1x5120xi32, #tpu.memory_space<hbm>> -> memref<5120xi32, #tpu.memory_space<hbm>>
            tpu.wait_dma2 semaphore(%run_scoped3A_465 : memref<!tpu.dma_semaphore, #tpu.memory_space<semaphore_mem>>) src(%dma_wait3A_477 : memref<5120xi32, #tpu.memory_space<hbm>>) dst(%arg7 : memref<5120xi32, #tpu.memory_space<vmem>>)
            tpu.yield
          }) : () -> ()
          %run_scoped3A_464 = arith.constant 1 : i32
          "tpu.region"() ({
            %run_scoped3A_465 = tpu.sem_alloc : memref<!tpu.dma_semaphore, #tpu.memory_space<semaphore_mem>>
            %dma_start3A_466 = arith.constant 3072 : i32
            %dma_start3A_467 = tpu.memref_slice %arg4[%run_scoped3A_464, %dma_start3A_466] : memref<2x8192xi32, #tpu.memory_space<hbm>> -> memref<1x5120xi32, #tpu.memory_space<hbm>>
            %dma_start3A_468 = tpu.memref_squeeze %dma_start3A_467 : memref<1x5120xi32, #tpu.memory_space<hbm>> -> memref<5120xi32, #tpu.memory_space<hbm>>
            %dma_start3A_469 = arith.constant 3072 : i32
            %dma_start3A_470 = tpu.memref_slice %arg4[%run_scoped3A_464, %dma_start3A_469] : memref<2x8192xi32, #tpu.memory_space<hbm>> -> memref<1x5120xi32, #tpu.memory_space<hbm>>
            %dma_start3A_471 = tpu.memref_squeeze %dma_start3A_470 : memref<1x5120xi32, #tpu.memory_space<hbm>> -> memref<5120xi32, #tpu.memory_space<hbm>>
            tpu.enqueue_dma source(%dma_start3A_471 : memref<5120xi32, #tpu.memory_space<hbm>>) target(%arg8 : memref<5120xi32, #tpu.memory_space<vmem>>) target_semaphore(%run_scoped3A_465 : memref<!tpu.dma_semaphore, #tpu.memory_space<semaphore_mem>>)
            %dma_wait3A_472 = arith.constant 3072 : i32
            %dma_wait3A_473 = tpu.memref_slice %arg4[%run_scoped3A_464, %dma_wait3A_472] : memref<2x8192xi32, #tpu.memory_space<hbm>> -> memref<1x5120xi32, #tpu.memory_space<hbm>>
            %dma_wait3A_474 = tpu.memref_squeeze %dma_wait3A_473 : memref<1x5120xi32, #tpu.memory_space<hbm>> -> memref<5120xi32, #tpu.memory_space<hbm>>
            %dma_wait3A_475 = arith.constant 3072 : i32
            %dma_wait3A_476 = tpu.memref_slice %arg4[%run_scoped3A_464, %dma_wait3A_475] : memref<2x8192xi32, #tpu.memory_space<hbm>> -> memref<1x5120xi32, #tpu.memory_space<hbm>>
            %dma_wait3A_477 = tpu.memref_squeeze %dma_wait3A_476 : memref<1x5120xi32, #tpu.memory_space<hbm>> -> memref<5120xi32, #tpu.memory_space<hbm>>
            tpu.wait_dma2 semaphore(%run_scoped3A_465 : memref<!tpu.dma_semaphore, #tpu.memory_space<semaphore_mem>>) src(%dma_wait3A_477 : memref<5120xi32, #tpu.memory_space<hbm>>) dst(%arg8 : memref<5120xi32, #tpu.memory_space<vmem>>)
            tpu.yield
          }) : () -> ()
        } else {
        }
        %dma_start3A_454 = arith.constant 0 : i32
        %dma_start3A_455 = tpu.memref_slice %arg7[%dma_start3A_454] : memref<5120xi32, #tpu.memory_space<vmem>> -> memref<128xi32, #tpu.memory_space<vmem>>
        %dma_start3A_456 = arith.constant 0 : i32
        %dma_start3A_457 = arith.constant 0 : i32
        %dma_start3A_458 = tpu.memref_slice %arg2[%dma_start3A_456, %dma_start3A_457] : memref<10000x128xf32, #tpu.memory_space<hbm>> -> memref<10000x128xf32, #tpu.memory_space<hbm>>
        tpu.enqueue_indirect_dma source(%dma_start3A_458 : memref<10000x128xf32, #tpu.memory_space<hbm>>) target(%arg9 : memref<128x128xf32, #tpu.memory_space<vmem>>) offsets(%dma_start3A_455 : memref<128xi32, #tpu.memory_space<vmem>>) semaphore(%arg12 : memref<!tpu.dma_semaphore, #tpu.memory_space<semaphore_mem>>)
        %dma_start3A_459 = arith.constant 128 : i32
        %dma_start3A_460 = tpu.memref_slice %arg7[%dma_start3A_459] : memref<5120xi32, #tpu.memory_space<vmem>> -> memref<128xi32, #tpu.memory_space<vmem>>
        %dma_start3A_461 = arith.constant 0 : i32
        %dma_start3A_462 = arith.constant 0 : i32
        %dma_start3A_463 = tpu.memref_slice %arg2[%dma_start3A_461, %dma_start3A_462] : memref<10000x128xf32, #tpu.memory_space<hbm>> -> memref<10000x128xf32, #tpu.memory_space<hbm>>
        tpu.enqueue_indirect_dma source(%dma_start3A_463 : memref<10000x128xf32, #tpu.memory_space<hbm>>) target(%arg10 : memref<128x128xf32, #tpu.memory_space<vmem>>) offsets(%dma_start3A_460 : memref<128xi32, #tpu.memory_space<vmem>>) semaphore(%arg13 : memref<!tpu.dma_semaphore, #tpu.memory_space<semaphore_mem>>)
      } else {
      }
      %dma_wait3A_47 = arith.constant 0 : i32
      %dma_wait3A_48 = tpu.memref_slice %arg7[%dma_wait3A_47] : memref<5120xi32, #tpu.memory_space<vmem>> -> memref<128xi32, #tpu.memory_space<vmem>>
      %dma_wait3A_49 = arith.constant 0 : i32
      %dma_wait3A_50 = arith.constant 0 : i32
      %dma_wait3A_51 = tpu.memref_slice %arg2[%dma_wait3A_49, %dma_wait3A_50] : memref<10000x128xf32, #tpu.memory_space<hbm>> -> memref<10000x128xf32, #tpu.memory_space<hbm>>
      tpu.wait_indirect_dma semaphore(%arg12 : memref<!tpu.dma_semaphore, #tpu.memory_space<semaphore_mem>>) src(%dma_wait3A_51 : memref<10000x128xf32, #tpu.memory_space<hbm>>) dst(%arg9 : memref<128x128xf32, #tpu.memory_space<vmem>>)
      "tpu.region"() ({
        %run_scoped3A = tpu.sem_alloc : memref<!tpu.dma_semaphore, #tpu.memory_space<semaphore_mem>>
        %dma_start3A_437 = arith.constant 0 : i32
        %dma_start3A_438 = tpu.memref_slice %arg8[%dma_start3A_437] : memref<5120xi32, #tpu.memory_space<vmem>> -> memref<128xi32, #tpu.memory_space<vmem>>
        %dma_start3A_439 = arith.constant 0 : i32
        %dma_start3A_440 = arith.constant 0 : i32
        %dma_start3A_441 = tpu.memref_slice %arg11[%dma_start3A_439, %dma_start3A_440] : memref<10240x128xf32, #tpu.memory_space<vmem_shared>> -> memref<10240x128xf32, #tpu.memory_space<vmem_shared>>
        tpu.enqueue_indirect_dma source(%arg9 : memref<128x128xf32, #tpu.memory_space<vmem>>) target(%dma_start3A_441 : memref<10240x128xf32, #tpu.memory_space<vmem_shared>>) offsets(%dma_start3A_438 : memref<128xi32, #tpu.memory_space<vmem>>) semaphore(%run_scoped3A : memref<!tpu.dma_semaphore, #tpu.memory_space<semaphore_mem>>) {add = true}
        %dma_wait3A_442 = arith.constant 0 : i32
        %dma_wait3A_443 = tpu.memref_slice %arg8[%dma_wait3A_442] : memref<5120xi32, #tpu.memory_space<vmem>> -> memref<128xi32, #tpu.memory_space<vmem>>
        %dma_wait3A_444 = arith.constant 0 : i32
        %dma_wait3A_445 = arith.constant 0 : i32
        %dma_wait3A_446 = tpu.memref_slice %arg11[%dma_wait3A_444, %dma_wait3A_445] : memref<10240x128xf32, #tpu.memory_space<vmem_shared>> -> memref<10240x128xf32, #tpu.memory_space<vmem_shared>>
        tpu.wait_indirect_dma semaphore(%run_scoped3A : memref<!tpu.dma_semaphore, #tpu.memory_space<semaphore_mem>>) src(%arg9 : memref<128x128xf32, #tpu.memory_space<vmem>>) dst(%dma_wait3A_446 : memref<10240x128xf32, #tpu.memory_space<vmem_shared>>)
        tpu.yield
      }) : () -> ()
      %dma_start3A_52 = arith.constant 256 : i32
      %dma_start3A_53 = tpu.memref_slice %arg7[%dma_start3A_52] : memref<5120xi32, #tpu.memory_space<vmem>> -> memref<128xi32, #tpu.memory_space<vmem>>
      %dma_start3A_54 = arith.constant 0 : i32
      %dma_start3A_55 = arith.constant 0 : i32
      %dma_start3A_56 = tpu.memref_slice %arg2[%dma_start3A_54, %dma_start3A_55] : memref<10000x128xf32, #tpu.memory_space<hbm>> -> memref<10000x128xf32, #tpu.memory_space<hbm>>
      tpu.enqueue_indirect_dma source(%dma_start3A_56 : memref<10000x128xf32, #tpu.memory_space<hbm>>) target(%arg9 : memref<128x128xf32, #tpu.memory_space<vmem>>) offsets(%dma_start3A_53 : memref<128xi32, #tpu.memory_space<vmem>>) semaphore(%arg12 : memref<!tpu.dma_semaphore, #tpu.memory_space<semaphore_mem>>)
      %dma_wait3A_57 = arith.constant 128 : i32
      %dma_wait3A_58 = tpu.memref_slice %arg7[%dma_wait3A_57] : memref<5120xi32, #tpu.memory_space<vmem>> -> memref<128xi32, #tpu.memory_space<vmem>>
      %dma_wait3A_59 = arith.constant 0 : i32
      %dma_wait3A_60 = arith.constant 0 : i32
      %dma_wait3A_61 = tpu.memref_slice %arg2[%dma_wait3A_59, %dma_wait3A_60] : memref<10000x128xf32, #tpu.memory_space<hbm>> -> memref<10000x128xf32, #tpu.memory_space<hbm>>
      tpu.wait_indirect_dma semaphore(%arg13 : memref<!tpu.dma_semaphore, #tpu.memory_space<semaphore_mem>>) src(%dma_wait3A_61 : memref<10000x128xf32, #tpu.memory_space<hbm>>) dst(%arg10 : memref<128x128xf32, #tpu.memory_space<vmem>>)
      "tpu.region"() ({
        %run_scoped3A = tpu.sem_alloc : memref<!tpu.dma_semaphore, #tpu.memory_space<semaphore_mem>>
        %dma_start3A_437 = arith.constant 128 : i32
        %dma_start3A_438 = tpu.memref_slice %arg8[%dma_start3A_437] : memref<5120xi32, #tpu.memory_space<vmem>> -> memref<128xi32, #tpu.memory_space<vmem>>
        %dma_start3A_439 = arith.constant 0 : i32
        %dma_start3A_440 = arith.constant 0 : i32
        %dma_start3A_441 = tpu.memref_slice %arg11[%dma_start3A_439, %dma_start3A_440] : memref<10240x128xf32, #tpu.memory_space<vmem_shared>> -> memref<10240x128xf32, #tpu.memory_space<vmem_shared>>
        tpu.enqueue_indirect_dma source(%arg10 : memref<128x128xf32, #tpu.memory_space<vmem>>) target(%dma_start3A_441 : memref<10240x128xf32, #tpu.memory_space<vmem_shared>>) offsets(%dma_start3A_438 : memref<128xi32, #tpu.memory_space<vmem>>) semaphore(%run_scoped3A : memref<!tpu.dma_semaphore, #tpu.memory_space<semaphore_mem>>) {add = true}
        %dma_wait3A_442 = arith.constant 128 : i32
        %dma_wait3A_443 = tpu.memref_slice %arg8[%dma_wait3A_442] : memref<5120xi32, #tpu.memory_space<vmem>> -> memref<128xi32, #tpu.memory_space<vmem>>
        %dma_wait3A_444 = arith.constant 0 : i32
        %dma_wait3A_445 = arith.constant 0 : i32
        %dma_wait3A_446 = tpu.memref_slice %arg11[%dma_wait3A_444, %dma_wait3A_445] : memref<10240x128xf32, #tpu.memory_space<vmem_shared>> -> memref<10240x128xf32, #tpu.memory_space<vmem_shared>>
        tpu.wait_indirect_dma semaphore(%run_scoped3A : memref<!tpu.dma_semaphore, #tpu.memory_space<semaphore_mem>>) src(%arg10 : memref<128x128xf32, #tpu.memory_space<vmem>>) dst(%dma_wait3A_446 : memref<10240x128xf32, #tpu.memory_space<vmem_shared>>)
        tpu.yield
      }) : () -> ()
      %dma_start3A_62 = arith.constant 384 : i32
      %dma_start3A_63 = tpu.memref_slice %arg7[%dma_start3A_62] : memref<5120xi32, #tpu.memory_space<vmem>> -> memref<128xi32, #tpu.memory_space<vmem>>
      %dma_start3A_64 = arith.constant 0 : i32
      %dma_start3A_65 = arith.constant 0 : i32
      %dma_start3A_66 = tpu.memref_slice %arg2[%dma_start3A_64, %dma_start3A_65] : memref<10000x128xf32, #tpu.memory_space<hbm>> -> memref<10000x128xf32, #tpu.memory_space<hbm>>
      tpu.enqueue_indirect_dma source(%dma_start3A_66 : memref<10000x128xf32, #tpu.memory_space<hbm>>) target(%arg10 : memref<128x128xf32, #tpu.memory_space<vmem>>) offsets(%dma_start3A_63 : memref<128xi32, #tpu.memory_space<vmem>>) semaphore(%arg13 : memref<!tpu.dma_semaphore, #tpu.memory_space<semaphore_mem>>)
      %dma_wait3A_67 = arith.constant 256 : i32
      %dma_wait3A_68 = tpu.memref_slice %arg7[%dma_wait3A_67] : memref<5120xi32, #tpu.memory_space<vmem>> -> memref<128xi32, #tpu.memory_space<vmem>>
      %dma_wait3A_69 = arith.constant 0 : i32
      %dma_wait3A_70 = arith.constant 0 : i32
      %dma_wait3A_71 = tpu.memref_slice %arg2[%dma_wait3A_69, %dma_wait3A_70] : memref<10000x128xf32, #tpu.memory_space<hbm>> -> memref<10000x128xf32, #tpu.memory_space<hbm>>
      tpu.wait_indirect_dma semaphore(%arg12 : memref<!tpu.dma_semaphore, #tpu.memory_space<semaphore_mem>>) src(%dma_wait3A_71 : memref<10000x128xf32, #tpu.memory_space<hbm>>) dst(%arg9 : memref<128x128xf32, #tpu.memory_space<vmem>>)
      "tpu.region"() ({
        %run_scoped3A = tpu.sem_alloc : memref<!tpu.dma_semaphore, #tpu.memory_space<semaphore_mem>>
        %dma_start3A_437 = arith.constant 256 : i32
        %dma_start3A_438 = tpu.memref_slice %arg8[%dma_start3A_437] : memref<5120xi32, #tpu.memory_space<vmem>> -> memref<128xi32, #tpu.memory_space<vmem>>
        %dma_start3A_439 = arith.constant 0 : i32
        %dma_start3A_440 = arith.constant 0 : i32
        %dma_start3A_441 = tpu.memref_slice %arg11[%dma_start3A_439, %dma_start3A_440] : memref<10240x128xf32, #tpu.memory_space<vmem_shared>> -> memref<10240x128xf32, #tpu.memory_space<vmem_shared>>
        tpu.enqueue_indirect_dma source(%arg9 : memref<128x128xf32, #tpu.memory_space<vmem>>) target(%dma_start3A_441 : memref<10240x128xf32, #tpu.memory_space<vmem_shared>>) offsets(%dma_start3A_438 : memref<128xi32, #tpu.memory_space<vmem>>) semaphore(%run_scoped3A : memref<!tpu.dma_semaphore, #tpu.memory_space<semaphore_mem>>) {add = true}
        %dma_wait3A_442 = arith.constant 256 : i32
        %dma_wait3A_443 = tpu.memref_slice %arg8[%dma_wait3A_442] : memref<5120xi32, #tpu.memory_space<vmem>> -> memref<128xi32, #tpu.memory_space<vmem>>
        %dma_wait3A_444 = arith.constant 0 : i32
        %dma_wait3A_445 = arith.constant 0 : i32
        %dma_wait3A_446 = tpu.memref_slice %arg11[%dma_wait3A_444, %dma_wait3A_445] : memref<10240x128xf32, #tpu.memory_space<vmem_shared>> -> memref<10240x128xf32, #tpu.memory_space<vmem_shared>>
        tpu.wait_indirect_dma semaphore(%run_scoped3A : memref<!tpu.dma_semaphore, #tpu.memory_space<semaphore_mem>>) src(%arg9 : memref<128x128xf32, #tpu.memory_space<vmem>>) dst(%dma_wait3A_446 : memref<10240x128xf32, #tpu.memory_space<vmem_shared>>)
        tpu.yield
      }) : () -> ()
      %dma_start3A_72 = arith.constant 512 : i32
      %dma_start3A_73 = tpu.memref_slice %arg7[%dma_start3A_72] : memref<5120xi32, #tpu.memory_space<vmem>> -> memref<128xi32, #tpu.memory_space<vmem>>
      %dma_start3A_74 = arith.constant 0 : i32
      %dma_start3A_75 = arith.constant 0 : i32
      %dma_start3A_76 = tpu.memref_slice %arg2[%dma_start3A_74, %dma_start3A_75] : memref<10000x128xf32, #tpu.memory_space<hbm>> -> memref<10000x128xf32, #tpu.memory_space<hbm>>
      tpu.enqueue_indirect_dma source(%dma_start3A_76 : memref<10000x128xf32, #tpu.memory_space<hbm>>) target(%arg9 : memref<128x128xf32, #tpu.memory_space<vmem>>) offsets(%dma_start3A_73 : memref<128xi32, #tpu.memory_space<vmem>>) semaphore(%arg12 : memref<!tpu.dma_semaphore, #tpu.memory_space<semaphore_mem>>)
      %dma_wait3A_77 = arith.constant 384 : i32
      %dma_wait3A_78 = tpu.memref_slice %arg7[%dma_wait3A_77] : memref<5120xi32, #tpu.memory_space<vmem>> -> memref<128xi32, #tpu.memory_space<vmem>>
      %dma_wait3A_79 = arith.constant 0 : i32
      %dma_wait3A_80 = arith.constant 0 : i32
      %dma_wait3A_81 = tpu.memref_slice %arg2[%dma_wait3A_79, %dma_wait3A_80] : memref<10000x128xf32, #tpu.memory_space<hbm>> -> memref<10000x128xf32, #tpu.memory_space<hbm>>
      tpu.wait_indirect_dma semaphore(%arg13 : memref<!tpu.dma_semaphore, #tpu.memory_space<semaphore_mem>>) src(%dma_wait3A_81 : memref<10000x128xf32, #tpu.memory_space<hbm>>) dst(%arg10 : memref<128x128xf32, #tpu.memory_space<vmem>>)
      "tpu.region"() ({
        %run_scoped3A = tpu.sem_alloc : memref<!tpu.dma_semaphore, #tpu.memory_space<semaphore_mem>>
        %dma_start3A_437 = arith.constant 384 : i32
        %dma_start3A_438 = tpu.memref_slice %arg8[%dma_start3A_437] : memref<5120xi32, #tpu.memory_space<vmem>> -> memref<128xi32, #tpu.memory_space<vmem>>
        %dma_start3A_439 = arith.constant 0 : i32
        %dma_start3A_440 = arith.constant 0 : i32
        %dma_start3A_441 = tpu.memref_slice %arg11[%dma_start3A_439, %dma_start3A_440] : memref<10240x128xf32, #tpu.memory_space<vmem_shared>> -> memref<10240x128xf32, #tpu.memory_space<vmem_shared>>
        tpu.enqueue_indirect_dma source(%arg10 : memref<128x128xf32, #tpu.memory_space<vmem>>) target(%dma_start3A_441 : memref<10240x128xf32, #tpu.memory_space<vmem_shared>>) offsets(%dma_start3A_438 : memref<128xi32, #tpu.memory_space<vmem>>) semaphore(%run_scoped3A : memref<!tpu.dma_semaphore, #tpu.memory_space<semaphore_mem>>) {add = true}
        %dma_wait3A_442 = arith.constant 384 : i32
        %dma_wait3A_443 = tpu.memref_slice %arg8[%dma_wait3A_442] : memref<5120xi32, #tpu.memory_space<vmem>> -> memref<128xi32, #tpu.memory_space<vmem>>
        %dma_wait3A_444 = arith.constant 0 : i32
        %dma_wait3A_445 = arith.constant 0 : i32
        %dma_wait3A_446 = tpu.memref_slice %arg11[%dma_wait3A_444, %dma_wait3A_445] : memref<10240x128xf32, #tpu.memory_space<vmem_shared>> -> memref<10240x128xf32, #tpu.memory_space<vmem_shared>>
        tpu.wait_indirect_dma semaphore(%run_scoped3A : memref<!tpu.dma_semaphore, #tpu.memory_space<semaphore_mem>>) src(%arg10 : memref<128x128xf32, #tpu.memory_space<vmem>>) dst(%dma_wait3A_446 : memref<10240x128xf32, #tpu.memory_space<vmem_shared>>)
        tpu.yield
      }) : () -> ()
      %dma_start3A_82 = arith.constant 640 : i32
      %dma_start3A_83 = tpu.memref_slice %arg7[%dma_start3A_82] : memref<5120xi32, #tpu.memory_space<vmem>> -> memref<128xi32, #tpu.memory_space<vmem>>
      %dma_start3A_84 = arith.constant 0 : i32
      %dma_start3A_85 = arith.constant 0 : i32
      %dma_start3A_86 = tpu.memref_slice %arg2[%dma_start3A_84, %dma_start3A_85] : memref<10000x128xf32, #tpu.memory_space<hbm>> -> memref<10000x128xf32, #tpu.memory_space<hbm>>
      tpu.enqueue_indirect_dma source(%dma_start3A_86 : memref<10000x128xf32, #tpu.memory_space<hbm>>) target(%arg10 : memref<128x128xf32, #tpu.memory_space<vmem>>) offsets(%dma_start3A_83 : memref<128xi32, #tpu.memory_space<vmem>>) semaphore(%arg13 : memref<!tpu.dma_semaphore, #tpu.memory_space<semaphore_mem>>)
      %dma_wait3A_87 = arith.constant 512 : i32
      %dma_wait3A_88 = tpu.memref_slice %arg7[%dma_wait3A_87] : memref<5120xi32, #tpu.memory_space<vmem>> -> memref<128xi32, #tpu.memory_space<vmem>>
      %dma_wait3A_89 = arith.constant 0 : i32
      %dma_wait3A_90 = arith.constant 0 : i32
      %dma_wait3A_91 = tpu.memref_slice %arg2[%dma_wait3A_89, %dma_wait3A_90] : memref<10000x128xf32, #tpu.memory_space<hbm>> -> memref<10000x128xf32, #tpu.memory_space<hbm>>
      tpu.wait_indirect_dma semaphore(%arg12 : memref<!tpu.dma_semaphore, #tpu.memory_space<semaphore_mem>>) src(%dma_wait3A_91 : memref<10000x128xf32, #tpu.memory_space<hbm>>) dst(%arg9 : memref<128x128xf32, #tpu.memory_space<vmem>>)
      "tpu.region"() ({
        %run_scoped3A = tpu.sem_alloc : memref<!tpu.dma_semaphore, #tpu.memory_space<semaphore_mem>>
        %dma_start3A_437 = arith.constant 512 : i32
        %dma_start3A_438 = tpu.memref_slice %arg8[%dma_start3A_437] : memref<5120xi32, #tpu.memory_space<vmem>> -> memref<128xi32, #tpu.memory_space<vmem>>
        %dma_start3A_439 = arith.constant 0 : i32
        %dma_start3A_440 = arith.constant 0 : i32
        %dma_start3A_441 = tpu.memref_slice %arg11[%dma_start3A_439, %dma_start3A_440] : memref<10240x128xf32, #tpu.memory_space<vmem_shared>> -> memref<10240x128xf32, #tpu.memory_space<vmem_shared>>
        tpu.enqueue_indirect_dma source(%arg9 : memref<128x128xf32, #tpu.memory_space<vmem>>) target(%dma_start3A_441 : memref<10240x128xf32, #tpu.memory_space<vmem_shared>>) offsets(%dma_start3A_438 : memref<128xi32, #tpu.memory_space<vmem>>) semaphore(%run_scoped3A : memref<!tpu.dma_semaphore, #tpu.memory_space<semaphore_mem>>) {add = true}
        %dma_wait3A_442 = arith.constant 512 : i32
        %dma_wait3A_443 = tpu.memref_slice %arg8[%dma_wait3A_442] : memref<5120xi32, #tpu.memory_space<vmem>> -> memref<128xi32, #tpu.memory_space<vmem>>
        %dma_wait3A_444 = arith.constant 0 : i32
        %dma_wait3A_445 = arith.constant 0 : i32
        %dma_wait3A_446 = tpu.memref_slice %arg11[%dma_wait3A_444, %dma_wait3A_445] : memref<10240x128xf32, #tpu.memory_space<vmem_shared>> -> memref<10240x128xf32, #tpu.memory_space<vmem_shared>>
        tpu.wait_indirect_dma semaphore(%run_scoped3A : memref<!tpu.dma_semaphore, #tpu.memory_space<semaphore_mem>>) src(%arg9 : memref<128x128xf32, #tpu.memory_space<vmem>>) dst(%dma_wait3A_446 : memref<10240x128xf32, #tpu.memory_space<vmem_shared>>)
        tpu.yield
      }) : () -> ()
      %dma_start3A_92 = arith.constant 768 : i32
      %dma_start3A_93 = tpu.memref_slice %arg7[%dma_start3A_92] : memref<5120xi32, #tpu.memory_space<vmem>> -> memref<128xi32, #tpu.memory_space<vmem>>
      %dma_start3A_94 = arith.constant 0 : i32
      %dma_start3A_95 = arith.constant 0 : i32
      %dma_start3A_96 = tpu.memref_slice %arg2[%dma_start3A_94, %dma_start3A_95] : memref<10000x128xf32, #tpu.memory_space<hbm>> -> memref<10000x128xf32, #tpu.memory_space<hbm>>
      tpu.enqueue_indirect_dma source(%dma_start3A_96 : memref<10000x128xf32, #tpu.memory_space<hbm>>) target(%arg9 : memref<128x128xf32, #tpu.memory_space<vmem>>) offsets(%dma_start3A_93 : memref<128xi32, #tpu.memory_space<vmem>>) semaphore(%arg12 : memref<!tpu.dma_semaphore, #tpu.memory_space<semaphore_mem>>)
      %dma_wait3A_97 = arith.constant 640 : i32
      %dma_wait3A_98 = tpu.memref_slice %arg7[%dma_wait3A_97] : memref<5120xi32, #tpu.memory_space<vmem>> -> memref<128xi32, #tpu.memory_space<vmem>>
      %dma_wait3A_99 = arith.constant 0 : i32
      %dma_wait3A_100 = arith.constant 0 : i32
      %dma_wait3A_101 = tpu.memref_slice %arg2[%dma_wait3A_99, %dma_wait3A_100] : memref<10000x128xf32, #tpu.memory_space<hbm>> -> memref<10000x128xf32, #tpu.memory_space<hbm>>
      tpu.wait_indirect_dma semaphore(%arg13 : memref<!tpu.dma_semaphore, #tpu.memory_space<semaphore_mem>>) src(%dma_wait3A_101 : memref<10000x128xf32, #tpu.memory_space<hbm>>) dst(%arg10 : memref<128x128xf32, #tpu.memory_space<vmem>>)
      "tpu.region"() ({
        %run_scoped3A = tpu.sem_alloc : memref<!tpu.dma_semaphore, #tpu.memory_space<semaphore_mem>>
        %dma_start3A_437 = arith.constant 640 : i32
        %dma_start3A_438 = tpu.memref_slice %arg8[%dma_start3A_437] : memref<5120xi32, #tpu.memory_space<vmem>> -> memref<128xi32, #tpu.memory_space<vmem>>
        %dma_start3A_439 = arith.constant 0 : i32
        %dma_start3A_440 = arith.constant 0 : i32
        %dma_start3A_441 = tpu.memref_slice %arg11[%dma_start3A_439, %dma_start3A_440] : memref<10240x128xf32, #tpu.memory_space<vmem_shared>> -> memref<10240x128xf32, #tpu.memory_space<vmem_shared>>
        tpu.enqueue_indirect_dma source(%arg10 : memref<128x128xf32, #tpu.memory_space<vmem>>) target(%dma_start3A_441 : memref<10240x128xf32, #tpu.memory_space<vmem_shared>>) offsets(%dma_start3A_438 : memref<128xi32, #tpu.memory_space<vmem>>) semaphore(%run_scoped3A : memref<!tpu.dma_semaphore, #tpu.memory_space<semaphore_mem>>) {add = true}
        %dma_wait3A_442 = arith.constant 640 : i32
        %dma_wait3A_443 = tpu.memref_slice %arg8[%dma_wait3A_442] : memref<5120xi32, #tpu.memory_space<vmem>> -> memref<128xi32, #tpu.memory_space<vmem>>
        %dma_wait3A_444 = arith.constant 0 : i32
        %dma_wait3A_445 = arith.constant 0 : i32
        %dma_wait3A_446 = tpu.memref_slice %arg11[%dma_wait3A_444, %dma_wait3A_445] : memref<10240x128xf32, #tpu.memory_space<vmem_shared>> -> memref<10240x128xf32, #tpu.memory_space<vmem_shared>>
        tpu.wait_indirect_dma semaphore(%run_scoped3A : memref<!tpu.dma_semaphore, #tpu.memory_space<semaphore_mem>>) src(%arg10 : memref<128x128xf32, #tpu.memory_space<vmem>>) dst(%dma_wait3A_446 : memref<10240x128xf32, #tpu.memory_space<vmem_shared>>)
        tpu.yield
      }) : () -> ()
      %dma_start3A_102 = arith.constant 896 : i32
      %dma_start3A_103 = tpu.memref_slice %arg7[%dma_start3A_102] : memref<5120xi32, #tpu.memory_space<vmem>> -> memref<128xi32, #tpu.memory_space<vmem>>
      %dma_start3A_104 = arith.constant 0 : i32
      %dma_start3A_105 = arith.constant 0 : i32
      %dma_start3A_106 = tpu.memref_slice %arg2[%dma_start3A_104, %dma_start3A_105] : memref<10000x128xf32, #tpu.memory_space<hbm>> -> memref<10000x128xf32, #tpu.memory_space<hbm>>
      tpu.enqueue_indirect_dma source(%dma_start3A_106 : memref<10000x128xf32, #tpu.memory_space<hbm>>) target(%arg10 : memref<128x128xf32, #tpu.memory_space<vmem>>) offsets(%dma_start3A_103 : memref<128xi32, #tpu.memory_space<vmem>>) semaphore(%arg13 : memref<!tpu.dma_semaphore, #tpu.memory_space<semaphore_mem>>)
      %dma_wait3A_107 = arith.constant 768 : i32
      %dma_wait3A_108 = tpu.memref_slice %arg7[%dma_wait3A_107] : memref<5120xi32, #tpu.memory_space<vmem>> -> memref<128xi32, #tpu.memory_space<vmem>>
      %dma_wait3A_109 = arith.constant 0 : i32
      %dma_wait3A_110 = arith.constant 0 : i32
      %dma_wait3A_111 = tpu.memref_slice %arg2[%dma_wait3A_109, %dma_wait3A_110] : memref<10000x128xf32, #tpu.memory_space<hbm>> -> memref<10000x128xf32, #tpu.memory_space<hbm>>
      tpu.wait_indirect_dma semaphore(%arg12 : memref<!tpu.dma_semaphore, #tpu.memory_space<semaphore_mem>>) src(%dma_wait3A_111 : memref<10000x128xf32, #tpu.memory_space<hbm>>) dst(%arg9 : memref<128x128xf32, #tpu.memory_space<vmem>>)
      "tpu.region"() ({
        %run_scoped3A = tpu.sem_alloc : memref<!tpu.dma_semaphore, #tpu.memory_space<semaphore_mem>>
        %dma_start3A_437 = arith.constant 768 : i32
        %dma_start3A_438 = tpu.memref_slice %arg8[%dma_start3A_437] : memref<5120xi32, #tpu.memory_space<vmem>> -> memref<128xi32, #tpu.memory_space<vmem>>
        %dma_start3A_439 = arith.constant 0 : i32
        %dma_start3A_440 = arith.constant 0 : i32
        %dma_start3A_441 = tpu.memref_slice %arg11[%dma_start3A_439, %dma_start3A_440] : memref<10240x128xf32, #tpu.memory_space<vmem_shared>> -> memref<10240x128xf32, #tpu.memory_space<vmem_shared>>
        tpu.enqueue_indirect_dma source(%arg9 : memref<128x128xf32, #tpu.memory_space<vmem>>) target(%dma_start3A_441 : memref<10240x128xf32, #tpu.memory_space<vmem_shared>>) offsets(%dma_start3A_438 : memref<128xi32, #tpu.memory_space<vmem>>) semaphore(%run_scoped3A : memref<!tpu.dma_semaphore, #tpu.memory_space<semaphore_mem>>) {add = true}
        %dma_wait3A_442 = arith.constant 768 : i32
        %dma_wait3A_443 = tpu.memref_slice %arg8[%dma_wait3A_442] : memref<5120xi32, #tpu.memory_space<vmem>> -> memref<128xi32, #tpu.memory_space<vmem>>
        %dma_wait3A_444 = arith.constant 0 : i32
        %dma_wait3A_445 = arith.constant 0 : i32
        %dma_wait3A_446 = tpu.memref_slice %arg11[%dma_wait3A_444, %dma_wait3A_445] : memref<10240x128xf32, #tpu.memory_space<vmem_shared>> -> memref<10240x128xf32, #tpu.memory_space<vmem_shared>>
        tpu.wait_indirect_dma semaphore(%run_scoped3A : memref<!tpu.dma_semaphore, #tpu.memory_space<semaphore_mem>>) src(%arg9 : memref<128x128xf32, #tpu.memory_space<vmem>>) dst(%dma_wait3A_446 : memref<10240x128xf32, #tpu.memory_space<vmem_shared>>)
        tpu.yield
      }) : () -> ()
      %dma_start3A_112 = arith.constant 1024 : i32
      %dma_start3A_113 = tpu.memref_slice %arg7[%dma_start3A_112] : memref<5120xi32, #tpu.memory_space<vmem>> -> memref<128xi32, #tpu.memory_space<vmem>>
      %dma_start3A_114 = arith.constant 0 : i32
      %dma_start3A_115 = arith.constant 0 : i32
      %dma_start3A_116 = tpu.memref_slice %arg2[%dma_start3A_114, %dma_start3A_115] : memref<10000x128xf32, #tpu.memory_space<hbm>> -> memref<10000x128xf32, #tpu.memory_space<hbm>>
      tpu.enqueue_indirect_dma source(%dma_start3A_116 : memref<10000x128xf32, #tpu.memory_space<hbm>>) target(%arg9 : memref<128x128xf32, #tpu.memory_space<vmem>>) offsets(%dma_start3A_113 : memref<128xi32, #tpu.memory_space<vmem>>) semaphore(%arg12 : memref<!tpu.dma_semaphore, #tpu.memory_space<semaphore_mem>>)
      %dma_wait3A_117 = arith.constant 896 : i32
      %dma_wait3A_118 = tpu.memref_slice %arg7[%dma_wait3A_117] : memref<5120xi32, #tpu.memory_space<vmem>> -> memref<128xi32, #tpu.memory_space<vmem>>
      %dma_wait3A_119 = arith.constant 0 : i32
      %dma_wait3A_120 = arith.constant 0 : i32
      %dma_wait3A_121 = tpu.memref_slice %arg2[%dma_wait3A_119, %dma_wait3A_120] : memref<10000x128xf32, #tpu.memory_space<hbm>> -> memref<10000x128xf32, #tpu.memory_space<hbm>>
      tpu.wait_indirect_dma semaphore(%arg13 : memref<!tpu.dma_semaphore, #tpu.memory_space<semaphore_mem>>) src(%dma_wait3A_121 : memref<10000x128xf32, #tpu.memory_space<hbm>>) dst(%arg10 : memref<128x128xf32, #tpu.memory_space<vmem>>)
      "tpu.region"() ({
        %run_scoped3A = tpu.sem_alloc : memref<!tpu.dma_semaphore, #tpu.memory_space<semaphore_mem>>
        %dma_start3A_437 = arith.constant 896 : i32
        %dma_start3A_438 = tpu.memref_slice %arg8[%dma_start3A_437] : memref<5120xi32, #tpu.memory_space<vmem>> -> memref<128xi32, #tpu.memory_space<vmem>>
        %dma_start3A_439 = arith.constant 0 : i32
        %dma_start3A_440 = arith.constant 0 : i32
        %dma_start3A_441 = tpu.memref_slice %arg11[%dma_start3A_439, %dma_start3A_440] : memref<10240x128xf32, #tpu.memory_space<vmem_shared>> -> memref<10240x128xf32, #tpu.memory_space<vmem_shared>>
        tpu.enqueue_indirect_dma source(%arg10 : memref<128x128xf32, #tpu.memory_space<vmem>>) target(%dma_start3A_441 : memref<10240x128xf32, #tpu.memory_space<vmem_shared>>) offsets(%dma_start3A_438 : memref<128xi32, #tpu.memory_space<vmem>>) semaphore(%run_scoped3A : memref<!tpu.dma_semaphore, #tpu.memory_space<semaphore_mem>>) {add = true}
        %dma_wait3A_442 = arith.constant 896 : i32
        %dma_wait3A_443 = tpu.memref_slice %arg8[%dma_wait3A_442] : memref<5120xi32, #tpu.memory_space<vmem>> -> memref<128xi32, #tpu.memory_space<vmem>>
        %dma_wait3A_444 = arith.constant 0 : i32
        %dma_wait3A_445 = arith.constant 0 : i32
        %dma_wait3A_446 = tpu.memref_slice %arg11[%dma_wait3A_444, %dma_wait3A_445] : memref<10240x128xf32, #tpu.memory_space<vmem_shared>> -> memref<10240x128xf32, #tpu.memory_space<vmem_shared>>
        tpu.wait_indirect_dma semaphore(%run_scoped3A : memref<!tpu.dma_semaphore, #tpu.memory_space<semaphore_mem>>) src(%arg10 : memref<128x128xf32, #tpu.memory_space<vmem>>) dst(%dma_wait3A_446 : memref<10240x128xf32, #tpu.memory_space<vmem_shared>>)
        tpu.yield
      }) : () -> ()
      %dma_start3A_122 = arith.constant 1152 : i32
      %dma_start3A_123 = tpu.memref_slice %arg7[%dma_start3A_122] : memref<5120xi32, #tpu.memory_space<vmem>> -> memref<128xi32, #tpu.memory_space<vmem>>
      %dma_start3A_124 = arith.constant 0 : i32
      %dma_start3A_125 = arith.constant 0 : i32
      %dma_start3A_126 = tpu.memref_slice %arg2[%dma_start3A_124, %dma_start3A_125] : memref<10000x128xf32, #tpu.memory_space<hbm>> -> memref<10000x128xf32, #tpu.memory_space<hbm>>
      tpu.enqueue_indirect_dma source(%dma_start3A_126 : memref<10000x128xf32, #tpu.memory_space<hbm>>) target(%arg10 : memref<128x128xf32, #tpu.memory_space<vmem>>) offsets(%dma_start3A_123 : memref<128xi32, #tpu.memory_space<vmem>>) semaphore(%arg13 : memref<!tpu.dma_semaphore, #tpu.memory_space<semaphore_mem>>)
      %dma_wait3A_127 = arith.constant 1024 : i32
      %dma_wait3A_128 = tpu.memref_slice %arg7[%dma_wait3A_127] : memref<5120xi32, #tpu.memory_space<vmem>> -> memref<128xi32, #tpu.memory_space<vmem>>
      %dma_wait3A_129 = arith.constant 0 : i32
      %dma_wait3A_130 = arith.constant 0 : i32
      %dma_wait3A_131 = tpu.memref_slice %arg2[%dma_wait3A_129, %dma_wait3A_130] : memref<10000x128xf32, #tpu.memory_space<hbm>> -> memref<10000x128xf32, #tpu.memory_space<hbm>>
      tpu.wait_indirect_dma semaphore(%arg12 : memref<!tpu.dma_semaphore, #tpu.memory_space<semaphore_mem>>) src(%dma_wait3A_131 : memref<10000x128xf32, #tpu.memory_space<hbm>>) dst(%arg9 : memref<128x128xf32, #tpu.memory_space<vmem>>)
      "tpu.region"() ({
        %run_scoped3A = tpu.sem_alloc : memref<!tpu.dma_semaphore, #tpu.memory_space<semaphore_mem>>
        %dma_start3A_437 = arith.constant 1024 : i32
        %dma_start3A_438 = tpu.memref_slice %arg8[%dma_start3A_437] : memref<5120xi32, #tpu.memory_space<vmem>> -> memref<128xi32, #tpu.memory_space<vmem>>
        %dma_start3A_439 = arith.constant 0 : i32
        %dma_start3A_440 = arith.constant 0 : i32
        %dma_start3A_441 = tpu.memref_slice %arg11[%dma_start3A_439, %dma_start3A_440] : memref<10240x128xf32, #tpu.memory_space<vmem_shared>> -> memref<10240x128xf32, #tpu.memory_space<vmem_shared>>
        tpu.enqueue_indirect_dma source(%arg9 : memref<128x128xf32, #tpu.memory_space<vmem>>) target(%dma_start3A_441 : memref<10240x128xf32, #tpu.memory_space<vmem_shared>>) offsets(%dma_start3A_438 : memref<128xi32, #tpu.memory_space<vmem>>) semaphore(%run_scoped3A : memref<!tpu.dma_semaphore, #tpu.memory_space<semaphore_mem>>) {add = true}
        %dma_wait3A_442 = arith.constant 1024 : i32
        %dma_wait3A_443 = tpu.memref_slice %arg8[%dma_wait3A_442] : memref<5120xi32, #tpu.memory_space<vmem>> -> memref<128xi32, #tpu.memory_space<vmem>>
        %dma_wait3A_444 = arith.constant 0 : i32
        %dma_wait3A_445 = arith.constant 0 : i32
        %dma_wait3A_446 = tpu.memref_slice %arg11[%dma_wait3A_444, %dma_wait3A_445] : memref<10240x128xf32, #tpu.memory_space<vmem_shared>> -> memref<10240x128xf32, #tpu.memory_space<vmem_shared>>
        tpu.wait_indirect_dma semaphore(%run_scoped3A : memref<!tpu.dma_semaphore, #tpu.memory_space<semaphore_mem>>) src(%arg9 : memref<128x128xf32, #tpu.memory_space<vmem>>) dst(%dma_wait3A_446 : memref<10240x128xf32, #tpu.memory_space<vmem_shared>>)
        tpu.yield
      }) : () -> ()
      %dma_start3A_132 = arith.constant 1280 : i32
      %dma_start3A_133 = tpu.memref_slice %arg7[%dma_start3A_132] : memref<5120xi32, #tpu.memory_space<vmem>> -> memref<128xi32, #tpu.memory_space<vmem>>
      %dma_start3A_134 = arith.constant 0 : i32
      %dma_start3A_135 = arith.constant 0 : i32
      %dma_start3A_136 = tpu.memref_slice %arg2[%dma_start3A_134, %dma_start3A_135] : memref<10000x128xf32, #tpu.memory_space<hbm>> -> memref<10000x128xf32, #tpu.memory_space<hbm>>
      tpu.enqueue_indirect_dma source(%dma_start3A_136 : memref<10000x128xf32, #tpu.memory_space<hbm>>) target(%arg9 : memref<128x128xf32, #tpu.memory_space<vmem>>) offsets(%dma_start3A_133 : memref<128xi32, #tpu.memory_space<vmem>>) semaphore(%arg12 : memref<!tpu.dma_semaphore, #tpu.memory_space<semaphore_mem>>)
      %dma_wait3A_137 = arith.constant 1152 : i32
      %dma_wait3A_138 = tpu.memref_slice %arg7[%dma_wait3A_137] : memref<5120xi32, #tpu.memory_space<vmem>> -> memref<128xi32, #tpu.memory_space<vmem>>
      %dma_wait3A_139 = arith.constant 0 : i32
      %dma_wait3A_140 = arith.constant 0 : i32
      %dma_wait3A_141 = tpu.memref_slice %arg2[%dma_wait3A_139, %dma_wait3A_140] : memref<10000x128xf32, #tpu.memory_space<hbm>> -> memref<10000x128xf32, #tpu.memory_space<hbm>>
      tpu.wait_indirect_dma semaphore(%arg13 : memref<!tpu.dma_semaphore, #tpu.memory_space<semaphore_mem>>) src(%dma_wait3A_141 : memref<10000x128xf32, #tpu.memory_space<hbm>>) dst(%arg10 : memref<128x128xf32, #tpu.memory_space<vmem>>)
      "tpu.region"() ({
        %run_scoped3A = tpu.sem_alloc : memref<!tpu.dma_semaphore, #tpu.memory_space<semaphore_mem>>
        %dma_start3A_437 = arith.constant 1152 : i32
        %dma_start3A_438 = tpu.memref_slice %arg8[%dma_start3A_437] : memref<5120xi32, #tpu.memory_space<vmem>> -> memref<128xi32, #tpu.memory_space<vmem>>
        %dma_start3A_439 = arith.constant 0 : i32
        %dma_start3A_440 = arith.constant 0 : i32
        %dma_start3A_441 = tpu.memref_slice %arg11[%dma_start3A_439, %dma_start3A_440] : memref<10240x128xf32, #tpu.memory_space<vmem_shared>> -> memref<10240x128xf32, #tpu.memory_space<vmem_shared>>
        tpu.enqueue_indirect_dma source(%arg10 : memref<128x128xf32, #tpu.memory_space<vmem>>) target(%dma_start3A_441 : memref<10240x128xf32, #tpu.memory_space<vmem_shared>>) offsets(%dma_start3A_438 : memref<128xi32, #tpu.memory_space<vmem>>) semaphore(%run_scoped3A : memref<!tpu.dma_semaphore, #tpu.memory_space<semaphore_mem>>) {add = true}
        %dma_wait3A_442 = arith.constant 1152 : i32
        %dma_wait3A_443 = tpu.memref_slice %arg8[%dma_wait3A_442] : memref<5120xi32, #tpu.memory_space<vmem>> -> memref<128xi32, #tpu.memory_space<vmem>>
        %dma_wait3A_444 = arith.constant 0 : i32
        %dma_wait3A_445 = arith.constant 0 : i32
        %dma_wait3A_446 = tpu.memref_slice %arg11[%dma_wait3A_444, %dma_wait3A_445] : memref<10240x128xf32, #tpu.memory_space<vmem_shared>> -> memref<10240x128xf32, #tpu.memory_space<vmem_shared>>
        tpu.wait_indirect_dma semaphore(%run_scoped3A : memref<!tpu.dma_semaphore, #tpu.memory_space<semaphore_mem>>) src(%arg10 : memref<128x128xf32, #tpu.memory_space<vmem>>) dst(%dma_wait3A_446 : memref<10240x128xf32, #tpu.memory_space<vmem_shared>>)
        tpu.yield
      }) : () -> ()
      %dma_start3A_142 = arith.constant 1408 : i32
      %dma_start3A_143 = tpu.memref_slice %arg7[%dma_start3A_142] : memref<5120xi32, #tpu.memory_space<vmem>> -> memref<128xi32, #tpu.memory_space<vmem>>
      %dma_start3A_144 = arith.constant 0 : i32
      %dma_start3A_145 = arith.constant 0 : i32
      %dma_start3A_146 = tpu.memref_slice %arg2[%dma_start3A_144, %dma_start3A_145] : memref<10000x128xf32, #tpu.memory_space<hbm>> -> memref<10000x128xf32, #tpu.memory_space<hbm>>
      tpu.enqueue_indirect_dma source(%dma_start3A_146 : memref<10000x128xf32, #tpu.memory_space<hbm>>) target(%arg10 : memref<128x128xf32, #tpu.memory_space<vmem>>) offsets(%dma_start3A_143 : memref<128xi32, #tpu.memory_space<vmem>>) semaphore(%arg13 : memref<!tpu.dma_semaphore, #tpu.memory_space<semaphore_mem>>)
      %dma_wait3A_147 = arith.constant 1280 : i32
      %dma_wait3A_148 = tpu.memref_slice %arg7[%dma_wait3A_147] : memref<5120xi32, #tpu.memory_space<vmem>> -> memref<128xi32, #tpu.memory_space<vmem>>
      %dma_wait3A_149 = arith.constant 0 : i32
      %dma_wait3A_150 = arith.constant 0 : i32
      %dma_wait3A_151 = tpu.memref_slice %arg2[%dma_wait3A_149, %dma_wait3A_150] : memref<10000x128xf32, #tpu.memory_space<hbm>> -> memref<10000x128xf32, #tpu.memory_space<hbm>>
      tpu.wait_indirect_dma semaphore(%arg12 : memref<!tpu.dma_semaphore, #tpu.memory_space<semaphore_mem>>) src(%dma_wait3A_151 : memref<10000x128xf32, #tpu.memory_space<hbm>>) dst(%arg9 : memref<128x128xf32, #tpu.memory_space<vmem>>)
      "tpu.region"() ({
        %run_scoped3A = tpu.sem_alloc : memref<!tpu.dma_semaphore, #tpu.memory_space<semaphore_mem>>
        %dma_start3A_437 = arith.constant 1280 : i32
        %dma_start3A_438 = tpu.memref_slice %arg8[%dma_start3A_437] : memref<5120xi32, #tpu.memory_space<vmem>> -> memref<128xi32, #tpu.memory_space<vmem>>
        %dma_start3A_439 = arith.constant 0 : i32
        %dma_start3A_440 = arith.constant 0 : i32
        %dma_start3A_441 = tpu.memref_slice %arg11[%dma_start3A_439, %dma_start3A_440] : memref<10240x128xf32, #tpu.memory_space<vmem_shared>> -> memref<10240x128xf32, #tpu.memory_space<vmem_shared>>
        tpu.enqueue_indirect_dma source(%arg9 : memref<128x128xf32, #tpu.memory_space<vmem>>) target(%dma_start3A_441 : memref<10240x128xf32, #tpu.memory_space<vmem_shared>>) offsets(%dma_start3A_438 : memref<128xi32, #tpu.memory_space<vmem>>) semaphore(%run_scoped3A : memref<!tpu.dma_semaphore, #tpu.memory_space<semaphore_mem>>) {add = true}
        %dma_wait3A_442 = arith.constant 1280 : i32
        %dma_wait3A_443 = tpu.memref_slice %arg8[%dma_wait3A_442] : memref<5120xi32, #tpu.memory_space<vmem>> -> memref<128xi32, #tpu.memory_space<vmem>>
        %dma_wait3A_444 = arith.constant 0 : i32
        %dma_wait3A_445 = arith.constant 0 : i32
        %dma_wait3A_446 = tpu.memref_slice %arg11[%dma_wait3A_444, %dma_wait3A_445] : memref<10240x128xf32, #tpu.memory_space<vmem_shared>> -> memref<10240x128xf32, #tpu.memory_space<vmem_shared>>
        tpu.wait_indirect_dma semaphore(%run_scoped3A : memref<!tpu.dma_semaphore, #tpu.memory_space<semaphore_mem>>) src(%arg9 : memref<128x128xf32, #tpu.memory_space<vmem>>) dst(%dma_wait3A_446 : memref<10240x128xf32, #tpu.memory_space<vmem_shared>>)
        tpu.yield
      }) : () -> ()
      %dma_start3A_152 = arith.constant 1536 : i32
      %dma_start3A_153 = tpu.memref_slice %arg7[%dma_start3A_152] : memref<5120xi32, #tpu.memory_space<vmem>> -> memref<128xi32, #tpu.memory_space<vmem>>
      %dma_start3A_154 = arith.constant 0 : i32
      %dma_start3A_155 = arith.constant 0 : i32
      %dma_start3A_156 = tpu.memref_slice %arg2[%dma_start3A_154, %dma_start3A_155] : memref<10000x128xf32, #tpu.memory_space<hbm>> -> memref<10000x128xf32, #tpu.memory_space<hbm>>
      tpu.enqueue_indirect_dma source(%dma_start3A_156 : memref<10000x128xf32, #tpu.memory_space<hbm>>) target(%arg9 : memref<128x128xf32, #tpu.memory_space<vmem>>) offsets(%dma_start3A_153 : memref<128xi32, #tpu.memory_space<vmem>>) semaphore(%arg12 : memref<!tpu.dma_semaphore, #tpu.memory_space<semaphore_mem>>)
      %dma_wait3A_157 = arith.constant 1408 : i32
      %dma_wait3A_158 = tpu.memref_slice %arg7[%dma_wait3A_157] : memref<5120xi32, #tpu.memory_space<vmem>> -> memref<128xi32, #tpu.memory_space<vmem>>
      %dma_wait3A_159 = arith.constant 0 : i32
      %dma_wait3A_160 = arith.constant 0 : i32
      %dma_wait3A_161 = tpu.memref_slice %arg2[%dma_wait3A_159, %dma_wait3A_160] : memref<10000x128xf32, #tpu.memory_space<hbm>> -> memref<10000x128xf32, #tpu.memory_space<hbm>>
      tpu.wait_indirect_dma semaphore(%arg13 : memref<!tpu.dma_semaphore, #tpu.memory_space<semaphore_mem>>) src(%dma_wait3A_161 : memref<10000x128xf32, #tpu.memory_space<hbm>>) dst(%arg10 : memref<128x128xf32, #tpu.memory_space<vmem>>)
      "tpu.region"() ({
        %run_scoped3A = tpu.sem_alloc : memref<!tpu.dma_semaphore, #tpu.memory_space<semaphore_mem>>
        %dma_start3A_437 = arith.constant 1408 : i32
        %dma_start3A_438 = tpu.memref_slice %arg8[%dma_start3A_437] : memref<5120xi32, #tpu.memory_space<vmem>> -> memref<128xi32, #tpu.memory_space<vmem>>
        %dma_start3A_439 = arith.constant 0 : i32
        %dma_start3A_440 = arith.constant 0 : i32
        %dma_start3A_441 = tpu.memref_slice %arg11[%dma_start3A_439, %dma_start3A_440] : memref<10240x128xf32, #tpu.memory_space<vmem_shared>> -> memref<10240x128xf32, #tpu.memory_space<vmem_shared>>
        tpu.enqueue_indirect_dma source(%arg10 : memref<128x128xf32, #tpu.memory_space<vmem>>) target(%dma_start3A_441 : memref<10240x128xf32, #tpu.memory_space<vmem_shared>>) offsets(%dma_start3A_438 : memref<128xi32, #tpu.memory_space<vmem>>) semaphore(%run_scoped3A : memref<!tpu.dma_semaphore, #tpu.memory_space<semaphore_mem>>) {add = true}
        %dma_wait3A_442 = arith.constant 1408 : i32
        %dma_wait3A_443 = tpu.memref_slice %arg8[%dma_wait3A_442] : memref<5120xi32, #tpu.memory_space<vmem>> -> memref<128xi32, #tpu.memory_space<vmem>>
        %dma_wait3A_444 = arith.constant 0 : i32
        %dma_wait3A_445 = arith.constant 0 : i32
        %dma_wait3A_446 = tpu.memref_slice %arg11[%dma_wait3A_444, %dma_wait3A_445] : memref<10240x128xf32, #tpu.memory_space<vmem_shared>> -> memref<10240x128xf32, #tpu.memory_space<vmem_shared>>
        tpu.wait_indirect_dma semaphore(%run_scoped3A : memref<!tpu.dma_semaphore, #tpu.memory_space<semaphore_mem>>) src(%arg10 : memref<128x128xf32, #tpu.memory_space<vmem>>) dst(%dma_wait3A_446 : memref<10240x128xf32, #tpu.memory_space<vmem_shared>>)
        tpu.yield
      }) : () -> ()
      %dma_start3A_162 = arith.constant 1664 : i32
      %dma_start3A_163 = tpu.memref_slice %arg7[%dma_start3A_162] : memref<5120xi32, #tpu.memory_space<vmem>> -> memref<128xi32, #tpu.memory_space<vmem>>
      %dma_start3A_164 = arith.constant 0 : i32
      %dma_start3A_165 = arith.constant 0 : i32
      %dma_start3A_166 = tpu.memref_slice %arg2[%dma_start3A_164, %dma_start3A_165] : memref<10000x128xf32, #tpu.memory_space<hbm>> -> memref<10000x128xf32, #tpu.memory_space<hbm>>
      tpu.enqueue_indirect_dma source(%dma_start3A_166 : memref<10000x128xf32, #tpu.memory_space<hbm>>) target(%arg10 : memref<128x128xf32, #tpu.memory_space<vmem>>) offsets(%dma_start3A_163 : memref<128xi32, #tpu.memory_space<vmem>>) semaphore(%arg13 : memref<!tpu.dma_semaphore, #tpu.memory_space<semaphore_mem>>)
      %dma_wait3A_167 = arith.constant 1536 : i32
      %dma_wait3A_168 = tpu.memref_slice %arg7[%dma_wait3A_167] : memref<5120xi32, #tpu.memory_space<vmem>> -> memref<128xi32, #tpu.memory_space<vmem>>
      %dma_wait3A_169 = arith.constant 0 : i32
      %dma_wait3A_170 = arith.constant 0 : i32
      %dma_wait3A_171 = tpu.memref_slice %arg2[%dma_wait3A_169, %dma_wait3A_170] : memref<10000x128xf32, #tpu.memory_space<hbm>> -> memref<10000x128xf32, #tpu.memory_space<hbm>>
      tpu.wait_indirect_dma semaphore(%arg12 : memref<!tpu.dma_semaphore, #tpu.memory_space<semaphore_mem>>) src(%dma_wait3A_171 : memref<10000x128xf32, #tpu.memory_space<hbm>>) dst(%arg9 : memref<128x128xf32, #tpu.memory_space<vmem>>)
      "tpu.region"() ({
        %run_scoped3A = tpu.sem_alloc : memref<!tpu.dma_semaphore, #tpu.memory_space<semaphore_mem>>
        %dma_start3A_437 = arith.constant 1536 : i32
        %dma_start3A_438 = tpu.memref_slice %arg8[%dma_start3A_437] : memref<5120xi32, #tpu.memory_space<vmem>> -> memref<128xi32, #tpu.memory_space<vmem>>
        %dma_start3A_439 = arith.constant 0 : i32
        %dma_start3A_440 = arith.constant 0 : i32
        %dma_start3A_441 = tpu.memref_slice %arg11[%dma_start3A_439, %dma_start3A_440] : memref<10240x128xf32, #tpu.memory_space<vmem_shared>> -> memref<10240x128xf32, #tpu.memory_space<vmem_shared>>
        tpu.enqueue_indirect_dma source(%arg9 : memref<128x128xf32, #tpu.memory_space<vmem>>) target(%dma_start3A_441 : memref<10240x128xf32, #tpu.memory_space<vmem_shared>>) offsets(%dma_start3A_438 : memref<128xi32, #tpu.memory_space<vmem>>) semaphore(%run_scoped3A : memref<!tpu.dma_semaphore, #tpu.memory_space<semaphore_mem>>) {add = true}
        %dma_wait3A_442 = arith.constant 1536 : i32
        %dma_wait3A_443 = tpu.memref_slice %arg8[%dma_wait3A_442] : memref<5120xi32, #tpu.memory_space<vmem>> -> memref<128xi32, #tpu.memory_space<vmem>>
        %dma_wait3A_444 = arith.constant 0 : i32
        %dma_wait3A_445 = arith.constant 0 : i32
        %dma_wait3A_446 = tpu.memref_slice %arg11[%dma_wait3A_444, %dma_wait3A_445] : memref<10240x128xf32, #tpu.memory_space<vmem_shared>> -> memref<10240x128xf32, #tpu.memory_space<vmem_shared>>
        tpu.wait_indirect_dma semaphore(%run_scoped3A : memref<!tpu.dma_semaphore, #tpu.memory_space<semaphore_mem>>) src(%arg9 : memref<128x128xf32, #tpu.memory_space<vmem>>) dst(%dma_wait3A_446 : memref<10240x128xf32, #tpu.memory_space<vmem_shared>>)
        tpu.yield
      }) : () -> ()
      %dma_start3A_172 = arith.constant 1792 : i32
      %dma_start3A_173 = tpu.memref_slice %arg7[%dma_start3A_172] : memref<5120xi32, #tpu.memory_space<vmem>> -> memref<128xi32, #tpu.memory_space<vmem>>
      %dma_start3A_174 = arith.constant 0 : i32
      %dma_start3A_175 = arith.constant 0 : i32
      %dma_start3A_176 = tpu.memref_slice %arg2[%dma_start3A_174, %dma_start3A_175] : memref<10000x128xf32, #tpu.memory_space<hbm>> -> memref<10000x128xf32, #tpu.memory_space<hbm>>
      tpu.enqueue_indirect_dma source(%dma_start3A_176 : memref<10000x128xf32, #tpu.memory_space<hbm>>) target(%arg9 : memref<128x128xf32, #tpu.memory_space<vmem>>) offsets(%dma_start3A_173 : memref<128xi32, #tpu.memory_space<vmem>>) semaphore(%arg12 : memref<!tpu.dma_semaphore, #tpu.memory_space<semaphore_mem>>)
      %dma_wait3A_177 = arith.constant 1664 : i32
      %dma_wait3A_178 = tpu.memref_slice %arg7[%dma_wait3A_177] : memref<5120xi32, #tpu.memory_space<vmem>> -> memref<128xi32, #tpu.memory_space<vmem>>
      %dma_wait3A_179 = arith.constant 0 : i32
      %dma_wait3A_180 = arith.constant 0 : i32
      %dma_wait3A_181 = tpu.memref_slice %arg2[%dma_wait3A_179, %dma_wait3A_180] : memref<10000x128xf32, #tpu.memory_space<hbm>> -> memref<10000x128xf32, #tpu.memory_space<hbm>>
      tpu.wait_indirect_dma semaphore(%arg13 : memref<!tpu.dma_semaphore, #tpu.memory_space<semaphore_mem>>) src(%dma_wait3A_181 : memref<10000x128xf32, #tpu.memory_space<hbm>>) dst(%arg10 : memref<128x128xf32, #tpu.memory_space<vmem>>)
      "tpu.region"() ({
        %run_scoped3A = tpu.sem_alloc : memref<!tpu.dma_semaphore, #tpu.memory_space<semaphore_mem>>
        %dma_start3A_437 = arith.constant 1664 : i32
        %dma_start3A_438 = tpu.memref_slice %arg8[%dma_start3A_437] : memref<5120xi32, #tpu.memory_space<vmem>> -> memref<128xi32, #tpu.memory_space<vmem>>
        %dma_start3A_439 = arith.constant 0 : i32
        %dma_start3A_440 = arith.constant 0 : i32
        %dma_start3A_441 = tpu.memref_slice %arg11[%dma_start3A_439, %dma_start3A_440] : memref<10240x128xf32, #tpu.memory_space<vmem_shared>> -> memref<10240x128xf32, #tpu.memory_space<vmem_shared>>
        tpu.enqueue_indirect_dma source(%arg10 : memref<128x128xf32, #tpu.memory_space<vmem>>) target(%dma_start3A_441 : memref<10240x128xf32, #tpu.memory_space<vmem_shared>>) offsets(%dma_start3A_438 : memref<128xi32, #tpu.memory_space<vmem>>) semaphore(%run_scoped3A : memref<!tpu.dma_semaphore, #tpu.memory_space<semaphore_mem>>) {add = true}
        %dma_wait3A_442 = arith.constant 1664 : i32
        %dma_wait3A_443 = tpu.memref_slice %arg8[%dma_wait3A_442] : memref<5120xi32, #tpu.memory_space<vmem>> -> memref<128xi32, #tpu.memory_space<vmem>>
        %dma_wait3A_444 = arith.constant 0 : i32
        %dma_wait3A_445 = arith.constant 0 : i32
        %dma_wait3A_446 = tpu.memref_slice %arg11[%dma_wait3A_444, %dma_wait3A_445] : memref<10240x128xf32, #tpu.memory_space<vmem_shared>> -> memref<10240x128xf32, #tpu.memory_space<vmem_shared>>
        tpu.wait_indirect_dma semaphore(%run_scoped3A : memref<!tpu.dma_semaphore, #tpu.memory_space<semaphore_mem>>) src(%arg10 : memref<128x128xf32, #tpu.memory_space<vmem>>) dst(%dma_wait3A_446 : memref<10240x128xf32, #tpu.memory_space<vmem_shared>>)
        tpu.yield
      }) : () -> ()
      %dma_start3A_182 = arith.constant 1920 : i32
      %dma_start3A_183 = tpu.memref_slice %arg7[%dma_start3A_182] : memref<5120xi32, #tpu.memory_space<vmem>> -> memref<128xi32, #tpu.memory_space<vmem>>
      %dma_start3A_184 = arith.constant 0 : i32
      %dma_start3A_185 = arith.constant 0 : i32
      %dma_start3A_186 = tpu.memref_slice %arg2[%dma_start3A_184, %dma_start3A_185] : memref<10000x128xf32, #tpu.memory_space<hbm>> -> memref<10000x128xf32, #tpu.memory_space<hbm>>
      tpu.enqueue_indirect_dma source(%dma_start3A_186 : memref<10000x128xf32, #tpu.memory_space<hbm>>) target(%arg10 : memref<128x128xf32, #tpu.memory_space<vmem>>) offsets(%dma_start3A_183 : memref<128xi32, #tpu.memory_space<vmem>>) semaphore(%arg13 : memref<!tpu.dma_semaphore, #tpu.memory_space<semaphore_mem>>)
      %dma_wait3A_187 = arith.constant 1792 : i32
      %dma_wait3A_188 = tpu.memref_slice %arg7[%dma_wait3A_187] : memref<5120xi32, #tpu.memory_space<vmem>> -> memref<128xi32, #tpu.memory_space<vmem>>
      %dma_wait3A_189 = arith.constant 0 : i32
      %dma_wait3A_190 = arith.constant 0 : i32
      %dma_wait3A_191 = tpu.memref_slice %arg2[%dma_wait3A_189, %dma_wait3A_190] : memref<10000x128xf32, #tpu.memory_space<hbm>> -> memref<10000x128xf32, #tpu.memory_space<hbm>>
      tpu.wait_indirect_dma semaphore(%arg12 : memref<!tpu.dma_semaphore, #tpu.memory_space<semaphore_mem>>) src(%dma_wait3A_191 : memref<10000x128xf32, #tpu.memory_space<hbm>>) dst(%arg9 : memref<128x128xf32, #tpu.memory_space<vmem>>)
      "tpu.region"() ({
        %run_scoped3A = tpu.sem_alloc : memref<!tpu.dma_semaphore, #tpu.memory_space<semaphore_mem>>
        %dma_start3A_437 = arith.constant 1792 : i32
        %dma_start3A_438 = tpu.memref_slice %arg8[%dma_start3A_437] : memref<5120xi32, #tpu.memory_space<vmem>> -> memref<128xi32, #tpu.memory_space<vmem>>
        %dma_start3A_439 = arith.constant 0 : i32
        %dma_start3A_440 = arith.constant 0 : i32
        %dma_start3A_441 = tpu.memref_slice %arg11[%dma_start3A_439, %dma_start3A_440] : memref<10240x128xf32, #tpu.memory_space<vmem_shared>> -> memref<10240x128xf32, #tpu.memory_space<vmem_shared>>
        tpu.enqueue_indirect_dma source(%arg9 : memref<128x128xf32, #tpu.memory_space<vmem>>) target(%dma_start3A_441 : memref<10240x128xf32, #tpu.memory_space<vmem_shared>>) offsets(%dma_start3A_438 : memref<128xi32, #tpu.memory_space<vmem>>) semaphore(%run_scoped3A : memref<!tpu.dma_semaphore, #tpu.memory_space<semaphore_mem>>) {add = true}
        %dma_wait3A_442 = arith.constant 1792 : i32
        %dma_wait3A_443 = tpu.memref_slice %arg8[%dma_wait3A_442] : memref<5120xi32, #tpu.memory_space<vmem>> -> memref<128xi32, #tpu.memory_space<vmem>>
        %dma_wait3A_444 = arith.constant 0 : i32
        %dma_wait3A_445 = arith.constant 0 : i32
        %dma_wait3A_446 = tpu.memref_slice %arg11[%dma_wait3A_444, %dma_wait3A_445] : memref<10240x128xf32, #tpu.memory_space<vmem_shared>> -> memref<10240x128xf32, #tpu.memory_space<vmem_shared>>
        tpu.wait_indirect_dma semaphore(%run_scoped3A : memref<!tpu.dma_semaphore, #tpu.memory_space<semaphore_mem>>) src(%arg9 : memref<128x128xf32, #tpu.memory_space<vmem>>) dst(%dma_wait3A_446 : memref<10240x128xf32, #tpu.memory_space<vmem_shared>>)
        tpu.yield
      }) : () -> ()
      %dma_start3A_192 = arith.constant 2048 : i32
      %dma_start3A_193 = tpu.memref_slice %arg7[%dma_start3A_192] : memref<5120xi32, #tpu.memory_space<vmem>> -> memref<128xi32, #tpu.memory_space<vmem>>
      %dma_start3A_194 = arith.constant 0 : i32
      %dma_start3A_195 = arith.constant 0 : i32
      %dma_start3A_196 = tpu.memref_slice %arg2[%dma_start3A_194, %dma_start3A_195] : memref<10000x128xf32, #tpu.memory_space<hbm>> -> memref<10000x128xf32, #tpu.memory_space<hbm>>
      tpu.enqueue_indirect_dma source(%dma_start3A_196 : memref<10000x128xf32, #tpu.memory_space<hbm>>) target(%arg9 : memref<128x128xf32, #tpu.memory_space<vmem>>) offsets(%dma_start3A_193 : memref<128xi32, #tpu.memory_space<vmem>>) semaphore(%arg12 : memref<!tpu.dma_semaphore, #tpu.memory_space<semaphore_mem>>)
      %dma_wait3A_197 = arith.constant 1920 : i32
      %dma_wait3A_198 = tpu.memref_slice %arg7[%dma_wait3A_197] : memref<5120xi32, #tpu.memory_space<vmem>> -> memref<128xi32, #tpu.memory_space<vmem>>
      %dma_wait3A_199 = arith.constant 0 : i32
      %dma_wait3A_200 = arith.constant 0 : i32
      %dma_wait3A_201 = tpu.memref_slice %arg2[%dma_wait3A_199, %dma_wait3A_200] : memref<10000x128xf32, #tpu.memory_space<hbm>> -> memref<10000x128xf32, #tpu.memory_space<hbm>>
      tpu.wait_indirect_dma semaphore(%arg13 : memref<!tpu.dma_semaphore, #tpu.memory_space<semaphore_mem>>) src(%dma_wait3A_201 : memref<10000x128xf32, #tpu.memory_space<hbm>>) dst(%arg10 : memref<128x128xf32, #tpu.memory_space<vmem>>)
      "tpu.region"() ({
        %run_scoped3A = tpu.sem_alloc : memref<!tpu.dma_semaphore, #tpu.memory_space<semaphore_mem>>
        %dma_start3A_437 = arith.constant 1920 : i32
        %dma_start3A_438 = tpu.memref_slice %arg8[%dma_start3A_437] : memref<5120xi32, #tpu.memory_space<vmem>> -> memref<128xi32, #tpu.memory_space<vmem>>
        %dma_start3A_439 = arith.constant 0 : i32
        %dma_start3A_440 = arith.constant 0 : i32
        %dma_start3A_441 = tpu.memref_slice %arg11[%dma_start3A_439, %dma_start3A_440] : memref<10240x128xf32, #tpu.memory_space<vmem_shared>> -> memref<10240x128xf32, #tpu.memory_space<vmem_shared>>
        tpu.enqueue_indirect_dma source(%arg10 : memref<128x128xf32, #tpu.memory_space<vmem>>) target(%dma_start3A_441 : memref<10240x128xf32, #tpu.memory_space<vmem_shared>>) offsets(%dma_start3A_438 : memref<128xi32, #tpu.memory_space<vmem>>) semaphore(%run_scoped3A : memref<!tpu.dma_semaphore, #tpu.memory_space<semaphore_mem>>) {add = true}
        %dma_wait3A_442 = arith.constant 1920 : i32
        %dma_wait3A_443 = tpu.memref_slice %arg8[%dma_wait3A_442] : memref<5120xi32, #tpu.memory_space<vmem>> -> memref<128xi32, #tpu.memory_space<vmem>>
        %dma_wait3A_444 = arith.constant 0 : i32
        %dma_wait3A_445 = arith.constant 0 : i32
        %dma_wait3A_446 = tpu.memref_slice %arg11[%dma_wait3A_444, %dma_wait3A_445] : memref<10240x128xf32, #tpu.memory_space<vmem_shared>> -> memref<10240x128xf32, #tpu.memory_space<vmem_shared>>
        tpu.wait_indirect_dma semaphore(%run_scoped3A : memref<!tpu.dma_semaphore, #tpu.memory_space<semaphore_mem>>) src(%arg10 : memref<128x128xf32, #tpu.memory_space<vmem>>) dst(%dma_wait3A_446 : memref<10240x128xf32, #tpu.memory_space<vmem_shared>>)
        tpu.yield
      }) : () -> ()
      %dma_start3A_202 = arith.constant 2176 : i32
      %dma_start3A_203 = tpu.memref_slice %arg7[%dma_start3A_202] : memref<5120xi32, #tpu.memory_space<vmem>> -> memref<128xi32, #tpu.memory_space<vmem>>
      %dma_start3A_204 = arith.constant 0 : i32
      %dma_start3A_205 = arith.constant 0 : i32
      %dma_start3A_206 = tpu.memref_slice %arg2[%dma_start3A_204, %dma_start3A_205] : memref<10000x128xf32, #tpu.memory_space<hbm>> -> memref<10000x128xf32, #tpu.memory_space<hbm>>
      tpu.enqueue_indirect_dma source(%dma_start3A_206 : memref<10000x128xf32, #tpu.memory_space<hbm>>) target(%arg10 : memref<128x128xf32, #tpu.memory_space<vmem>>) offsets(%dma_start3A_203 : memref<128xi32, #tpu.memory_space<vmem>>) semaphore(%arg13 : memref<!tpu.dma_semaphore, #tpu.memory_space<semaphore_mem>>)
      %dma_wait3A_207 = arith.constant 2048 : i32
      %dma_wait3A_208 = tpu.memref_slice %arg7[%dma_wait3A_207] : memref<5120xi32, #tpu.memory_space<vmem>> -> memref<128xi32, #tpu.memory_space<vmem>>
      %dma_wait3A_209 = arith.constant 0 : i32
      %dma_wait3A_210 = arith.constant 0 : i32
      %dma_wait3A_211 = tpu.memref_slice %arg2[%dma_wait3A_209, %dma_wait3A_210] : memref<10000x128xf32, #tpu.memory_space<hbm>> -> memref<10000x128xf32, #tpu.memory_space<hbm>>
      tpu.wait_indirect_dma semaphore(%arg12 : memref<!tpu.dma_semaphore, #tpu.memory_space<semaphore_mem>>) src(%dma_wait3A_211 : memref<10000x128xf32, #tpu.memory_space<hbm>>) dst(%arg9 : memref<128x128xf32, #tpu.memory_space<vmem>>)
      "tpu.region"() ({
        %run_scoped3A = tpu.sem_alloc : memref<!tpu.dma_semaphore, #tpu.memory_space<semaphore_mem>>
        %dma_start3A_437 = arith.constant 2048 : i32
        %dma_start3A_438 = tpu.memref_slice %arg8[%dma_start3A_437] : memref<5120xi32, #tpu.memory_space<vmem>> -> memref<128xi32, #tpu.memory_space<vmem>>
        %dma_start3A_439 = arith.constant 0 : i32
        %dma_start3A_440 = arith.constant 0 : i32
        %dma_start3A_441 = tpu.memref_slice %arg11[%dma_start3A_439, %dma_start3A_440] : memref<10240x128xf32, #tpu.memory_space<vmem_shared>> -> memref<10240x128xf32, #tpu.memory_space<vmem_shared>>
        tpu.enqueue_indirect_dma source(%arg9 : memref<128x128xf32, #tpu.memory_space<vmem>>) target(%dma_start3A_441 : memref<10240x128xf32, #tpu.memory_space<vmem_shared>>) offsets(%dma_start3A_438 : memref<128xi32, #tpu.memory_space<vmem>>) semaphore(%run_scoped3A : memref<!tpu.dma_semaphore, #tpu.memory_space<semaphore_mem>>) {add = true}
        %dma_wait3A_442 = arith.constant 2048 : i32
        %dma_wait3A_443 = tpu.memref_slice %arg8[%dma_wait3A_442] : memref<5120xi32, #tpu.memory_space<vmem>> -> memref<128xi32, #tpu.memory_space<vmem>>
        %dma_wait3A_444 = arith.constant 0 : i32
        %dma_wait3A_445 = arith.constant 0 : i32
        %dma_wait3A_446 = tpu.memref_slice %arg11[%dma_wait3A_444, %dma_wait3A_445] : memref<10240x128xf32, #tpu.memory_space<vmem_shared>> -> memref<10240x128xf32, #tpu.memory_space<vmem_shared>>
        tpu.wait_indirect_dma semaphore(%run_scoped3A : memref<!tpu.dma_semaphore, #tpu.memory_space<semaphore_mem>>) src(%arg9 : memref<128x128xf32, #tpu.memory_space<vmem>>) dst(%dma_wait3A_446 : memref<10240x128xf32, #tpu.memory_space<vmem_shared>>)
        tpu.yield
      }) : () -> ()
      %dma_start3A_212 = arith.constant 2304 : i32
      %dma_start3A_213 = tpu.memref_slice %arg7[%dma_start3A_212] : memref<5120xi32, #tpu.memory_space<vmem>> -> memref<128xi32, #tpu.memory_space<vmem>>
      %dma_start3A_214 = arith.constant 0 : i32
      %dma_start3A_215 = arith.constant 0 : i32
      %dma_start3A_216 = tpu.memref_slice %arg2[%dma_start3A_214, %dma_start3A_215] : memref<10000x128xf32, #tpu.memory_space<hbm>> -> memref<10000x128xf32, #tpu.memory_space<hbm>>
      tpu.enqueue_indirect_dma source(%dma_start3A_216 : memref<10000x128xf32, #tpu.memory_space<hbm>>) target(%arg9 : memref<128x128xf32, #tpu.memory_space<vmem>>) offsets(%dma_start3A_213 : memref<128xi32, #tpu.memory_space<vmem>>) semaphore(%arg12 : memref<!tpu.dma_semaphore, #tpu.memory_space<semaphore_mem>>)
      %dma_wait3A_217 = arith.constant 2176 : i32
      %dma_wait3A_218 = tpu.memref_slice %arg7[%dma_wait3A_217] : memref<5120xi32, #tpu.memory_space<vmem>> -> memref<128xi32, #tpu.memory_space<vmem>>
      %dma_wait3A_219 = arith.constant 0 : i32
      %dma_wait3A_220 = arith.constant 0 : i32
      %dma_wait3A_221 = tpu.memref_slice %arg2[%dma_wait3A_219, %dma_wait3A_220] : memref<10000x128xf32, #tpu.memory_space<hbm>> -> memref<10000x128xf32, #tpu.memory_space<hbm>>
      tpu.wait_indirect_dma semaphore(%arg13 : memref<!tpu.dma_semaphore, #tpu.memory_space<semaphore_mem>>) src(%dma_wait3A_221 : memref<10000x128xf32, #tpu.memory_space<hbm>>) dst(%arg10 : memref<128x128xf32, #tpu.memory_space<vmem>>)
      "tpu.region"() ({
        %run_scoped3A = tpu.sem_alloc : memref<!tpu.dma_semaphore, #tpu.memory_space<semaphore_mem>>
        %dma_start3A_437 = arith.constant 2176 : i32
        %dma_start3A_438 = tpu.memref_slice %arg8[%dma_start3A_437] : memref<5120xi32, #tpu.memory_space<vmem>> -> memref<128xi32, #tpu.memory_space<vmem>>
        %dma_start3A_439 = arith.constant 0 : i32
        %dma_start3A_440 = arith.constant 0 : i32
        %dma_start3A_441 = tpu.memref_slice %arg11[%dma_start3A_439, %dma_start3A_440] : memref<10240x128xf32, #tpu.memory_space<vmem_shared>> -> memref<10240x128xf32, #tpu.memory_space<vmem_shared>>
        tpu.enqueue_indirect_dma source(%arg10 : memref<128x128xf32, #tpu.memory_space<vmem>>) target(%dma_start3A_441 : memref<10240x128xf32, #tpu.memory_space<vmem_shared>>) offsets(%dma_start3A_438 : memref<128xi32, #tpu.memory_space<vmem>>) semaphore(%run_scoped3A : memref<!tpu.dma_semaphore, #tpu.memory_space<semaphore_mem>>) {add = true}
        %dma_wait3A_442 = arith.constant 2176 : i32
        %dma_wait3A_443 = tpu.memref_slice %arg8[%dma_wait3A_442] : memref<5120xi32, #tpu.memory_space<vmem>> -> memref<128xi32, #tpu.memory_space<vmem>>
        %dma_wait3A_444 = arith.constant 0 : i32
        %dma_wait3A_445 = arith.constant 0 : i32
        %dma_wait3A_446 = tpu.memref_slice %arg11[%dma_wait3A_444, %dma_wait3A_445] : memref<10240x128xf32, #tpu.memory_space<vmem_shared>> -> memref<10240x128xf32, #tpu.memory_space<vmem_shared>>
        tpu.wait_indirect_dma semaphore(%run_scoped3A : memref<!tpu.dma_semaphore, #tpu.memory_space<semaphore_mem>>) src(%arg10 : memref<128x128xf32, #tpu.memory_space<vmem>>) dst(%dma_wait3A_446 : memref<10240x128xf32, #tpu.memory_space<vmem_shared>>)
        tpu.yield
      }) : () -> ()
      %dma_start3A_222 = arith.constant 2432 : i32
      %dma_start3A_223 = tpu.memref_slice %arg7[%dma_start3A_222] : memref<5120xi32, #tpu.memory_space<vmem>> -> memref<128xi32, #tpu.memory_space<vmem>>
      %dma_start3A_224 = arith.constant 0 : i32
      %dma_start3A_225 = arith.constant 0 : i32
      %dma_start3A_226 = tpu.memref_slice %arg2[%dma_start3A_224, %dma_start3A_225] : memref<10000x128xf32, #tpu.memory_space<hbm>> -> memref<10000x128xf32, #tpu.memory_space<hbm>>
      tpu.enqueue_indirect_dma source(%dma_start3A_226 : memref<10000x128xf32, #tpu.memory_space<hbm>>) target(%arg10 : memref<128x128xf32, #tpu.memory_space<vmem>>) offsets(%dma_start3A_223 : memref<128xi32, #tpu.memory_space<vmem>>) semaphore(%arg13 : memref<!tpu.dma_semaphore, #tpu.memory_space<semaphore_mem>>)
      %dma_wait3A_227 = arith.constant 2304 : i32
      %dma_wait3A_228 = tpu.memref_slice %arg7[%dma_wait3A_227] : memref<5120xi32, #tpu.memory_space<vmem>> -> memref<128xi32, #tpu.memory_space<vmem>>
      %dma_wait3A_229 = arith.constant 0 : i32
      %dma_wait3A_230 = arith.constant 0 : i32
      %dma_wait3A_231 = tpu.memref_slice %arg2[%dma_wait3A_229, %dma_wait3A_230] : memref<10000x128xf32, #tpu.memory_space<hbm>> -> memref<10000x128xf32, #tpu.memory_space<hbm>>
      tpu.wait_indirect_dma semaphore(%arg12 : memref<!tpu.dma_semaphore, #tpu.memory_space<semaphore_mem>>) src(%dma_wait3A_231 : memref<10000x128xf32, #tpu.memory_space<hbm>>) dst(%arg9 : memref<128x128xf32, #tpu.memory_space<vmem>>)
      "tpu.region"() ({
        %run_scoped3A = tpu.sem_alloc : memref<!tpu.dma_semaphore, #tpu.memory_space<semaphore_mem>>
        %dma_start3A_437 = arith.constant 2304 : i32
        %dma_start3A_438 = tpu.memref_slice %arg8[%dma_start3A_437] : memref<5120xi32, #tpu.memory_space<vmem>> -> memref<128xi32, #tpu.memory_space<vmem>>
        %dma_start3A_439 = arith.constant 0 : i32
        %dma_start3A_440 = arith.constant 0 : i32
        %dma_start3A_441 = tpu.memref_slice %arg11[%dma_start3A_439, %dma_start3A_440] : memref<10240x128xf32, #tpu.memory_space<vmem_shared>> -> memref<10240x128xf32, #tpu.memory_space<vmem_shared>>
        tpu.enqueue_indirect_dma source(%arg9 : memref<128x128xf32, #tpu.memory_space<vmem>>) target(%dma_start3A_441 : memref<10240x128xf32, #tpu.memory_space<vmem_shared>>) offsets(%dma_start3A_438 : memref<128xi32, #tpu.memory_space<vmem>>) semaphore(%run_scoped3A : memref<!tpu.dma_semaphore, #tpu.memory_space<semaphore_mem>>) {add = true}
        %dma_wait3A_442 = arith.constant 2304 : i32
        %dma_wait3A_443 = tpu.memref_slice %arg8[%dma_wait3A_442] : memref<5120xi32, #tpu.memory_space<vmem>> -> memref<128xi32, #tpu.memory_space<vmem>>
        %dma_wait3A_444 = arith.constant 0 : i32
        %dma_wait3A_445 = arith.constant 0 : i32
        %dma_wait3A_446 = tpu.memref_slice %arg11[%dma_wait3A_444, %dma_wait3A_445] : memref<10240x128xf32, #tpu.memory_space<vmem_shared>> -> memref<10240x128xf32, #tpu.memory_space<vmem_shared>>
        tpu.wait_indirect_dma semaphore(%run_scoped3A : memref<!tpu.dma_semaphore, #tpu.memory_space<semaphore_mem>>) src(%arg9 : memref<128x128xf32, #tpu.memory_space<vmem>>) dst(%dma_wait3A_446 : memref<10240x128xf32, #tpu.memory_space<vmem_shared>>)
        tpu.yield
      }) : () -> ()
      %dma_start3A_232 = arith.constant 2560 : i32
      %dma_start3A_233 = tpu.memref_slice %arg7[%dma_start3A_232] : memref<5120xi32, #tpu.memory_space<vmem>> -> memref<128xi32, #tpu.memory_space<vmem>>
      %dma_start3A_234 = arith.constant 0 : i32
      %dma_start3A_235 = arith.constant 0 : i32
      %dma_start3A_236 = tpu.memref_slice %arg2[%dma_start3A_234, %dma_start3A_235] : memref<10000x128xf32, #tpu.memory_space<hbm>> -> memref<10000x128xf32, #tpu.memory_space<hbm>>
      tpu.enqueue_indirect_dma source(%dma_start3A_236 : memref<10000x128xf32, #tpu.memory_space<hbm>>) target(%arg9 : memref<128x128xf32, #tpu.memory_space<vmem>>) offsets(%dma_start3A_233 : memref<128xi32, #tpu.memory_space<vmem>>) semaphore(%arg12 : memref<!tpu.dma_semaphore, #tpu.memory_space<semaphore_mem>>)
      %dma_wait3A_237 = arith.constant 2432 : i32
      %dma_wait3A_238 = tpu.memref_slice %arg7[%dma_wait3A_237] : memref<5120xi32, #tpu.memory_space<vmem>> -> memref<128xi32, #tpu.memory_space<vmem>>
      %dma_wait3A_239 = arith.constant 0 : i32
      %dma_wait3A_240 = arith.constant 0 : i32
      %dma_wait3A_241 = tpu.memref_slice %arg2[%dma_wait3A_239, %dma_wait3A_240] : memref<10000x128xf32, #tpu.memory_space<hbm>> -> memref<10000x128xf32, #tpu.memory_space<hbm>>
      tpu.wait_indirect_dma semaphore(%arg13 : memref<!tpu.dma_semaphore, #tpu.memory_space<semaphore_mem>>) src(%dma_wait3A_241 : memref<10000x128xf32, #tpu.memory_space<hbm>>) dst(%arg10 : memref<128x128xf32, #tpu.memory_space<vmem>>)
      "tpu.region"() ({
        %run_scoped3A = tpu.sem_alloc : memref<!tpu.dma_semaphore, #tpu.memory_space<semaphore_mem>>
        %dma_start3A_437 = arith.constant 2432 : i32
        %dma_start3A_438 = tpu.memref_slice %arg8[%dma_start3A_437] : memref<5120xi32, #tpu.memory_space<vmem>> -> memref<128xi32, #tpu.memory_space<vmem>>
        %dma_start3A_439 = arith.constant 0 : i32
        %dma_start3A_440 = arith.constant 0 : i32
        %dma_start3A_441 = tpu.memref_slice %arg11[%dma_start3A_439, %dma_start3A_440] : memref<10240x128xf32, #tpu.memory_space<vmem_shared>> -> memref<10240x128xf32, #tpu.memory_space<vmem_shared>>
        tpu.enqueue_indirect_dma source(%arg10 : memref<128x128xf32, #tpu.memory_space<vmem>>) target(%dma_start3A_441 : memref<10240x128xf32, #tpu.memory_space<vmem_shared>>) offsets(%dma_start3A_438 : memref<128xi32, #tpu.memory_space<vmem>>) semaphore(%run_scoped3A : memref<!tpu.dma_semaphore, #tpu.memory_space<semaphore_mem>>) {add = true}
        %dma_wait3A_442 = arith.constant 2432 : i32
        %dma_wait3A_443 = tpu.memref_slice %arg8[%dma_wait3A_442] : memref<5120xi32, #tpu.memory_space<vmem>> -> memref<128xi32, #tpu.memory_space<vmem>>
        %dma_wait3A_444 = arith.constant 0 : i32
        %dma_wait3A_445 = arith.constant 0 : i32
        %dma_wait3A_446 = tpu.memref_slice %arg11[%dma_wait3A_444, %dma_wait3A_445] : memref<10240x128xf32, #tpu.memory_space<vmem_shared>> -> memref<10240x128xf32, #tpu.memory_space<vmem_shared>>
        tpu.wait_indirect_dma semaphore(%run_scoped3A : memref<!tpu.dma_semaphore, #tpu.memory_space<semaphore_mem>>) src(%arg10 : memref<128x128xf32, #tpu.memory_space<vmem>>) dst(%dma_wait3A_446 : memref<10240x128xf32, #tpu.memory_space<vmem_shared>>)
        tpu.yield
      }) : () -> ()
      %dma_start3A_242 = arith.constant 2688 : i32
      %dma_start3A_243 = tpu.memref_slice %arg7[%dma_start3A_242] : memref<5120xi32, #tpu.memory_space<vmem>> -> memref<128xi32, #tpu.memory_space<vmem>>
      %dma_start3A_244 = arith.constant 0 : i32
      %dma_start3A_245 = arith.constant 0 : i32
      %dma_start3A_246 = tpu.memref_slice %arg2[%dma_start3A_244, %dma_start3A_245] : memref<10000x128xf32, #tpu.memory_space<hbm>> -> memref<10000x128xf32, #tpu.memory_space<hbm>>
      tpu.enqueue_indirect_dma source(%dma_start3A_246 : memref<10000x128xf32, #tpu.memory_space<hbm>>) target(%arg10 : memref<128x128xf32, #tpu.memory_space<vmem>>) offsets(%dma_start3A_243 : memref<128xi32, #tpu.memory_space<vmem>>) semaphore(%arg13 : memref<!tpu.dma_semaphore, #tpu.memory_space<semaphore_mem>>)
      %dma_wait3A_247 = arith.constant 2560 : i32
      %dma_wait3A_248 = tpu.memref_slice %arg7[%dma_wait3A_247] : memref<5120xi32, #tpu.memory_space<vmem>> -> memref<128xi32, #tpu.memory_space<vmem>>
      %dma_wait3A_249 = arith.constant 0 : i32
      %dma_wait3A_250 = arith.constant 0 : i32
      %dma_wait3A_251 = tpu.memref_slice %arg2[%dma_wait3A_249, %dma_wait3A_250] : memref<10000x128xf32, #tpu.memory_space<hbm>> -> memref<10000x128xf32, #tpu.memory_space<hbm>>
      tpu.wait_indirect_dma semaphore(%arg12 : memref<!tpu.dma_semaphore, #tpu.memory_space<semaphore_mem>>) src(%dma_wait3A_251 : memref<10000x128xf32, #tpu.memory_space<hbm>>) dst(%arg9 : memref<128x128xf32, #tpu.memory_space<vmem>>)
      "tpu.region"() ({
        %run_scoped3A = tpu.sem_alloc : memref<!tpu.dma_semaphore, #tpu.memory_space<semaphore_mem>>
        %dma_start3A_437 = arith.constant 2560 : i32
        %dma_start3A_438 = tpu.memref_slice %arg8[%dma_start3A_437] : memref<5120xi32, #tpu.memory_space<vmem>> -> memref<128xi32, #tpu.memory_space<vmem>>
        %dma_start3A_439 = arith.constant 0 : i32
        %dma_start3A_440 = arith.constant 0 : i32
        %dma_start3A_441 = tpu.memref_slice %arg11[%dma_start3A_439, %dma_start3A_440] : memref<10240x128xf32, #tpu.memory_space<vmem_shared>> -> memref<10240x128xf32, #tpu.memory_space<vmem_shared>>
        tpu.enqueue_indirect_dma source(%arg9 : memref<128x128xf32, #tpu.memory_space<vmem>>) target(%dma_start3A_441 : memref<10240x128xf32, #tpu.memory_space<vmem_shared>>) offsets(%dma_start3A_438 : memref<128xi32, #tpu.memory_space<vmem>>) semaphore(%run_scoped3A : memref<!tpu.dma_semaphore, #tpu.memory_space<semaphore_mem>>) {add = true}
        %dma_wait3A_442 = arith.constant 2560 : i32
        %dma_wait3A_443 = tpu.memref_slice %arg8[%dma_wait3A_442] : memref<5120xi32, #tpu.memory_space<vmem>> -> memref<128xi32, #tpu.memory_space<vmem>>
        %dma_wait3A_444 = arith.constant 0 : i32
        %dma_wait3A_445 = arith.constant 0 : i32
        %dma_wait3A_446 = tpu.memref_slice %arg11[%dma_wait3A_444, %dma_wait3A_445] : memref<10240x128xf32, #tpu.memory_space<vmem_shared>> -> memref<10240x128xf32, #tpu.memory_space<vmem_shared>>
        tpu.wait_indirect_dma semaphore(%run_scoped3A : memref<!tpu.dma_semaphore, #tpu.memory_space<semaphore_mem>>) src(%arg9 : memref<128x128xf32, #tpu.memory_space<vmem>>) dst(%dma_wait3A_446 : memref<10240x128xf32, #tpu.memory_space<vmem_shared>>)
        tpu.yield
      }) : () -> ()
      %dma_start3A_252 = arith.constant 2816 : i32
      %dma_start3A_253 = tpu.memref_slice %arg7[%dma_start3A_252] : memref<5120xi32, #tpu.memory_space<vmem>> -> memref<128xi32, #tpu.memory_space<vmem>>
      %dma_start3A_254 = arith.constant 0 : i32
      %dma_start3A_255 = arith.constant 0 : i32
      %dma_start3A_256 = tpu.memref_slice %arg2[%dma_start3A_254, %dma_start3A_255] : memref<10000x128xf32, #tpu.memory_space<hbm>> -> memref<10000x128xf32, #tpu.memory_space<hbm>>
      tpu.enqueue_indirect_dma source(%dma_start3A_256 : memref<10000x128xf32, #tpu.memory_space<hbm>>) target(%arg9 : memref<128x128xf32, #tpu.memory_space<vmem>>) offsets(%dma_start3A_253 : memref<128xi32, #tpu.memory_space<vmem>>) semaphore(%arg12 : memref<!tpu.dma_semaphore, #tpu.memory_space<semaphore_mem>>)
      %dma_wait3A_257 = arith.constant 2688 : i32
      %dma_wait3A_258 = tpu.memref_slice %arg7[%dma_wait3A_257] : memref<5120xi32, #tpu.memory_space<vmem>> -> memref<128xi32, #tpu.memory_space<vmem>>
      %dma_wait3A_259 = arith.constant 0 : i32
      %dma_wait3A_260 = arith.constant 0 : i32
      %dma_wait3A_261 = tpu.memref_slice %arg2[%dma_wait3A_259, %dma_wait3A_260] : memref<10000x128xf32, #tpu.memory_space<hbm>> -> memref<10000x128xf32, #tpu.memory_space<hbm>>
      tpu.wait_indirect_dma semaphore(%arg13 : memref<!tpu.dma_semaphore, #tpu.memory_space<semaphore_mem>>) src(%dma_wait3A_261 : memref<10000x128xf32, #tpu.memory_space<hbm>>) dst(%arg10 : memref<128x128xf32, #tpu.memory_space<vmem>>)
      "tpu.region"() ({
        %run_scoped3A = tpu.sem_alloc : memref<!tpu.dma_semaphore, #tpu.memory_space<semaphore_mem>>
        %dma_start3A_437 = arith.constant 2688 : i32
        %dma_start3A_438 = tpu.memref_slice %arg8[%dma_start3A_437] : memref<5120xi32, #tpu.memory_space<vmem>> -> memref<128xi32, #tpu.memory_space<vmem>>
        %dma_start3A_439 = arith.constant 0 : i32
        %dma_start3A_440 = arith.constant 0 : i32
        %dma_start3A_441 = tpu.memref_slice %arg11[%dma_start3A_439, %dma_start3A_440] : memref<10240x128xf32, #tpu.memory_space<vmem_shared>> -> memref<10240x128xf32, #tpu.memory_space<vmem_shared>>
        tpu.enqueue_indirect_dma source(%arg10 : memref<128x128xf32, #tpu.memory_space<vmem>>) target(%dma_start3A_441 : memref<10240x128xf32, #tpu.memory_space<vmem_shared>>) offsets(%dma_start3A_438 : memref<128xi32, #tpu.memory_space<vmem>>) semaphore(%run_scoped3A : memref<!tpu.dma_semaphore, #tpu.memory_space<semaphore_mem>>) {add = true}
        %dma_wait3A_442 = arith.constant 2688 : i32
        %dma_wait3A_443 = tpu.memref_slice %arg8[%dma_wait3A_442] : memref<5120xi32, #tpu.memory_space<vmem>> -> memref<128xi32, #tpu.memory_space<vmem>>
        %dma_wait3A_444 = arith.constant 0 : i32
        %dma_wait3A_445 = arith.constant 0 : i32
        %dma_wait3A_446 = tpu.memref_slice %arg11[%dma_wait3A_444, %dma_wait3A_445] : memref<10240x128xf32, #tpu.memory_space<vmem_shared>> -> memref<10240x128xf32, #tpu.memory_space<vmem_shared>>
        tpu.wait_indirect_dma semaphore(%run_scoped3A : memref<!tpu.dma_semaphore, #tpu.memory_space<semaphore_mem>>) src(%arg10 : memref<128x128xf32, #tpu.memory_space<vmem>>) dst(%dma_wait3A_446 : memref<10240x128xf32, #tpu.memory_space<vmem_shared>>)
        tpu.yield
      }) : () -> ()
      %dma_start3A_262 = arith.constant 2944 : i32
      %dma_start3A_263 = tpu.memref_slice %arg7[%dma_start3A_262] : memref<5120xi32, #tpu.memory_space<vmem>> -> memref<128xi32, #tpu.memory_space<vmem>>
      %dma_start3A_264 = arith.constant 0 : i32
      %dma_start3A_265 = arith.constant 0 : i32
      %dma_start3A_266 = tpu.memref_slice %arg2[%dma_start3A_264, %dma_start3A_265] : memref<10000x128xf32, #tpu.memory_space<hbm>> -> memref<10000x128xf32, #tpu.memory_space<hbm>>
      tpu.enqueue_indirect_dma source(%dma_start3A_266 : memref<10000x128xf32, #tpu.memory_space<hbm>>) target(%arg10 : memref<128x128xf32, #tpu.memory_space<vmem>>) offsets(%dma_start3A_263 : memref<128xi32, #tpu.memory_space<vmem>>) semaphore(%arg13 : memref<!tpu.dma_semaphore, #tpu.memory_space<semaphore_mem>>)
      %dma_wait3A_267 = arith.constant 2816 : i32
      %dma_wait3A_268 = tpu.memref_slice %arg7[%dma_wait3A_267] : memref<5120xi32, #tpu.memory_space<vmem>> -> memref<128xi32, #tpu.memory_space<vmem>>
      %dma_wait3A_269 = arith.constant 0 : i32
      %dma_wait3A_270 = arith.constant 0 : i32
      %dma_wait3A_271 = tpu.memref_slice %arg2[%dma_wait3A_269, %dma_wait3A_270] : memref<10000x128xf32, #tpu.memory_space<hbm>> -> memref<10000x128xf32, #tpu.memory_space<hbm>>
      tpu.wait_indirect_dma semaphore(%arg12 : memref<!tpu.dma_semaphore, #tpu.memory_space<semaphore_mem>>) src(%dma_wait3A_271 : memref<10000x128xf32, #tpu.memory_space<hbm>>) dst(%arg9 : memref<128x128xf32, #tpu.memory_space<vmem>>)
      "tpu.region"() ({
        %run_scoped3A = tpu.sem_alloc : memref<!tpu.dma_semaphore, #tpu.memory_space<semaphore_mem>>
        %dma_start3A_437 = arith.constant 2816 : i32
        %dma_start3A_438 = tpu.memref_slice %arg8[%dma_start3A_437] : memref<5120xi32, #tpu.memory_space<vmem>> -> memref<128xi32, #tpu.memory_space<vmem>>
        %dma_start3A_439 = arith.constant 0 : i32
        %dma_start3A_440 = arith.constant 0 : i32
        %dma_start3A_441 = tpu.memref_slice %arg11[%dma_start3A_439, %dma_start3A_440] : memref<10240x128xf32, #tpu.memory_space<vmem_shared>> -> memref<10240x128xf32, #tpu.memory_space<vmem_shared>>
        tpu.enqueue_indirect_dma source(%arg9 : memref<128x128xf32, #tpu.memory_space<vmem>>) target(%dma_start3A_441 : memref<10240x128xf32, #tpu.memory_space<vmem_shared>>) offsets(%dma_start3A_438 : memref<128xi32, #tpu.memory_space<vmem>>) semaphore(%run_scoped3A : memref<!tpu.dma_semaphore, #tpu.memory_space<semaphore_mem>>) {add = true}
        %dma_wait3A_442 = arith.constant 2816 : i32
        %dma_wait3A_443 = tpu.memref_slice %arg8[%dma_wait3A_442] : memref<5120xi32, #tpu.memory_space<vmem>> -> memref<128xi32, #tpu.memory_space<vmem>>
        %dma_wait3A_444 = arith.constant 0 : i32
        %dma_wait3A_445 = arith.constant 0 : i32
        %dma_wait3A_446 = tpu.memref_slice %arg11[%dma_wait3A_444, %dma_wait3A_445] : memref<10240x128xf32, #tpu.memory_space<vmem_shared>> -> memref<10240x128xf32, #tpu.memory_space<vmem_shared>>
        tpu.wait_indirect_dma semaphore(%run_scoped3A : memref<!tpu.dma_semaphore, #tpu.memory_space<semaphore_mem>>) src(%arg9 : memref<128x128xf32, #tpu.memory_space<vmem>>) dst(%dma_wait3A_446 : memref<10240x128xf32, #tpu.memory_space<vmem_shared>>)
        tpu.yield
      }) : () -> ()
      %dma_start3A_272 = arith.constant 3072 : i32
      %dma_start3A_273 = tpu.memref_slice %arg7[%dma_start3A_272] : memref<5120xi32, #tpu.memory_space<vmem>> -> memref<128xi32, #tpu.memory_space<vmem>>
      %dma_start3A_274 = arith.constant 0 : i32
      %dma_start3A_275 = arith.constant 0 : i32
      %dma_start3A_276 = tpu.memref_slice %arg2[%dma_start3A_274, %dma_start3A_275] : memref<10000x128xf32, #tpu.memory_space<hbm>> -> memref<10000x128xf32, #tpu.memory_space<hbm>>
      tpu.enqueue_indirect_dma source(%dma_start3A_276 : memref<10000x128xf32, #tpu.memory_space<hbm>>) target(%arg9 : memref<128x128xf32, #tpu.memory_space<vmem>>) offsets(%dma_start3A_273 : memref<128xi32, #tpu.memory_space<vmem>>) semaphore(%arg12 : memref<!tpu.dma_semaphore, #tpu.memory_space<semaphore_mem>>)
      %dma_wait3A_277 = arith.constant 2944 : i32
      %dma_wait3A_278 = tpu.memref_slice %arg7[%dma_wait3A_277] : memref<5120xi32, #tpu.memory_space<vmem>> -> memref<128xi32, #tpu.memory_space<vmem>>
      %dma_wait3A_279 = arith.constant 0 : i32
      %dma_wait3A_280 = arith.constant 0 : i32
      %dma_wait3A_281 = tpu.memref_slice %arg2[%dma_wait3A_279, %dma_wait3A_280] : memref<10000x128xf32, #tpu.memory_space<hbm>> -> memref<10000x128xf32, #tpu.memory_space<hbm>>
      tpu.wait_indirect_dma semaphore(%arg13 : memref<!tpu.dma_semaphore, #tpu.memory_space<semaphore_mem>>) src(%dma_wait3A_281 : memref<10000x128xf32, #tpu.memory_space<hbm>>) dst(%arg10 : memref<128x128xf32, #tpu.memory_space<vmem>>)
      "tpu.region"() ({
        %run_scoped3A = tpu.sem_alloc : memref<!tpu.dma_semaphore, #tpu.memory_space<semaphore_mem>>
        %dma_start3A_437 = arith.constant 2944 : i32
        %dma_start3A_438 = tpu.memref_slice %arg8[%dma_start3A_437] : memref<5120xi32, #tpu.memory_space<vmem>> -> memref<128xi32, #tpu.memory_space<vmem>>
        %dma_start3A_439 = arith.constant 0 : i32
        %dma_start3A_440 = arith.constant 0 : i32
        %dma_start3A_441 = tpu.memref_slice %arg11[%dma_start3A_439, %dma_start3A_440] : memref<10240x128xf32, #tpu.memory_space<vmem_shared>> -> memref<10240x128xf32, #tpu.memory_space<vmem_shared>>
        tpu.enqueue_indirect_dma source(%arg10 : memref<128x128xf32, #tpu.memory_space<vmem>>) target(%dma_start3A_441 : memref<10240x128xf32, #tpu.memory_space<vmem_shared>>) offsets(%dma_start3A_438 : memref<128xi32, #tpu.memory_space<vmem>>) semaphore(%run_scoped3A : memref<!tpu.dma_semaphore, #tpu.memory_space<semaphore_mem>>) {add = true}
        %dma_wait3A_442 = arith.constant 2944 : i32
        %dma_wait3A_443 = tpu.memref_slice %arg8[%dma_wait3A_442] : memref<5120xi32, #tpu.memory_space<vmem>> -> memref<128xi32, #tpu.memory_space<vmem>>
        %dma_wait3A_444 = arith.constant 0 : i32
        %dma_wait3A_445 = arith.constant 0 : i32
        %dma_wait3A_446 = tpu.memref_slice %arg11[%dma_wait3A_444, %dma_wait3A_445] : memref<10240x128xf32, #tpu.memory_space<vmem_shared>> -> memref<10240x128xf32, #tpu.memory_space<vmem_shared>>
        tpu.wait_indirect_dma semaphore(%run_scoped3A : memref<!tpu.dma_semaphore, #tpu.memory_space<semaphore_mem>>) src(%arg10 : memref<128x128xf32, #tpu.memory_space<vmem>>) dst(%dma_wait3A_446 : memref<10240x128xf32, #tpu.memory_space<vmem_shared>>)
        tpu.yield
      }) : () -> ()
      %dma_start3A_282 = arith.constant 3200 : i32
      %dma_start3A_283 = tpu.memref_slice %arg7[%dma_start3A_282] : memref<5120xi32, #tpu.memory_space<vmem>> -> memref<128xi32, #tpu.memory_space<vmem>>
      %dma_start3A_284 = arith.constant 0 : i32
      %dma_start3A_285 = arith.constant 0 : i32
      %dma_start3A_286 = tpu.memref_slice %arg2[%dma_start3A_284, %dma_start3A_285] : memref<10000x128xf32, #tpu.memory_space<hbm>> -> memref<10000x128xf32, #tpu.memory_space<hbm>>
      tpu.enqueue_indirect_dma source(%dma_start3A_286 : memref<10000x128xf32, #tpu.memory_space<hbm>>) target(%arg10 : memref<128x128xf32, #tpu.memory_space<vmem>>) offsets(%dma_start3A_283 : memref<128xi32, #tpu.memory_space<vmem>>) semaphore(%arg13 : memref<!tpu.dma_semaphore, #tpu.memory_space<semaphore_mem>>)
      %dma_wait3A_287 = arith.constant 3072 : i32
      %dma_wait3A_288 = tpu.memref_slice %arg7[%dma_wait3A_287] : memref<5120xi32, #tpu.memory_space<vmem>> -> memref<128xi32, #tpu.memory_space<vmem>>
      %dma_wait3A_289 = arith.constant 0 : i32
      %dma_wait3A_290 = arith.constant 0 : i32
      %dma_wait3A_291 = tpu.memref_slice %arg2[%dma_wait3A_289, %dma_wait3A_290] : memref<10000x128xf32, #tpu.memory_space<hbm>> -> memref<10000x128xf32, #tpu.memory_space<hbm>>
      tpu.wait_indirect_dma semaphore(%arg12 : memref<!tpu.dma_semaphore, #tpu.memory_space<semaphore_mem>>) src(%dma_wait3A_291 : memref<10000x128xf32, #tpu.memory_space<hbm>>) dst(%arg9 : memref<128x128xf32, #tpu.memory_space<vmem>>)
      "tpu.region"() ({
        %run_scoped3A = tpu.sem_alloc : memref<!tpu.dma_semaphore, #tpu.memory_space<semaphore_mem>>
        %dma_start3A_437 = arith.constant 3072 : i32
        %dma_start3A_438 = tpu.memref_slice %arg8[%dma_start3A_437] : memref<5120xi32, #tpu.memory_space<vmem>> -> memref<128xi32, #tpu.memory_space<vmem>>
        %dma_start3A_439 = arith.constant 0 : i32
        %dma_start3A_440 = arith.constant 0 : i32
        %dma_start3A_441 = tpu.memref_slice %arg11[%dma_start3A_439, %dma_start3A_440] : memref<10240x128xf32, #tpu.memory_space<vmem_shared>> -> memref<10240x128xf32, #tpu.memory_space<vmem_shared>>
        tpu.enqueue_indirect_dma source(%arg9 : memref<128x128xf32, #tpu.memory_space<vmem>>) target(%dma_start3A_441 : memref<10240x128xf32, #tpu.memory_space<vmem_shared>>) offsets(%dma_start3A_438 : memref<128xi32, #tpu.memory_space<vmem>>) semaphore(%run_scoped3A : memref<!tpu.dma_semaphore, #tpu.memory_space<semaphore_mem>>) {add = true}
        %dma_wait3A_442 = arith.constant 3072 : i32
        %dma_wait3A_443 = tpu.memref_slice %arg8[%dma_wait3A_442] : memref<5120xi32, #tpu.memory_space<vmem>> -> memref<128xi32, #tpu.memory_space<vmem>>
        %dma_wait3A_444 = arith.constant 0 : i32
        %dma_wait3A_445 = arith.constant 0 : i32
        %dma_wait3A_446 = tpu.memref_slice %arg11[%dma_wait3A_444, %dma_wait3A_445] : memref<10240x128xf32, #tpu.memory_space<vmem_shared>> -> memref<10240x128xf32, #tpu.memory_space<vmem_shared>>
        tpu.wait_indirect_dma semaphore(%run_scoped3A : memref<!tpu.dma_semaphore, #tpu.memory_space<semaphore_mem>>) src(%arg9 : memref<128x128xf32, #tpu.memory_space<vmem>>) dst(%dma_wait3A_446 : memref<10240x128xf32, #tpu.memory_space<vmem_shared>>)
        tpu.yield
      }) : () -> ()
      %dma_start3A_292 = arith.constant 3328 : i32
      %dma_start3A_293 = tpu.memref_slice %arg7[%dma_start3A_292] : memref<5120xi32, #tpu.memory_space<vmem>> -> memref<128xi32, #tpu.memory_space<vmem>>
      %dma_start3A_294 = arith.constant 0 : i32
      %dma_start3A_295 = arith.constant 0 : i32
      %dma_start3A_296 = tpu.memref_slice %arg2[%dma_start3A_294, %dma_start3A_295] : memref<10000x128xf32, #tpu.memory_space<hbm>> -> memref<10000x128xf32, #tpu.memory_space<hbm>>
      tpu.enqueue_indirect_dma source(%dma_start3A_296 : memref<10000x128xf32, #tpu.memory_space<hbm>>) target(%arg9 : memref<128x128xf32, #tpu.memory_space<vmem>>) offsets(%dma_start3A_293 : memref<128xi32, #tpu.memory_space<vmem>>) semaphore(%arg12 : memref<!tpu.dma_semaphore, #tpu.memory_space<semaphore_mem>>)
      %dma_wait3A_297 = arith.constant 3200 : i32
      %dma_wait3A_298 = tpu.memref_slice %arg7[%dma_wait3A_297] : memref<5120xi32, #tpu.memory_space<vmem>> -> memref<128xi32, #tpu.memory_space<vmem>>
      %dma_wait3A_299 = arith.constant 0 : i32
      %dma_wait3A_300 = arith.constant 0 : i32
      %dma_wait3A_301 = tpu.memref_slice %arg2[%dma_wait3A_299, %dma_wait3A_300] : memref<10000x128xf32, #tpu.memory_space<hbm>> -> memref<10000x128xf32, #tpu.memory_space<hbm>>
      tpu.wait_indirect_dma semaphore(%arg13 : memref<!tpu.dma_semaphore, #tpu.memory_space<semaphore_mem>>) src(%dma_wait3A_301 : memref<10000x128xf32, #tpu.memory_space<hbm>>) dst(%arg10 : memref<128x128xf32, #tpu.memory_space<vmem>>)
      "tpu.region"() ({
        %run_scoped3A = tpu.sem_alloc : memref<!tpu.dma_semaphore, #tpu.memory_space<semaphore_mem>>
        %dma_start3A_437 = arith.constant 3200 : i32
        %dma_start3A_438 = tpu.memref_slice %arg8[%dma_start3A_437] : memref<5120xi32, #tpu.memory_space<vmem>> -> memref<128xi32, #tpu.memory_space<vmem>>
        %dma_start3A_439 = arith.constant 0 : i32
        %dma_start3A_440 = arith.constant 0 : i32
        %dma_start3A_441 = tpu.memref_slice %arg11[%dma_start3A_439, %dma_start3A_440] : memref<10240x128xf32, #tpu.memory_space<vmem_shared>> -> memref<10240x128xf32, #tpu.memory_space<vmem_shared>>
        tpu.enqueue_indirect_dma source(%arg10 : memref<128x128xf32, #tpu.memory_space<vmem>>) target(%dma_start3A_441 : memref<10240x128xf32, #tpu.memory_space<vmem_shared>>) offsets(%dma_start3A_438 : memref<128xi32, #tpu.memory_space<vmem>>) semaphore(%run_scoped3A : memref<!tpu.dma_semaphore, #tpu.memory_space<semaphore_mem>>) {add = true}
        %dma_wait3A_442 = arith.constant 3200 : i32
        %dma_wait3A_443 = tpu.memref_slice %arg8[%dma_wait3A_442] : memref<5120xi32, #tpu.memory_space<vmem>> -> memref<128xi32, #tpu.memory_space<vmem>>
        %dma_wait3A_444 = arith.constant 0 : i32
        %dma_wait3A_445 = arith.constant 0 : i32
        %dma_wait3A_446 = tpu.memref_slice %arg11[%dma_wait3A_444, %dma_wait3A_445] : memref<10240x128xf32, #tpu.memory_space<vmem_shared>> -> memref<10240x128xf32, #tpu.memory_space<vmem_shared>>
        tpu.wait_indirect_dma semaphore(%run_scoped3A : memref<!tpu.dma_semaphore, #tpu.memory_space<semaphore_mem>>) src(%arg10 : memref<128x128xf32, #tpu.memory_space<vmem>>) dst(%dma_wait3A_446 : memref<10240x128xf32, #tpu.memory_space<vmem_shared>>)
        tpu.yield
      }) : () -> ()
      %dma_start3A_302 = arith.constant 3456 : i32
      %dma_start3A_303 = tpu.memref_slice %arg7[%dma_start3A_302] : memref<5120xi32, #tpu.memory_space<vmem>> -> memref<128xi32, #tpu.memory_space<vmem>>
      %dma_start3A_304 = arith.constant 0 : i32
      %dma_start3A_305 = arith.constant 0 : i32
      %dma_start3A_306 = tpu.memref_slice %arg2[%dma_start3A_304, %dma_start3A_305] : memref<10000x128xf32, #tpu.memory_space<hbm>> -> memref<10000x128xf32, #tpu.memory_space<hbm>>
      tpu.enqueue_indirect_dma source(%dma_start3A_306 : memref<10000x128xf32, #tpu.memory_space<hbm>>) target(%arg10 : memref<128x128xf32, #tpu.memory_space<vmem>>) offsets(%dma_start3A_303 : memref<128xi32, #tpu.memory_space<vmem>>) semaphore(%arg13 : memref<!tpu.dma_semaphore, #tpu.memory_space<semaphore_mem>>)
      %dma_wait3A_307 = arith.constant 3328 : i32
      %dma_wait3A_308 = tpu.memref_slice %arg7[%dma_wait3A_307] : memref<5120xi32, #tpu.memory_space<vmem>> -> memref<128xi32, #tpu.memory_space<vmem>>
      %dma_wait3A_309 = arith.constant 0 : i32
      %dma_wait3A_310 = arith.constant 0 : i32
      %dma_wait3A_311 = tpu.memref_slice %arg2[%dma_wait3A_309, %dma_wait3A_310] : memref<10000x128xf32, #tpu.memory_space<hbm>> -> memref<10000x128xf32, #tpu.memory_space<hbm>>
      tpu.wait_indirect_dma semaphore(%arg12 : memref<!tpu.dma_semaphore, #tpu.memory_space<semaphore_mem>>) src(%dma_wait3A_311 : memref<10000x128xf32, #tpu.memory_space<hbm>>) dst(%arg9 : memref<128x128xf32, #tpu.memory_space<vmem>>)
      "tpu.region"() ({
        %run_scoped3A = tpu.sem_alloc : memref<!tpu.dma_semaphore, #tpu.memory_space<semaphore_mem>>
        %dma_start3A_437 = arith.constant 3328 : i32
        %dma_start3A_438 = tpu.memref_slice %arg8[%dma_start3A_437] : memref<5120xi32, #tpu.memory_space<vmem>> -> memref<128xi32, #tpu.memory_space<vmem>>
        %dma_start3A_439 = arith.constant 0 : i32
        %dma_start3A_440 = arith.constant 0 : i32
        %dma_start3A_441 = tpu.memref_slice %arg11[%dma_start3A_439, %dma_start3A_440] : memref<10240x128xf32, #tpu.memory_space<vmem_shared>> -> memref<10240x128xf32, #tpu.memory_space<vmem_shared>>
        tpu.enqueue_indirect_dma source(%arg9 : memref<128x128xf32, #tpu.memory_space<vmem>>) target(%dma_start3A_441 : memref<10240x128xf32, #tpu.memory_space<vmem_shared>>) offsets(%dma_start3A_438 : memref<128xi32, #tpu.memory_space<vmem>>) semaphore(%run_scoped3A : memref<!tpu.dma_semaphore, #tpu.memory_space<semaphore_mem>>) {add = true}
        %dma_wait3A_442 = arith.constant 3328 : i32
        %dma_wait3A_443 = tpu.memref_slice %arg8[%dma_wait3A_442] : memref<5120xi32, #tpu.memory_space<vmem>> -> memref<128xi32, #tpu.memory_space<vmem>>
        %dma_wait3A_444 = arith.constant 0 : i32
        %dma_wait3A_445 = arith.constant 0 : i32
        %dma_wait3A_446 = tpu.memref_slice %arg11[%dma_wait3A_444, %dma_wait3A_445] : memref<10240x128xf32, #tpu.memory_space<vmem_shared>> -> memref<10240x128xf32, #tpu.memory_space<vmem_shared>>
        tpu.wait_indirect_dma semaphore(%run_scoped3A : memref<!tpu.dma_semaphore, #tpu.memory_space<semaphore_mem>>) src(%arg9 : memref<128x128xf32, #tpu.memory_space<vmem>>) dst(%dma_wait3A_446 : memref<10240x128xf32, #tpu.memory_space<vmem_shared>>)
        tpu.yield
      }) : () -> ()
      %dma_start3A_312 = arith.constant 3584 : i32
      %dma_start3A_313 = tpu.memref_slice %arg7[%dma_start3A_312] : memref<5120xi32, #tpu.memory_space<vmem>> -> memref<128xi32, #tpu.memory_space<vmem>>
      %dma_start3A_314 = arith.constant 0 : i32
      %dma_start3A_315 = arith.constant 0 : i32
      %dma_start3A_316 = tpu.memref_slice %arg2[%dma_start3A_314, %dma_start3A_315] : memref<10000x128xf32, #tpu.memory_space<hbm>> -> memref<10000x128xf32, #tpu.memory_space<hbm>>
      tpu.enqueue_indirect_dma source(%dma_start3A_316 : memref<10000x128xf32, #tpu.memory_space<hbm>>) target(%arg9 : memref<128x128xf32, #tpu.memory_space<vmem>>) offsets(%dma_start3A_313 : memref<128xi32, #tpu.memory_space<vmem>>) semaphore(%arg12 : memref<!tpu.dma_semaphore, #tpu.memory_space<semaphore_mem>>)
      %dma_wait3A_317 = arith.constant 3456 : i32
      %dma_wait3A_318 = tpu.memref_slice %arg7[%dma_wait3A_317] : memref<5120xi32, #tpu.memory_space<vmem>> -> memref<128xi32, #tpu.memory_space<vmem>>
      %dma_wait3A_319 = arith.constant 0 : i32
      %dma_wait3A_320 = arith.constant 0 : i32
      %dma_wait3A_321 = tpu.memref_slice %arg2[%dma_wait3A_319, %dma_wait3A_320] : memref<10000x128xf32, #tpu.memory_space<hbm>> -> memref<10000x128xf32, #tpu.memory_space<hbm>>
      tpu.wait_indirect_dma semaphore(%arg13 : memref<!tpu.dma_semaphore, #tpu.memory_space<semaphore_mem>>) src(%dma_wait3A_321 : memref<10000x128xf32, #tpu.memory_space<hbm>>) dst(%arg10 : memref<128x128xf32, #tpu.memory_space<vmem>>)
      "tpu.region"() ({
        %run_scoped3A = tpu.sem_alloc : memref<!tpu.dma_semaphore, #tpu.memory_space<semaphore_mem>>
        %dma_start3A_437 = arith.constant 3456 : i32
        %dma_start3A_438 = tpu.memref_slice %arg8[%dma_start3A_437] : memref<5120xi32, #tpu.memory_space<vmem>> -> memref<128xi32, #tpu.memory_space<vmem>>
        %dma_start3A_439 = arith.constant 0 : i32
        %dma_start3A_440 = arith.constant 0 : i32
        %dma_start3A_441 = tpu.memref_slice %arg11[%dma_start3A_439, %dma_start3A_440] : memref<10240x128xf32, #tpu.memory_space<vmem_shared>> -> memref<10240x128xf32, #tpu.memory_space<vmem_shared>>
        tpu.enqueue_indirect_dma source(%arg10 : memref<128x128xf32, #tpu.memory_space<vmem>>) target(%dma_start3A_441 : memref<10240x128xf32, #tpu.memory_space<vmem_shared>>) offsets(%dma_start3A_438 : memref<128xi32, #tpu.memory_space<vmem>>) semaphore(%run_scoped3A : memref<!tpu.dma_semaphore, #tpu.memory_space<semaphore_mem>>) {add = true}
        %dma_wait3A_442 = arith.constant 3456 : i32
        %dma_wait3A_443 = tpu.memref_slice %arg8[%dma_wait3A_442] : memref<5120xi32, #tpu.memory_space<vmem>> -> memref<128xi32, #tpu.memory_space<vmem>>
        %dma_wait3A_444 = arith.constant 0 : i32
        %dma_wait3A_445 = arith.constant 0 : i32
        %dma_wait3A_446 = tpu.memref_slice %arg11[%dma_wait3A_444, %dma_wait3A_445] : memref<10240x128xf32, #tpu.memory_space<vmem_shared>> -> memref<10240x128xf32, #tpu.memory_space<vmem_shared>>
        tpu.wait_indirect_dma semaphore(%run_scoped3A : memref<!tpu.dma_semaphore, #tpu.memory_space<semaphore_mem>>) src(%arg10 : memref<128x128xf32, #tpu.memory_space<vmem>>) dst(%dma_wait3A_446 : memref<10240x128xf32, #tpu.memory_space<vmem_shared>>)
        tpu.yield
      }) : () -> ()
      %dma_start3A_322 = arith.constant 3712 : i32
      %dma_start3A_323 = tpu.memref_slice %arg7[%dma_start3A_322] : memref<5120xi32, #tpu.memory_space<vmem>> -> memref<128xi32, #tpu.memory_space<vmem>>
      %dma_start3A_324 = arith.constant 0 : i32
      %dma_start3A_325 = arith.constant 0 : i32
      %dma_start3A_326 = tpu.memref_slice %arg2[%dma_start3A_324, %dma_start3A_325] : memref<10000x128xf32, #tpu.memory_space<hbm>> -> memref<10000x128xf32, #tpu.memory_space<hbm>>
      tpu.enqueue_indirect_dma source(%dma_start3A_326 : memref<10000x128xf32, #tpu.memory_space<hbm>>) target(%arg10 : memref<128x128xf32, #tpu.memory_space<vmem>>) offsets(%dma_start3A_323 : memref<128xi32, #tpu.memory_space<vmem>>) semaphore(%arg13 : memref<!tpu.dma_semaphore, #tpu.memory_space<semaphore_mem>>)
      %dma_wait3A_327 = arith.constant 3584 : i32
      %dma_wait3A_328 = tpu.memref_slice %arg7[%dma_wait3A_327] : memref<5120xi32, #tpu.memory_space<vmem>> -> memref<128xi32, #tpu.memory_space<vmem>>
      %dma_wait3A_329 = arith.constant 0 : i32
      %dma_wait3A_330 = arith.constant 0 : i32
      %dma_wait3A_331 = tpu.memref_slice %arg2[%dma_wait3A_329, %dma_wait3A_330] : memref<10000x128xf32, #tpu.memory_space<hbm>> -> memref<10000x128xf32, #tpu.memory_space<hbm>>
      tpu.wait_indirect_dma semaphore(%arg12 : memref<!tpu.dma_semaphore, #tpu.memory_space<semaphore_mem>>) src(%dma_wait3A_331 : memref<10000x128xf32, #tpu.memory_space<hbm>>) dst(%arg9 : memref<128x128xf32, #tpu.memory_space<vmem>>)
      "tpu.region"() ({
        %run_scoped3A = tpu.sem_alloc : memref<!tpu.dma_semaphore, #tpu.memory_space<semaphore_mem>>
        %dma_start3A_437 = arith.constant 3584 : i32
        %dma_start3A_438 = tpu.memref_slice %arg8[%dma_start3A_437] : memref<5120xi32, #tpu.memory_space<vmem>> -> memref<128xi32, #tpu.memory_space<vmem>>
        %dma_start3A_439 = arith.constant 0 : i32
        %dma_start3A_440 = arith.constant 0 : i32
        %dma_start3A_441 = tpu.memref_slice %arg11[%dma_start3A_439, %dma_start3A_440] : memref<10240x128xf32, #tpu.memory_space<vmem_shared>> -> memref<10240x128xf32, #tpu.memory_space<vmem_shared>>
        tpu.enqueue_indirect_dma source(%arg9 : memref<128x128xf32, #tpu.memory_space<vmem>>) target(%dma_start3A_441 : memref<10240x128xf32, #tpu.memory_space<vmem_shared>>) offsets(%dma_start3A_438 : memref<128xi32, #tpu.memory_space<vmem>>) semaphore(%run_scoped3A : memref<!tpu.dma_semaphore, #tpu.memory_space<semaphore_mem>>) {add = true}
        %dma_wait3A_442 = arith.constant 3584 : i32
        %dma_wait3A_443 = tpu.memref_slice %arg8[%dma_wait3A_442] : memref<5120xi32, #tpu.memory_space<vmem>> -> memref<128xi32, #tpu.memory_space<vmem>>
        %dma_wait3A_444 = arith.constant 0 : i32
        %dma_wait3A_445 = arith.constant 0 : i32
        %dma_wait3A_446 = tpu.memref_slice %arg11[%dma_wait3A_444, %dma_wait3A_445] : memref<10240x128xf32, #tpu.memory_space<vmem_shared>> -> memref<10240x128xf32, #tpu.memory_space<vmem_shared>>
        tpu.wait_indirect_dma semaphore(%run_scoped3A : memref<!tpu.dma_semaphore, #tpu.memory_space<semaphore_mem>>) src(%arg9 : memref<128x128xf32, #tpu.memory_space<vmem>>) dst(%dma_wait3A_446 : memref<10240x128xf32, #tpu.memory_space<vmem_shared>>)
        tpu.yield
      }) : () -> ()
      %dma_start3A_332 = arith.constant 3840 : i32
      %dma_start3A_333 = tpu.memref_slice %arg7[%dma_start3A_332] : memref<5120xi32, #tpu.memory_space<vmem>> -> memref<128xi32, #tpu.memory_space<vmem>>
      %dma_start3A_334 = arith.constant 0 : i32
      %dma_start3A_335 = arith.constant 0 : i32
      %dma_start3A_336 = tpu.memref_slice %arg2[%dma_start3A_334, %dma_start3A_335] : memref<10000x128xf32, #tpu.memory_space<hbm>> -> memref<10000x128xf32, #tpu.memory_space<hbm>>
      tpu.enqueue_indirect_dma source(%dma_start3A_336 : memref<10000x128xf32, #tpu.memory_space<hbm>>) target(%arg9 : memref<128x128xf32, #tpu.memory_space<vmem>>) offsets(%dma_start3A_333 : memref<128xi32, #tpu.memory_space<vmem>>) semaphore(%arg12 : memref<!tpu.dma_semaphore, #tpu.memory_space<semaphore_mem>>)
      %dma_wait3A_337 = arith.constant 3712 : i32
      %dma_wait3A_338 = tpu.memref_slice %arg7[%dma_wait3A_337] : memref<5120xi32, #tpu.memory_space<vmem>> -> memref<128xi32, #tpu.memory_space<vmem>>
      %dma_wait3A_339 = arith.constant 0 : i32
      %dma_wait3A_340 = arith.constant 0 : i32
      %dma_wait3A_341 = tpu.memref_slice %arg2[%dma_wait3A_339, %dma_wait3A_340] : memref<10000x128xf32, #tpu.memory_space<hbm>> -> memref<10000x128xf32, #tpu.memory_space<hbm>>
      tpu.wait_indirect_dma semaphore(%arg13 : memref<!tpu.dma_semaphore, #tpu.memory_space<semaphore_mem>>) src(%dma_wait3A_341 : memref<10000x128xf32, #tpu.memory_space<hbm>>) dst(%arg10 : memref<128x128xf32, #tpu.memory_space<vmem>>)
      "tpu.region"() ({
        %run_scoped3A = tpu.sem_alloc : memref<!tpu.dma_semaphore, #tpu.memory_space<semaphore_mem>>
        %dma_start3A_437 = arith.constant 3712 : i32
        %dma_start3A_438 = tpu.memref_slice %arg8[%dma_start3A_437] : memref<5120xi32, #tpu.memory_space<vmem>> -> memref<128xi32, #tpu.memory_space<vmem>>
        %dma_start3A_439 = arith.constant 0 : i32
        %dma_start3A_440 = arith.constant 0 : i32
        %dma_start3A_441 = tpu.memref_slice %arg11[%dma_start3A_439, %dma_start3A_440] : memref<10240x128xf32, #tpu.memory_space<vmem_shared>> -> memref<10240x128xf32, #tpu.memory_space<vmem_shared>>
        tpu.enqueue_indirect_dma source(%arg10 : memref<128x128xf32, #tpu.memory_space<vmem>>) target(%dma_start3A_441 : memref<10240x128xf32, #tpu.memory_space<vmem_shared>>) offsets(%dma_start3A_438 : memref<128xi32, #tpu.memory_space<vmem>>) semaphore(%run_scoped3A : memref<!tpu.dma_semaphore, #tpu.memory_space<semaphore_mem>>) {add = true}
        %dma_wait3A_442 = arith.constant 3712 : i32
        %dma_wait3A_443 = tpu.memref_slice %arg8[%dma_wait3A_442] : memref<5120xi32, #tpu.memory_space<vmem>> -> memref<128xi32, #tpu.memory_space<vmem>>
        %dma_wait3A_444 = arith.constant 0 : i32
        %dma_wait3A_445 = arith.constant 0 : i32
        %dma_wait3A_446 = tpu.memref_slice %arg11[%dma_wait3A_444, %dma_wait3A_445] : memref<10240x128xf32, #tpu.memory_space<vmem_shared>> -> memref<10240x128xf32, #tpu.memory_space<vmem_shared>>
        tpu.wait_indirect_dma semaphore(%run_scoped3A : memref<!tpu.dma_semaphore, #tpu.memory_space<semaphore_mem>>) src(%arg10 : memref<128x128xf32, #tpu.memory_space<vmem>>) dst(%dma_wait3A_446 : memref<10240x128xf32, #tpu.memory_space<vmem_shared>>)
        tpu.yield
      }) : () -> ()
      %dma_start3A_342 = arith.constant 3968 : i32
      %dma_start3A_343 = tpu.memref_slice %arg7[%dma_start3A_342] : memref<5120xi32, #tpu.memory_space<vmem>> -> memref<128xi32, #tpu.memory_space<vmem>>
      %dma_start3A_344 = arith.constant 0 : i32
      %dma_start3A_345 = arith.constant 0 : i32
      %dma_start3A_346 = tpu.memref_slice %arg2[%dma_start3A_344, %dma_start3A_345] : memref<10000x128xf32, #tpu.memory_space<hbm>> -> memref<10000x128xf32, #tpu.memory_space<hbm>>
      tpu.enqueue_indirect_dma source(%dma_start3A_346 : memref<10000x128xf32, #tpu.memory_space<hbm>>) target(%arg10 : memref<128x128xf32, #tpu.memory_space<vmem>>) offsets(%dma_start3A_343 : memref<128xi32, #tpu.memory_space<vmem>>) semaphore(%arg13 : memref<!tpu.dma_semaphore, #tpu.memory_space<semaphore_mem>>)
      %dma_wait3A_347 = arith.constant 3840 : i32
      %dma_wait3A_348 = tpu.memref_slice %arg7[%dma_wait3A_347] : memref<5120xi32, #tpu.memory_space<vmem>> -> memref<128xi32, #tpu.memory_space<vmem>>
      %dma_wait3A_349 = arith.constant 0 : i32
      %dma_wait3A_350 = arith.constant 0 : i32
      %dma_wait3A_351 = tpu.memref_slice %arg2[%dma_wait3A_349, %dma_wait3A_350] : memref<10000x128xf32, #tpu.memory_space<hbm>> -> memref<10000x128xf32, #tpu.memory_space<hbm>>
      tpu.wait_indirect_dma semaphore(%arg12 : memref<!tpu.dma_semaphore, #tpu.memory_space<semaphore_mem>>) src(%dma_wait3A_351 : memref<10000x128xf32, #tpu.memory_space<hbm>>) dst(%arg9 : memref<128x128xf32, #tpu.memory_space<vmem>>)
      "tpu.region"() ({
        %run_scoped3A = tpu.sem_alloc : memref<!tpu.dma_semaphore, #tpu.memory_space<semaphore_mem>>
        %dma_start3A_437 = arith.constant 3840 : i32
        %dma_start3A_438 = tpu.memref_slice %arg8[%dma_start3A_437] : memref<5120xi32, #tpu.memory_space<vmem>> -> memref<128xi32, #tpu.memory_space<vmem>>
        %dma_start3A_439 = arith.constant 0 : i32
        %dma_start3A_440 = arith.constant 0 : i32
        %dma_start3A_441 = tpu.memref_slice %arg11[%dma_start3A_439, %dma_start3A_440] : memref<10240x128xf32, #tpu.memory_space<vmem_shared>> -> memref<10240x128xf32, #tpu.memory_space<vmem_shared>>
        tpu.enqueue_indirect_dma source(%arg9 : memref<128x128xf32, #tpu.memory_space<vmem>>) target(%dma_start3A_441 : memref<10240x128xf32, #tpu.memory_space<vmem_shared>>) offsets(%dma_start3A_438 : memref<128xi32, #tpu.memory_space<vmem>>) semaphore(%run_scoped3A : memref<!tpu.dma_semaphore, #tpu.memory_space<semaphore_mem>>) {add = true}
        %dma_wait3A_442 = arith.constant 3840 : i32
        %dma_wait3A_443 = tpu.memref_slice %arg8[%dma_wait3A_442] : memref<5120xi32, #tpu.memory_space<vmem>> -> memref<128xi32, #tpu.memory_space<vmem>>
        %dma_wait3A_444 = arith.constant 0 : i32
        %dma_wait3A_445 = arith.constant 0 : i32
        %dma_wait3A_446 = tpu.memref_slice %arg11[%dma_wait3A_444, %dma_wait3A_445] : memref<10240x128xf32, #tpu.memory_space<vmem_shared>> -> memref<10240x128xf32, #tpu.memory_space<vmem_shared>>
        tpu.wait_indirect_dma semaphore(%run_scoped3A : memref<!tpu.dma_semaphore, #tpu.memory_space<semaphore_mem>>) src(%arg9 : memref<128x128xf32, #tpu.memory_space<vmem>>) dst(%dma_wait3A_446 : memref<10240x128xf32, #tpu.memory_space<vmem_shared>>)
        tpu.yield
      }) : () -> ()
      %dma_start3A_352 = arith.constant 4096 : i32
      %dma_start3A_353 = tpu.memref_slice %arg7[%dma_start3A_352] : memref<5120xi32, #tpu.memory_space<vmem>> -> memref<128xi32, #tpu.memory_space<vmem>>
      %dma_start3A_354 = arith.constant 0 : i32
      %dma_start3A_355 = arith.constant 0 : i32
      %dma_start3A_356 = tpu.memref_slice %arg2[%dma_start3A_354, %dma_start3A_355] : memref<10000x128xf32, #tpu.memory_space<hbm>> -> memref<10000x128xf32, #tpu.memory_space<hbm>>
      tpu.enqueue_indirect_dma source(%dma_start3A_356 : memref<10000x128xf32, #tpu.memory_space<hbm>>) target(%arg9 : memref<128x128xf32, #tpu.memory_space<vmem>>) offsets(%dma_start3A_353 : memref<128xi32, #tpu.memory_space<vmem>>) semaphore(%arg12 : memref<!tpu.dma_semaphore, #tpu.memory_space<semaphore_mem>>)
      %dma_wait3A_357 = arith.constant 3968 : i32
      %dma_wait3A_358 = tpu.memref_slice %arg7[%dma_wait3A_357] : memref<5120xi32, #tpu.memory_space<vmem>> -> memref<128xi32, #tpu.memory_space<vmem>>
      %dma_wait3A_359 = arith.constant 0 : i32
      %dma_wait3A_360 = arith.constant 0 : i32
      %dma_wait3A_361 = tpu.memref_slice %arg2[%dma_wait3A_359, %dma_wait3A_360] : memref<10000x128xf32, #tpu.memory_space<hbm>> -> memref<10000x128xf32, #tpu.memory_space<hbm>>
      tpu.wait_indirect_dma semaphore(%arg13 : memref<!tpu.dma_semaphore, #tpu.memory_space<semaphore_mem>>) src(%dma_wait3A_361 : memref<10000x128xf32, #tpu.memory_space<hbm>>) dst(%arg10 : memref<128x128xf32, #tpu.memory_space<vmem>>)
      "tpu.region"() ({
        %run_scoped3A = tpu.sem_alloc : memref<!tpu.dma_semaphore, #tpu.memory_space<semaphore_mem>>
        %dma_start3A_437 = arith.constant 3968 : i32
        %dma_start3A_438 = tpu.memref_slice %arg8[%dma_start3A_437] : memref<5120xi32, #tpu.memory_space<vmem>> -> memref<128xi32, #tpu.memory_space<vmem>>
        %dma_start3A_439 = arith.constant 0 : i32
        %dma_start3A_440 = arith.constant 0 : i32
        %dma_start3A_441 = tpu.memref_slice %arg11[%dma_start3A_439, %dma_start3A_440] : memref<10240x128xf32, #tpu.memory_space<vmem_shared>> -> memref<10240x128xf32, #tpu.memory_space<vmem_shared>>
        tpu.enqueue_indirect_dma source(%arg10 : memref<128x128xf32, #tpu.memory_space<vmem>>) target(%dma_start3A_441 : memref<10240x128xf32, #tpu.memory_space<vmem_shared>>) offsets(%dma_start3A_438 : memref<128xi32, #tpu.memory_space<vmem>>) semaphore(%run_scoped3A : memref<!tpu.dma_semaphore, #tpu.memory_space<semaphore_mem>>) {add = true}
        %dma_wait3A_442 = arith.constant 3968 : i32
        %dma_wait3A_443 = tpu.memref_slice %arg8[%dma_wait3A_442] : memref<5120xi32, #tpu.memory_space<vmem>> -> memref<128xi32, #tpu.memory_space<vmem>>
        %dma_wait3A_444 = arith.constant 0 : i32
        %dma_wait3A_445 = arith.constant 0 : i32
        %dma_wait3A_446 = tpu.memref_slice %arg11[%dma_wait3A_444, %dma_wait3A_445] : memref<10240x128xf32, #tpu.memory_space<vmem_shared>> -> memref<10240x128xf32, #tpu.memory_space<vmem_shared>>
        tpu.wait_indirect_dma semaphore(%run_scoped3A : memref<!tpu.dma_semaphore, #tpu.memory_space<semaphore_mem>>) src(%arg10 : memref<128x128xf32, #tpu.memory_space<vmem>>) dst(%dma_wait3A_446 : memref<10240x128xf32, #tpu.memory_space<vmem_shared>>)
        tpu.yield
      }) : () -> ()
      %dma_start3A_362 = arith.constant 4224 : i32
      %dma_start3A_363 = tpu.memref_slice %arg7[%dma_start3A_362] : memref<5120xi32, #tpu.memory_space<vmem>> -> memref<128xi32, #tpu.memory_space<vmem>>
      %dma_start3A_364 = arith.constant 0 : i32
      %dma_start3A_365 = arith.constant 0 : i32
      %dma_start3A_366 = tpu.memref_slice %arg2[%dma_start3A_364, %dma_start3A_365] : memref<10000x128xf32, #tpu.memory_space<hbm>> -> memref<10000x128xf32, #tpu.memory_space<hbm>>
      tpu.enqueue_indirect_dma source(%dma_start3A_366 : memref<10000x128xf32, #tpu.memory_space<hbm>>) target(%arg10 : memref<128x128xf32, #tpu.memory_space<vmem>>) offsets(%dma_start3A_363 : memref<128xi32, #tpu.memory_space<vmem>>) semaphore(%arg13 : memref<!tpu.dma_semaphore, #tpu.memory_space<semaphore_mem>>)
      %dma_wait3A_367 = arith.constant 4096 : i32
      %dma_wait3A_368 = tpu.memref_slice %arg7[%dma_wait3A_367] : memref<5120xi32, #tpu.memory_space<vmem>> -> memref<128xi32, #tpu.memory_space<vmem>>
      %dma_wait3A_369 = arith.constant 0 : i32
      %dma_wait3A_370 = arith.constant 0 : i32
      %dma_wait3A_371 = tpu.memref_slice %arg2[%dma_wait3A_369, %dma_wait3A_370] : memref<10000x128xf32, #tpu.memory_space<hbm>> -> memref<10000x128xf32, #tpu.memory_space<hbm>>
      tpu.wait_indirect_dma semaphore(%arg12 : memref<!tpu.dma_semaphore, #tpu.memory_space<semaphore_mem>>) src(%dma_wait3A_371 : memref<10000x128xf32, #tpu.memory_space<hbm>>) dst(%arg9 : memref<128x128xf32, #tpu.memory_space<vmem>>)
      "tpu.region"() ({
        %run_scoped3A = tpu.sem_alloc : memref<!tpu.dma_semaphore, #tpu.memory_space<semaphore_mem>>
        %dma_start3A_437 = arith.constant 4096 : i32
        %dma_start3A_438 = tpu.memref_slice %arg8[%dma_start3A_437] : memref<5120xi32, #tpu.memory_space<vmem>> -> memref<128xi32, #tpu.memory_space<vmem>>
        %dma_start3A_439 = arith.constant 0 : i32
        %dma_start3A_440 = arith.constant 0 : i32
        %dma_start3A_441 = tpu.memref_slice %arg11[%dma_start3A_439, %dma_start3A_440] : memref<10240x128xf32, #tpu.memory_space<vmem_shared>> -> memref<10240x128xf32, #tpu.memory_space<vmem_shared>>
        tpu.enqueue_indirect_dma source(%arg9 : memref<128x128xf32, #tpu.memory_space<vmem>>) target(%dma_start3A_441 : memref<10240x128xf32, #tpu.memory_space<vmem_shared>>) offsets(%dma_start3A_438 : memref<128xi32, #tpu.memory_space<vmem>>) semaphore(%run_scoped3A : memref<!tpu.dma_semaphore, #tpu.memory_space<semaphore_mem>>) {add = true}
        %dma_wait3A_442 = arith.constant 4096 : i32
        %dma_wait3A_443 = tpu.memref_slice %arg8[%dma_wait3A_442] : memref<5120xi32, #tpu.memory_space<vmem>> -> memref<128xi32, #tpu.memory_space<vmem>>
        %dma_wait3A_444 = arith.constant 0 : i32
        %dma_wait3A_445 = arith.constant 0 : i32
        %dma_wait3A_446 = tpu.memref_slice %arg11[%dma_wait3A_444, %dma_wait3A_445] : memref<10240x128xf32, #tpu.memory_space<vmem_shared>> -> memref<10240x128xf32, #tpu.memory_space<vmem_shared>>
        tpu.wait_indirect_dma semaphore(%run_scoped3A : memref<!tpu.dma_semaphore, #tpu.memory_space<semaphore_mem>>) src(%arg9 : memref<128x128xf32, #tpu.memory_space<vmem>>) dst(%dma_wait3A_446 : memref<10240x128xf32, #tpu.memory_space<vmem_shared>>)
        tpu.yield
      }) : () -> ()
      %dma_start3A_372 = arith.constant 4352 : i32
      %dma_start3A_373 = tpu.memref_slice %arg7[%dma_start3A_372] : memref<5120xi32, #tpu.memory_space<vmem>> -> memref<128xi32, #tpu.memory_space<vmem>>
      %dma_start3A_374 = arith.constant 0 : i32
      %dma_start3A_375 = arith.constant 0 : i32
      %dma_start3A_376 = tpu.memref_slice %arg2[%dma_start3A_374, %dma_start3A_375] : memref<10000x128xf32, #tpu.memory_space<hbm>> -> memref<10000x128xf32, #tpu.memory_space<hbm>>
      tpu.enqueue_indirect_dma source(%dma_start3A_376 : memref<10000x128xf32, #tpu.memory_space<hbm>>) target(%arg9 : memref<128x128xf32, #tpu.memory_space<vmem>>) offsets(%dma_start3A_373 : memref<128xi32, #tpu.memory_space<vmem>>) semaphore(%arg12 : memref<!tpu.dma_semaphore, #tpu.memory_space<semaphore_mem>>)
      %dma_wait3A_377 = arith.constant 4224 : i32
      %dma_wait3A_378 = tpu.memref_slice %arg7[%dma_wait3A_377] : memref<5120xi32, #tpu.memory_space<vmem>> -> memref<128xi32, #tpu.memory_space<vmem>>
      %dma_wait3A_379 = arith.constant 0 : i32
      %dma_wait3A_380 = arith.constant 0 : i32
      %dma_wait3A_381 = tpu.memref_slice %arg2[%dma_wait3A_379, %dma_wait3A_380] : memref<10000x128xf32, #tpu.memory_space<hbm>> -> memref<10000x128xf32, #tpu.memory_space<hbm>>
      tpu.wait_indirect_dma semaphore(%arg13 : memref<!tpu.dma_semaphore, #tpu.memory_space<semaphore_mem>>) src(%dma_wait3A_381 : memref<10000x128xf32, #tpu.memory_space<hbm>>) dst(%arg10 : memref<128x128xf32, #tpu.memory_space<vmem>>)
      "tpu.region"() ({
        %run_scoped3A = tpu.sem_alloc : memref<!tpu.dma_semaphore, #tpu.memory_space<semaphore_mem>>
        %dma_start3A_437 = arith.constant 4224 : i32
        %dma_start3A_438 = tpu.memref_slice %arg8[%dma_start3A_437] : memref<5120xi32, #tpu.memory_space<vmem>> -> memref<128xi32, #tpu.memory_space<vmem>>
        %dma_start3A_439 = arith.constant 0 : i32
        %dma_start3A_440 = arith.constant 0 : i32
        %dma_start3A_441 = tpu.memref_slice %arg11[%dma_start3A_439, %dma_start3A_440] : memref<10240x128xf32, #tpu.memory_space<vmem_shared>> -> memref<10240x128xf32, #tpu.memory_space<vmem_shared>>
        tpu.enqueue_indirect_dma source(%arg10 : memref<128x128xf32, #tpu.memory_space<vmem>>) target(%dma_start3A_441 : memref<10240x128xf32, #tpu.memory_space<vmem_shared>>) offsets(%dma_start3A_438 : memref<128xi32, #tpu.memory_space<vmem>>) semaphore(%run_scoped3A : memref<!tpu.dma_semaphore, #tpu.memory_space<semaphore_mem>>) {add = true}
        %dma_wait3A_442 = arith.constant 4224 : i32
        %dma_wait3A_443 = tpu.memref_slice %arg8[%dma_wait3A_442] : memref<5120xi32, #tpu.memory_space<vmem>> -> memref<128xi32, #tpu.memory_space<vmem>>
        %dma_wait3A_444 = arith.constant 0 : i32
        %dma_wait3A_445 = arith.constant 0 : i32
        %dma_wait3A_446 = tpu.memref_slice %arg11[%dma_wait3A_444, %dma_wait3A_445] : memref<10240x128xf32, #tpu.memory_space<vmem_shared>> -> memref<10240x128xf32, #tpu.memory_space<vmem_shared>>
        tpu.wait_indirect_dma semaphore(%run_scoped3A : memref<!tpu.dma_semaphore, #tpu.memory_space<semaphore_mem>>) src(%arg10 : memref<128x128xf32, #tpu.memory_space<vmem>>) dst(%dma_wait3A_446 : memref<10240x128xf32, #tpu.memory_space<vmem_shared>>)
        tpu.yield
      }) : () -> ()
      %dma_start3A_382 = arith.constant 4480 : i32
      %dma_start3A_383 = tpu.memref_slice %arg7[%dma_start3A_382] : memref<5120xi32, #tpu.memory_space<vmem>> -> memref<128xi32, #tpu.memory_space<vmem>>
      %dma_start3A_384 = arith.constant 0 : i32
      %dma_start3A_385 = arith.constant 0 : i32
      %dma_start3A_386 = tpu.memref_slice %arg2[%dma_start3A_384, %dma_start3A_385] : memref<10000x128xf32, #tpu.memory_space<hbm>> -> memref<10000x128xf32, #tpu.memory_space<hbm>>
      tpu.enqueue_indirect_dma source(%dma_start3A_386 : memref<10000x128xf32, #tpu.memory_space<hbm>>) target(%arg10 : memref<128x128xf32, #tpu.memory_space<vmem>>) offsets(%dma_start3A_383 : memref<128xi32, #tpu.memory_space<vmem>>) semaphore(%arg13 : memref<!tpu.dma_semaphore, #tpu.memory_space<semaphore_mem>>)
      %dma_wait3A_387 = arith.constant 4352 : i32
      %dma_wait3A_388 = tpu.memref_slice %arg7[%dma_wait3A_387] : memref<5120xi32, #tpu.memory_space<vmem>> -> memref<128xi32, #tpu.memory_space<vmem>>
      %dma_wait3A_389 = arith.constant 0 : i32
      %dma_wait3A_390 = arith.constant 0 : i32
      %dma_wait3A_391 = tpu.memref_slice %arg2[%dma_wait3A_389, %dma_wait3A_390] : memref<10000x128xf32, #tpu.memory_space<hbm>> -> memref<10000x128xf32, #tpu.memory_space<hbm>>
      tpu.wait_indirect_dma semaphore(%arg12 : memref<!tpu.dma_semaphore, #tpu.memory_space<semaphore_mem>>) src(%dma_wait3A_391 : memref<10000x128xf32, #tpu.memory_space<hbm>>) dst(%arg9 : memref<128x128xf32, #tpu.memory_space<vmem>>)
      "tpu.region"() ({
        %run_scoped3A = tpu.sem_alloc : memref<!tpu.dma_semaphore, #tpu.memory_space<semaphore_mem>>
        %dma_start3A_437 = arith.constant 4352 : i32
        %dma_start3A_438 = tpu.memref_slice %arg8[%dma_start3A_437] : memref<5120xi32, #tpu.memory_space<vmem>> -> memref<128xi32, #tpu.memory_space<vmem>>
        %dma_start3A_439 = arith.constant 0 : i32
        %dma_start3A_440 = arith.constant 0 : i32
        %dma_start3A_441 = tpu.memref_slice %arg11[%dma_start3A_439, %dma_start3A_440] : memref<10240x128xf32, #tpu.memory_space<vmem_shared>> -> memref<10240x128xf32, #tpu.memory_space<vmem_shared>>
        tpu.enqueue_indirect_dma source(%arg9 : memref<128x128xf32, #tpu.memory_space<vmem>>) target(%dma_start3A_441 : memref<10240x128xf32, #tpu.memory_space<vmem_shared>>) offsets(%dma_start3A_438 : memref<128xi32, #tpu.memory_space<vmem>>) semaphore(%run_scoped3A : memref<!tpu.dma_semaphore, #tpu.memory_space<semaphore_mem>>) {add = true}
        %dma_wait3A_442 = arith.constant 4352 : i32
        %dma_wait3A_443 = tpu.memref_slice %arg8[%dma_wait3A_442] : memref<5120xi32, #tpu.memory_space<vmem>> -> memref<128xi32, #tpu.memory_space<vmem>>
        %dma_wait3A_444 = arith.constant 0 : i32
        %dma_wait3A_445 = arith.constant 0 : i32
        %dma_wait3A_446 = tpu.memref_slice %arg11[%dma_wait3A_444, %dma_wait3A_445] : memref<10240x128xf32, #tpu.memory_space<vmem_shared>> -> memref<10240x128xf32, #tpu.memory_space<vmem_shared>>
        tpu.wait_indirect_dma semaphore(%run_scoped3A : memref<!tpu.dma_semaphore, #tpu.memory_space<semaphore_mem>>) src(%arg9 : memref<128x128xf32, #tpu.memory_space<vmem>>) dst(%dma_wait3A_446 : memref<10240x128xf32, #tpu.memory_space<vmem_shared>>)
        tpu.yield
      }) : () -> ()
      %dma_start3A_392 = arith.constant 4608 : i32
      %dma_start3A_393 = tpu.memref_slice %arg7[%dma_start3A_392] : memref<5120xi32, #tpu.memory_space<vmem>> -> memref<128xi32, #tpu.memory_space<vmem>>
      %dma_start3A_394 = arith.constant 0 : i32
      %dma_start3A_395 = arith.constant 0 : i32
      %dma_start3A_396 = tpu.memref_slice %arg2[%dma_start3A_394, %dma_start3A_395] : memref<10000x128xf32, #tpu.memory_space<hbm>> -> memref<10000x128xf32, #tpu.memory_space<hbm>>
      tpu.enqueue_indirect_dma source(%dma_start3A_396 : memref<10000x128xf32, #tpu.memory_space<hbm>>) target(%arg9 : memref<128x128xf32, #tpu.memory_space<vmem>>) offsets(%dma_start3A_393 : memref<128xi32, #tpu.memory_space<vmem>>) semaphore(%arg12 : memref<!tpu.dma_semaphore, #tpu.memory_space<semaphore_mem>>)
      %dma_wait3A_397 = arith.constant 4480 : i32
      %dma_wait3A_398 = tpu.memref_slice %arg7[%dma_wait3A_397] : memref<5120xi32, #tpu.memory_space<vmem>> -> memref<128xi32, #tpu.memory_space<vmem>>
      %dma_wait3A_399 = arith.constant 0 : i32
      %dma_wait3A_400 = arith.constant 0 : i32
      %dma_wait3A_401 = tpu.memref_slice %arg2[%dma_wait3A_399, %dma_wait3A_400] : memref<10000x128xf32, #tpu.memory_space<hbm>> -> memref<10000x128xf32, #tpu.memory_space<hbm>>
      tpu.wait_indirect_dma semaphore(%arg13 : memref<!tpu.dma_semaphore, #tpu.memory_space<semaphore_mem>>) src(%dma_wait3A_401 : memref<10000x128xf32, #tpu.memory_space<hbm>>) dst(%arg10 : memref<128x128xf32, #tpu.memory_space<vmem>>)
      "tpu.region"() ({
        %run_scoped3A = tpu.sem_alloc : memref<!tpu.dma_semaphore, #tpu.memory_space<semaphore_mem>>
        %dma_start3A_437 = arith.constant 4480 : i32
        %dma_start3A_438 = tpu.memref_slice %arg8[%dma_start3A_437] : memref<5120xi32, #tpu.memory_space<vmem>> -> memref<128xi32, #tpu.memory_space<vmem>>
        %dma_start3A_439 = arith.constant 0 : i32
        %dma_start3A_440 = arith.constant 0 : i32
        %dma_start3A_441 = tpu.memref_slice %arg11[%dma_start3A_439, %dma_start3A_440] : memref<10240x128xf32, #tpu.memory_space<vmem_shared>> -> memref<10240x128xf32, #tpu.memory_space<vmem_shared>>
        tpu.enqueue_indirect_dma source(%arg10 : memref<128x128xf32, #tpu.memory_space<vmem>>) target(%dma_start3A_441 : memref<10240x128xf32, #tpu.memory_space<vmem_shared>>) offsets(%dma_start3A_438 : memref<128xi32, #tpu.memory_space<vmem>>) semaphore(%run_scoped3A : memref<!tpu.dma_semaphore, #tpu.memory_space<semaphore_mem>>) {add = true}
        %dma_wait3A_442 = arith.constant 4480 : i32
        %dma_wait3A_443 = tpu.memref_slice %arg8[%dma_wait3A_442] : memref<5120xi32, #tpu.memory_space<vmem>> -> memref<128xi32, #tpu.memory_space<vmem>>
        %dma_wait3A_444 = arith.constant 0 : i32
        %dma_wait3A_445 = arith.constant 0 : i32
        %dma_wait3A_446 = tpu.memref_slice %arg11[%dma_wait3A_444, %dma_wait3A_445] : memref<10240x128xf32, #tpu.memory_space<vmem_shared>> -> memref<10240x128xf32, #tpu.memory_space<vmem_shared>>
        tpu.wait_indirect_dma semaphore(%run_scoped3A : memref<!tpu.dma_semaphore, #tpu.memory_space<semaphore_mem>>) src(%arg10 : memref<128x128xf32, #tpu.memory_space<vmem>>) dst(%dma_wait3A_446 : memref<10240x128xf32, #tpu.memory_space<vmem_shared>>)
        tpu.yield
      }) : () -> ()
      %dma_start3A_402 = arith.constant 4736 : i32
      %dma_start3A_403 = tpu.memref_slice %arg7[%dma_start3A_402] : memref<5120xi32, #tpu.memory_space<vmem>> -> memref<128xi32, #tpu.memory_space<vmem>>
      %dma_start3A_404 = arith.constant 0 : i32
      %dma_start3A_405 = arith.constant 0 : i32
      %dma_start3A_406 = tpu.memref_slice %arg2[%dma_start3A_404, %dma_start3A_405] : memref<10000x128xf32, #tpu.memory_space<hbm>> -> memref<10000x128xf32, #tpu.memory_space<hbm>>
      tpu.enqueue_indirect_dma source(%dma_start3A_406 : memref<10000x128xf32, #tpu.memory_space<hbm>>) target(%arg10 : memref<128x128xf32, #tpu.memory_space<vmem>>) offsets(%dma_start3A_403 : memref<128xi32, #tpu.memory_space<vmem>>) semaphore(%arg13 : memref<!tpu.dma_semaphore, #tpu.memory_space<semaphore_mem>>)
      %dma_wait3A_407 = arith.constant 4608 : i32
      %dma_wait3A_408 = tpu.memref_slice %arg7[%dma_wait3A_407] : memref<5120xi32, #tpu.memory_space<vmem>> -> memref<128xi32, #tpu.memory_space<vmem>>
      %dma_wait3A_409 = arith.constant 0 : i32
      %dma_wait3A_410 = arith.constant 0 : i32
      %dma_wait3A_411 = tpu.memref_slice %arg2[%dma_wait3A_409, %dma_wait3A_410] : memref<10000x128xf32, #tpu.memory_space<hbm>> -> memref<10000x128xf32, #tpu.memory_space<hbm>>
      tpu.wait_indirect_dma semaphore(%arg12 : memref<!tpu.dma_semaphore, #tpu.memory_space<semaphore_mem>>) src(%dma_wait3A_411 : memref<10000x128xf32, #tpu.memory_space<hbm>>) dst(%arg9 : memref<128x128xf32, #tpu.memory_space<vmem>>)
      "tpu.region"() ({
        %run_scoped3A = tpu.sem_alloc : memref<!tpu.dma_semaphore, #tpu.memory_space<semaphore_mem>>
        %dma_start3A_437 = arith.constant 4608 : i32
        %dma_start3A_438 = tpu.memref_slice %arg8[%dma_start3A_437] : memref<5120xi32, #tpu.memory_space<vmem>> -> memref<128xi32, #tpu.memory_space<vmem>>
        %dma_start3A_439 = arith.constant 0 : i32
        %dma_start3A_440 = arith.constant 0 : i32
        %dma_start3A_441 = tpu.memref_slice %arg11[%dma_start3A_439, %dma_start3A_440] : memref<10240x128xf32, #tpu.memory_space<vmem_shared>> -> memref<10240x128xf32, #tpu.memory_space<vmem_shared>>
        tpu.enqueue_indirect_dma source(%arg9 : memref<128x128xf32, #tpu.memory_space<vmem>>) target(%dma_start3A_441 : memref<10240x128xf32, #tpu.memory_space<vmem_shared>>) offsets(%dma_start3A_438 : memref<128xi32, #tpu.memory_space<vmem>>) semaphore(%run_scoped3A : memref<!tpu.dma_semaphore, #tpu.memory_space<semaphore_mem>>) {add = true}
        %dma_wait3A_442 = arith.constant 4608 : i32
        %dma_wait3A_443 = tpu.memref_slice %arg8[%dma_wait3A_442] : memref<5120xi32, #tpu.memory_space<vmem>> -> memref<128xi32, #tpu.memory_space<vmem>>
        %dma_wait3A_444 = arith.constant 0 : i32
        %dma_wait3A_445 = arith.constant 0 : i32
        %dma_wait3A_446 = tpu.memref_slice %arg11[%dma_wait3A_444, %dma_wait3A_445] : memref<10240x128xf32, #tpu.memory_space<vmem_shared>> -> memref<10240x128xf32, #tpu.memory_space<vmem_shared>>
        tpu.wait_indirect_dma semaphore(%run_scoped3A : memref<!tpu.dma_semaphore, #tpu.memory_space<semaphore_mem>>) src(%arg9 : memref<128x128xf32, #tpu.memory_space<vmem>>) dst(%dma_wait3A_446 : memref<10240x128xf32, #tpu.memory_space<vmem_shared>>)
        tpu.yield
      }) : () -> ()
      %dma_start3A_412 = arith.constant 4864 : i32
      %dma_start3A_413 = tpu.memref_slice %arg7[%dma_start3A_412] : memref<5120xi32, #tpu.memory_space<vmem>> -> memref<128xi32, #tpu.memory_space<vmem>>
      %dma_start3A_414 = arith.constant 0 : i32
      %dma_start3A_415 = arith.constant 0 : i32
      %dma_start3A_416 = tpu.memref_slice %arg2[%dma_start3A_414, %dma_start3A_415] : memref<10000x128xf32, #tpu.memory_space<hbm>> -> memref<10000x128xf32, #tpu.memory_space<hbm>>
      tpu.enqueue_indirect_dma source(%dma_start3A_416 : memref<10000x128xf32, #tpu.memory_space<hbm>>) target(%arg9 : memref<128x128xf32, #tpu.memory_space<vmem>>) offsets(%dma_start3A_413 : memref<128xi32, #tpu.memory_space<vmem>>) semaphore(%arg12 : memref<!tpu.dma_semaphore, #tpu.memory_space<semaphore_mem>>)
      %dma_wait3A_417 = arith.constant 4736 : i32
      %dma_wait3A_418 = tpu.memref_slice %arg7[%dma_wait3A_417] : memref<5120xi32, #tpu.memory_space<vmem>> -> memref<128xi32, #tpu.memory_space<vmem>>
      %dma_wait3A_419 = arith.constant 0 : i32
      %dma_wait3A_420 = arith.constant 0 : i32
      %dma_wait3A_421 = tpu.memref_slice %arg2[%dma_wait3A_419, %dma_wait3A_420] : memref<10000x128xf32, #tpu.memory_space<hbm>> -> memref<10000x128xf32, #tpu.memory_space<hbm>>
      tpu.wait_indirect_dma semaphore(%arg13 : memref<!tpu.dma_semaphore, #tpu.memory_space<semaphore_mem>>) src(%dma_wait3A_421 : memref<10000x128xf32, #tpu.memory_space<hbm>>) dst(%arg10 : memref<128x128xf32, #tpu.memory_space<vmem>>)
      "tpu.region"() ({
        %run_scoped3A = tpu.sem_alloc : memref<!tpu.dma_semaphore, #tpu.memory_space<semaphore_mem>>
        %dma_start3A_437 = arith.constant 4736 : i32
        %dma_start3A_438 = tpu.memref_slice %arg8[%dma_start3A_437] : memref<5120xi32, #tpu.memory_space<vmem>> -> memref<128xi32, #tpu.memory_space<vmem>>
        %dma_start3A_439 = arith.constant 0 : i32
        %dma_start3A_440 = arith.constant 0 : i32
        %dma_start3A_441 = tpu.memref_slice %arg11[%dma_start3A_439, %dma_start3A_440] : memref<10240x128xf32, #tpu.memory_space<vmem_shared>> -> memref<10240x128xf32, #tpu.memory_space<vmem_shared>>
        tpu.enqueue_indirect_dma source(%arg10 : memref<128x128xf32, #tpu.memory_space<vmem>>) target(%dma_start3A_441 : memref<10240x128xf32, #tpu.memory_space<vmem_shared>>) offsets(%dma_start3A_438 : memref<128xi32, #tpu.memory_space<vmem>>) semaphore(%run_scoped3A : memref<!tpu.dma_semaphore, #tpu.memory_space<semaphore_mem>>) {add = true}
        %dma_wait3A_442 = arith.constant 4736 : i32
        %dma_wait3A_443 = tpu.memref_slice %arg8[%dma_wait3A_442] : memref<5120xi32, #tpu.memory_space<vmem>> -> memref<128xi32, #tpu.memory_space<vmem>>
        %dma_wait3A_444 = arith.constant 0 : i32
        %dma_wait3A_445 = arith.constant 0 : i32
        %dma_wait3A_446 = tpu.memref_slice %arg11[%dma_wait3A_444, %dma_wait3A_445] : memref<10240x128xf32, #tpu.memory_space<vmem_shared>> -> memref<10240x128xf32, #tpu.memory_space<vmem_shared>>
        tpu.wait_indirect_dma semaphore(%run_scoped3A : memref<!tpu.dma_semaphore, #tpu.memory_space<semaphore_mem>>) src(%arg10 : memref<128x128xf32, #tpu.memory_space<vmem>>) dst(%dma_wait3A_446 : memref<10240x128xf32, #tpu.memory_space<vmem_shared>>)
        tpu.yield
      }) : () -> ()
      %dma_start3A_422 = arith.constant 4992 : i32
      %dma_start3A_423 = tpu.memref_slice %arg7[%dma_start3A_422] : memref<5120xi32, #tpu.memory_space<vmem>> -> memref<128xi32, #tpu.memory_space<vmem>>
      %dma_start3A_424 = arith.constant 0 : i32
      %dma_start3A_425 = arith.constant 0 : i32
      %dma_start3A_426 = tpu.memref_slice %arg2[%dma_start3A_424, %dma_start3A_425] : memref<10000x128xf32, #tpu.memory_space<hbm>> -> memref<10000x128xf32, #tpu.memory_space<hbm>>
      tpu.enqueue_indirect_dma source(%dma_start3A_426 : memref<10000x128xf32, #tpu.memory_space<hbm>>) target(%arg10 : memref<128x128xf32, #tpu.memory_space<vmem>>) offsets(%dma_start3A_423 : memref<128xi32, #tpu.memory_space<vmem>>) semaphore(%arg13 : memref<!tpu.dma_semaphore, #tpu.memory_space<semaphore_mem>>)
      %dma_wait3A_427 = arith.constant 4864 : i32
      %dma_wait3A_428 = tpu.memref_slice %arg7[%dma_wait3A_427] : memref<5120xi32, #tpu.memory_space<vmem>> -> memref<128xi32, #tpu.memory_space<vmem>>
      %dma_wait3A_429 = arith.constant 0 : i32
      %dma_wait3A_430 = arith.constant 0 : i32
      %dma_wait3A_431 = tpu.memref_slice %arg2[%dma_wait3A_429, %dma_wait3A_430] : memref<10000x128xf32, #tpu.memory_space<hbm>> -> memref<10000x128xf32, #tpu.memory_space<hbm>>
      tpu.wait_indirect_dma semaphore(%arg12 : memref<!tpu.dma_semaphore, #tpu.memory_space<semaphore_mem>>) src(%dma_wait3A_431 : memref<10000x128xf32, #tpu.memory_space<hbm>>) dst(%arg9 : memref<128x128xf32, #tpu.memory_space<vmem>>)
      "tpu.region"() ({
        %run_scoped3A = tpu.sem_alloc : memref<!tpu.dma_semaphore, #tpu.memory_space<semaphore_mem>>
        %dma_start3A_437 = arith.constant 4864 : i32
        %dma_start3A_438 = tpu.memref_slice %arg8[%dma_start3A_437] : memref<5120xi32, #tpu.memory_space<vmem>> -> memref<128xi32, #tpu.memory_space<vmem>>
        %dma_start3A_439 = arith.constant 0 : i32
        %dma_start3A_440 = arith.constant 0 : i32
        %dma_start3A_441 = tpu.memref_slice %arg11[%dma_start3A_439, %dma_start3A_440] : memref<10240x128xf32, #tpu.memory_space<vmem_shared>> -> memref<10240x128xf32, #tpu.memory_space<vmem_shared>>
        tpu.enqueue_indirect_dma source(%arg9 : memref<128x128xf32, #tpu.memory_space<vmem>>) target(%dma_start3A_441 : memref<10240x128xf32, #tpu.memory_space<vmem_shared>>) offsets(%dma_start3A_438 : memref<128xi32, #tpu.memory_space<vmem>>) semaphore(%run_scoped3A : memref<!tpu.dma_semaphore, #tpu.memory_space<semaphore_mem>>) {add = true}
        %dma_wait3A_442 = arith.constant 4864 : i32
        %dma_wait3A_443 = tpu.memref_slice %arg8[%dma_wait3A_442] : memref<5120xi32, #tpu.memory_space<vmem>> -> memref<128xi32, #tpu.memory_space<vmem>>
        %dma_wait3A_444 = arith.constant 0 : i32
        %dma_wait3A_445 = arith.constant 0 : i32
        %dma_wait3A_446 = tpu.memref_slice %arg11[%dma_wait3A_444, %dma_wait3A_445] : memref<10240x128xf32, #tpu.memory_space<vmem_shared>> -> memref<10240x128xf32, #tpu.memory_space<vmem_shared>>
        tpu.wait_indirect_dma semaphore(%run_scoped3A : memref<!tpu.dma_semaphore, #tpu.memory_space<semaphore_mem>>) src(%arg9 : memref<128x128xf32, #tpu.memory_space<vmem>>) dst(%dma_wait3A_446 : memref<10240x128xf32, #tpu.memory_space<vmem_shared>>)
        tpu.yield
      }) : () -> ()
      %dma_wait3A_432 = arith.constant 4992 : i32
      %dma_wait3A_433 = tpu.memref_slice %arg7[%dma_wait3A_432] : memref<5120xi32, #tpu.memory_space<vmem>> -> memref<128xi32, #tpu.memory_space<vmem>>
      %dma_wait3A_434 = arith.constant 0 : i32
      %dma_wait3A_435 = arith.constant 0 : i32
      %dma_wait3A_436 = tpu.memref_slice %arg2[%dma_wait3A_434, %dma_wait3A_435] : memref<10000x128xf32, #tpu.memory_space<hbm>> -> memref<10000x128xf32, #tpu.memory_space<hbm>>
      tpu.wait_indirect_dma semaphore(%arg13 : memref<!tpu.dma_semaphore, #tpu.memory_space<semaphore_mem>>) src(%dma_wait3A_436 : memref<10000x128xf32, #tpu.memory_space<hbm>>) dst(%arg10 : memref<128x128xf32, #tpu.memory_space<vmem>>)
      "tpu.region"() ({
        %run_scoped3A = tpu.sem_alloc : memref<!tpu.dma_semaphore, #tpu.memory_space<semaphore_mem>>
        %dma_start3A_437 = arith.constant 4992 : i32
        %dma_start3A_438 = tpu.memref_slice %arg8[%dma_start3A_437] : memref<5120xi32, #tpu.memory_space<vmem>> -> memref<128xi32, #tpu.memory_space<vmem>>
        %dma_start3A_439 = arith.constant 0 : i32
        %dma_start3A_440 = arith.constant 0 : i32
        %dma_start3A_441 = tpu.memref_slice %arg11[%dma_start3A_439, %dma_start3A_440] : memref<10240x128xf32, #tpu.memory_space<vmem_shared>> -> memref<10240x128xf32, #tpu.memory_space<vmem_shared>>
        tpu.enqueue_indirect_dma source(%arg10 : memref<128x128xf32, #tpu.memory_space<vmem>>) target(%dma_start3A_441 : memref<10240x128xf32, #tpu.memory_space<vmem_shared>>) offsets(%dma_start3A_438 : memref<128xi32, #tpu.memory_space<vmem>>) semaphore(%run_scoped3A : memref<!tpu.dma_semaphore, #tpu.memory_space<semaphore_mem>>) {add = true}
        %dma_wait3A_442 = arith.constant 4992 : i32
        %dma_wait3A_443 = tpu.memref_slice %arg8[%dma_wait3A_442] : memref<5120xi32, #tpu.memory_space<vmem>> -> memref<128xi32, #tpu.memory_space<vmem>>
        %dma_wait3A_444 = arith.constant 0 : i32
        %dma_wait3A_445 = arith.constant 0 : i32
        %dma_wait3A_446 = tpu.memref_slice %arg11[%dma_wait3A_444, %dma_wait3A_445] : memref<10240x128xf32, #tpu.memory_space<vmem_shared>> -> memref<10240x128xf32, #tpu.memory_space<vmem_shared>>
        tpu.wait_indirect_dma semaphore(%run_scoped3A : memref<!tpu.dma_semaphore, #tpu.memory_space<semaphore_mem>>) src(%arg10 : memref<128x128xf32, #tpu.memory_space<vmem>>) dst(%dma_wait3A_446 : memref<10240x128xf32, #tpu.memory_space<vmem_shared>>)
        tpu.yield
      }) : () -> ()
    }
    %scan3A_33 = arith.constant 2 : i32
    %barrier3A_34 = arith.constant 0 : index
    tpu.barrier barrier_id(%barrier3A_34)
    %mul3A_35 = arith.constant 640 : i32
    %mul3A_36 = arith.muli %arg1, %mul3A_35 : i32
    %mul3A_37 = arith.constant 10240 : i32
    %mul3A_38 = arith.muli %arg0, %mul3A_37 : i32
    %mul3A_39 = arith.constant 640 : i32
    %mul3A_40 = arith.muli %arg1, %mul3A_39 : i32
    %add3A_41 = arith.addi %mul3A_38, %mul3A_40 : i32
    "tpu.region"() ({
      %run_scoped3A = tpu.sem_alloc : memref<!tpu.dma_semaphore, #tpu.memory_space<semaphore_mem>>
      %dma_start3A_42 = arith.constant 0 : i32
      %dma_start3A_43 = tpu.memref_slice %arg6[%add3A_41, %dma_start3A_42] : memref<20480x128xf32, #tpu.memory_space<hbm>> -> memref<640x128xf32, #tpu.memory_space<hbm>>
      %dma_start3A_44 = arith.constant 0 : i32
      %dma_start3A_45 = tpu.memref_slice %arg11[%mul3A_36, %dma_start3A_44] : memref<10240x128xf32, #tpu.memory_space<vmem_shared>> -> memref<640x128xf32, #tpu.memory_space<vmem_shared>>
      tpu.enqueue_dma source(%dma_start3A_45 : memref<640x128xf32, #tpu.memory_space<vmem_shared>>) target(%dma_start3A_43 : memref<640x128xf32, #tpu.memory_space<hbm>>) target_semaphore(%run_scoped3A : memref<!tpu.dma_semaphore, #tpu.memory_space<semaphore_mem>>)
      %dma_wait3A_46 = arith.constant 0 : i32
      %dma_wait3A_47 = tpu.memref_slice %arg6[%add3A_41, %dma_wait3A_46] : memref<20480x128xf32, #tpu.memory_space<hbm>> -> memref<640x128xf32, #tpu.memory_space<hbm>>
      %dma_wait3A_48 = arith.constant 0 : i32
      %dma_wait3A_49 = tpu.memref_slice %arg11[%mul3A_36, %dma_wait3A_48] : memref<10240x128xf32, #tpu.memory_space<vmem_shared>> -> memref<640x128xf32, #tpu.memory_space<vmem_shared>>
      tpu.wait_dma2 semaphore(%run_scoped3A : memref<!tpu.dma_semaphore, #tpu.memory_space<semaphore_mem>>) src(%dma_wait3A_49 : memref<640x128xf32, #tpu.memory_space<vmem_shared>>) dst(%dma_wait3A_47 : memref<640x128xf32, #tpu.memory_space<hbm>>)
      tpu.yield
    }) : () -> ()
    return
  }
}

module attributes {stable_mosaic.version = 14 : i64} {
  func.func @body(%arg0: memref<10000x128xf32, #tpu.memory_space<vmem>>, %arg1: memref<128x128xf32, #tpu.memory_space<vmem>>, %arg2: memref<1x128xf32, #tpu.memory_space<vmem>>, %arg3: memref<10000x128xf32, #tpu.memory_space<vmem>>) attributes {dimension_semantics = [], scalar_prefetch = 0 : i64, scratch_operands = 0 : i64, tpu.core_type = #tpu.core_type<tc>} {
    %get3A = arith.constant 0 : index
    %get3A_0 = arith.constant 0 : index
    %get3A_1 = vector.load %arg0[%get3A, %get3A_0] : memref<10000x128xf32, #tpu.memory_space<vmem>>, vector<10000x128xf32>
    %get3A_2 = arith.constant 0 : index
    %get3A_3 = arith.constant 0 : index
    %get3A_4 = vector.load %arg1[%get3A_2, %get3A_3] : memref<128x128xf32, #tpu.memory_space<vmem>>, vector<128x128xf32>
    %dot_general3A = arith.constant dense<0.000000e+00> : vector<10000x128xf32>
    %dot_general3A_5 = tpu.matmul %get3A_1, %get3A_4, %dot_general3A {dimension_numbers = #tpu.dot_dimension_numbers<[1], [1], [0], [0], [0, 0, 1, 0], [], []>, transpose_lhs_hint = false} : vector<10000x128xf32>, vector<128x128xf32>, vector<10000x128xf32> -> vector<10000x128xf32>
    %get3A_6 = arith.constant 0 : index
    %get3A_7 = arith.constant 0 : index
    %get3A_8 = vector.load %arg2[%get3A_6, %get3A_7] : memref<1x128xf32, #tpu.memory_space<vmem>>, vector<1x128xf32>
    %add3A = vector.broadcast %get3A_8 : vector<1x128xf32> to vector<10000x128xf32>
    %add3A_9 = arith.addf %dot_general3A_5, %add3A : vector<10000x128xf32>
    %swap3A = arith.constant 0 : index
    %swap3A_10 = arith.constant 0 : index
    %swap3A_11 = vector.load %arg3[%swap3A, %swap3A_10] : memref<10000x128xf32, #tpu.memory_space<vmem>>, vector<10000x128xf32>
    tpu.vector_store %arg3[%swap3A, %swap3A_10], %add3A_9 {strides = array<i32>} : memref<10000x128xf32, #tpu.memory_space<vmem>>, vector<10000x128xf32>,
    return
  }
}

module attributes {stable_mosaic.version = 14 : i64} {
  func.func @body(%arg0: memref<2x10240x128xf32, #tpu.memory_space<vmem>>, %arg1: memref<10000x128xf32, #tpu.memory_space<vmem>>) attributes {dimension_semantics = [], scalar_prefetch = 0 : i64, scratch_operands = 0 : i64, tpu.core_type = #tpu.core_type<tc>} {
    %get3A = arith.constant 0 : index
    %get3A_0 = arith.constant 0 : index
    %get3A_1 = arith.constant 0 : index
    %get3A_2 = vector.load %arg0[%get3A, %get3A_0, %get3A_1] : memref<2x10240x128xf32, #tpu.memory_space<vmem>>, vector<1x10000x128xf32>
    %get3A_3 = vector.shape_cast %get3A_2 : vector<1x10000x128xf32> to vector<10000x128xf32>
    %get3A_4 = arith.constant 1 : index
    %get3A_5 = arith.constant 0 : index
    %get3A_6 = arith.constant 0 : index
    %get3A_7 = vector.load %arg0[%get3A_4, %get3A_5, %get3A_6] : memref<2x10240x128xf32, #tpu.memory_space<vmem>>, vector<1x10000x128xf32>
    %get3A_8 = vector.shape_cast %get3A_7 : vector<1x10000x128xf32> to vector<10000x128xf32>
    %add3A = arith.addf %get3A_3, %get3A_8 : vector<10000x128xf32>
    %neg3A = arith.constant 0.000000e+00 : f32
    %neg3A_9 = vector.broadcast %neg3A : f32 to vector<10000x128xf32>
    %neg3A_10 = arith.subf %neg3A_9, %add3A : vector<10000x128xf32>
    %exp3A = math.exp %neg3A_10 : vector<10000x128xf32>
    %add3A_11 = arith.constant 1.000000e+00 : f32
    %add3A_12 = vector.broadcast %add3A_11 : f32 to vector<10000x128xf32>
    %add3A_13 = arith.addf %add3A_12, %exp3A : vector<10000x128xf32>
    %div3A = arith.constant 1.000000e+00 : f32
    %div3A_14 = vector.broadcast %div3A : f32 to vector<10000x128xf32>
    %div3A_15 = arith.divf %div3A_14, %add3A_13 : vector<10000x128xf32>
    %mul3A = arith.mulf %add3A, %div3A_15 : vector<10000x128xf32>
    %swap3A = arith.constant 0 : index
    %swap3A_16 = arith.constant 0 : index
    %swap3A_17 = vector.load %arg1[%swap3A, %swap3A_16] : memref<10000x128xf32, #tpu.memory_space<vmem>>, vector<10000x128xf32>
    tpu.vector_store %arg1[%swap3A, %swap3A_16], %mul3A {strides = array<i32>} : memref<10000x128xf32, #tpu.memory_space<vmem>>, vector<10000x128xf32>,
    return
  }
}

</mosaic_0001>

<sc_bundles>
// kernel: kernel.5.cloned.1.call-start
scs
__scs_entry_jumppad:
0x0: {  	(pc) =	sbr.rel $0x88, $3  }
0x1: {  	(tag) =	ssettag $0x0;
	lr =	simm.s32 $0x1  }
0x2: {  	[smem:$0x3F9D] =	sst lr;
	_ =	strace $0xD0000000  }
0x3: {  	_ = 	snop  }
0x4: {  	_ = 	snop  }
0x5: {  	_ = 	snop  }
0x6: {  	_ = 	snop  }
0x7: {  	_ = 	snop  }
__scs_overlays_trampoline_lowered:
0x8: {  	[smem:$0x3FAC] =	sst s0  }
0x9: {  	[smem:$0x3FAD] =	sst s1  }
0xa: {  	[smem:$0x3FAE] =	sst s2  }
0xb: {  	[smem:$0x3FAF] =	sst s3  }
0xc: {  	[smem:$0x3FB0] =	sst s4  }
0xd: {  	[smem:$0x3FB1] =	sst s5  }
0xe: {  	[smem:$0x3FB2] =	sst s6  }
0xf: {  	[smem:$0x3FB3] =	sst s7  }
0x10: {  	[smem:$0x3FB4] =	sst s8  }
0x11: {  	[smem:$0x3FB5] =	sst s9;
	s0 =	simm.s32 @!p0 $0x0  }
0x12: {  	s1 =	sld [smem:$0x3F9B];
	s0 =	simm.s32 @p0 $0x1  }
0x13: {  	[smem:$0x3FB6] =	sst s0;
	s0 =	simm.s32 @!p1 $0x0  }
0x14: {  	s2 =	sld [smem:$0x3F9A];
	s0 =	simm.s32 @p1 $0x1  }
0x15: {  	[smem:$0x3FB7] =	sst s0;
	s0 =	simm.s32 @!p2 $0x0  }
0x16: {  	s3 =	sld [smem:$0x3FDB];
	s0 =	simm.s32 @p2 $0x1  }
0x17: {  	s4 =	simm.s32 $0x1BF5;
	[smem:$0x3FB9] =	sst s0  }
0x18: {  	s0 =	sld [smem:$0x3F9C];
	_ =	swait.ge [sflag:s4], $0x0  }
0x19: {  	s7 =	sld [smem:$0x3F9D]  }
0x1a: {  	s8 =	sadd.s32 $0xFFFFE003, lr  }
0x1b: {  	s9 =	sadd.s32 $0xFFFFFEF7, lr;
	s5 =	simm.s32 $0xFFFFFFFF;
	p2 =	slt.u32 s8, $0xFFFFF086  }
0x1c: {  	p1 =	slt.u32 s9, $0xF7A;
	s5 =	simm.s32 @!p2 $0x0  }
0x1d: {  	s5 =	simm.s32 @p1 $0x1;
	p0 =	seq.s32 s7, s2  }
0x1e: {  	s7 =	smul.u32 @!p0 $0xF7A, s2;
	p2 =	seq.s32 @!p0 s5, $0x0  }
0x1f: {  	s9 =	smul.u32 $0xF7A, s1;
	s8 =	simm.s32 @!p0 $0x1BF5;
	p2 =	por !p2, p0  }
0x20: {  	[sflag:s8] =	ssyncset.s32 @!p0 $0xFFFFF086;
	s6 =	sadd.s32 @!p0 s3, s7;
	s7 =	simm.s32 @!p0 $0x108  }
0x21: {  	s3 =	sadd.s32 s3, s9;
	s6 =	sadd.s32 @!p0 $0x88, s6;
	s7 =	simm.s32 @p2 $0x1082  }
0x22: {  	[simem:s7], [sflag:s8] =	dma.local @!p0 [hbm:s6], $0xF7A  }
0x23: {  	s9 =	sor.u32 $0xD0000000, s2;
	s6 =	simm.s32 $0x108;
	_ =	swait.ge @!p0 [sflag:s8], $0x0  }
0x24: {  	s3 =	sadd.s32 $0x88, s3;
	s6 =	simm.s32 @!p1 $0x1082;
	[sflag:s4] =	ssyncset.s32 $0xFFFFF086  }
0x25: {  	[simem:s6], [sflag:s4] =	dma.local [hbm:s3], $0xF7A  }
0x26: {  	[smem:$0x3F9D] =	sst s1;
	(tag) =	ssettag s2;
	_ =	strace s9  }
0x27: {  	s1 =	sld [smem:$0x3FAD]  }
0x28: {  	s2 =	sld [smem:$0x3FAE]  }
0x29: {  	s4 =	sld [smem:$0x3FB0]  }
0x2a: {  	p0 =	seq.s32 s5, $0x0;
	s5 =	sld [smem:$0x3FB1]  }
0x2b: {  	s6 =	sld [smem:$0x3FB2]  }
0x2c: {  	s7 =	sld [smem:$0x3FB3]  }
0x2d: {  	s3 =	simm.s32 $0x108;
	s8 =	sld [smem:$0x3FB4]  }
0x2e: {  	s3 =	simm.s32 @!p0 $0x1082;
	s9 =	sld [smem:$0x3FB5]  }
0x2f: {  	lr =	sadd.s32 s0, s3;
	s0 =	sld [smem:$0x3FAC]  }
0x30: {  	s3 =	sld [smem:$0x3FAF]  }
0x31: {  	[smem:$0x3FB8] =	sst s10  }
0x32: {  	s10 =	sld [smem:$0x3FB6];
	_ =	sdelay $0x3  }
0x33: {  	p0 =	seq.s32 s10, $0x1;
	s10 =	sld [smem:$0x3FB8];
	_ =	sdelay $0x3  }
0x34: {  	[smem:$0x3FB8] =	sst s10  }
0x35: {  	s10 =	sld [smem:$0x3FB7];
	_ =	sdelay $0x3  }
0x36: {  	p1 =	seq.s32 s10, $0x1;
	s10 =	sld [smem:$0x3FB8];
	_ =	sdelay $0x3  }
0x37: {  	[smem:$0x3FB8] =	sst s10  }
0x38: {  	s10 =	sld [smem:$0x3FB9]  }
0x39: {  	_ = 	snop;
	(pc) =	sbr.ind lr, $3  }
0x3a: {  	_ = 	snop  }
0x3b: {  	_ = 	snop  }
0x3c: {  	p2 =	seq.s32 s10, $0x1;
	s10 =	sld [smem:$0x3FB8]  }
0x3d: {  	_ =	shalt  }
0x3e: {  	_ =	shalt  }
0x3f: {  	_ =	shalt  }
0x40: {  	_ =	shalt  }
0x41: {  	_ =	shalt  }
0x42: {  	_ =	shalt  }
0x43: {  	_ =	shalt  }
0x44: {  	_ =	shalt  }
0x45: {  	_ =	shalt  }
0x46: {  	_ =	shalt  }
0x47: {  	_ =	shalt  }
0x48: {  	_ =	shalt  }
0x49: {  	_ =	shalt  }
0x4a: {  	_ =	shalt  }
0x4b: {  	_ =	shalt  }
0x4c: {  	_ =	shalt  }
0x4d: {  	_ =	shalt  }
0x4e: {  	_ =	shalt  }
0x4f: {  	_ =	shalt  }
0x50: {  	_ =	shalt  }
0x51: {  	_ =	shalt  }
0x52: {  	_ =	shalt  }
0x53: {  	_ =	shalt  }
0x54: {  	_ =	shalt  }
0x55: {  	_ =	shalt  }
0x56: {  	_ =	shalt  }
0x57: {  	_ =	shalt  }
0x58: {  	_ =	shalt  }
0x59: {  	_ =	shalt  }
0x5a: {  	_ =	shalt  }
0x5b: {  	_ =	shalt  }
0x5c: {  	_ =	shalt  }
0x5d: {  	_ =	shalt  }
0x5e: {  	_ =	shalt  }
0x5f: {  	_ =	shalt  }
0x60: {  	_ =	shalt  }
0x61: {  	_ =	shalt  }
0x62: {  	_ =	shalt  }
0x63: {  	_ =	shalt  }
0x64: {  	_ =	shalt  }
0x65: {  	_ =	shalt  }
0x66: {  	_ =	shalt  }
0x67: {  	_ =	shalt  }
0x68: {  	_ =	shalt  }
0x69: {  	_ =	shalt  }
0x6a: {  	_ =	shalt  }
0x6b: {  	_ =	shalt  }
0x6c: {  	_ =	shalt  }
0x6d: {  	_ =	shalt  }
0x6e: {  	_ =	shalt  }
0x6f: {  	_ =	shalt  }
0x70: {  	_ =	shalt  }
0x71: {  	_ =	shalt  }
0x72: {  	_ =	shalt  }
0x73: {  	_ =	shalt  }
0x74: {  	_ =	shalt  }
0x75: {  	_ =	shalt  }
0x76: {  	_ =	shalt  }
0x77: {  	_ =	shalt  }
0x78: {  	_ =	shalt  }
0x79: {  	_ =	shalt  }
0x7a: {  	_ =	shalt  }
0x7b: {  	_ =	shalt  }
0x7c: {  	_ =	shalt  }
0x7d: {  	_ =	shalt  }
0x7e: {  	_ =	shalt  }
0x7f: {  	_ =	shalt  }
0x80: {  	_ =	shalt  }
0x81: {  	_ =	shalt  }
0x82: {  	_ =	shalt  }
0x83: {  	_ =	shalt  }
0x84: {  	_ =	shalt  }
0x85: {  	_ =	shalt  }
0x86: {  	_ =	shalt  }
0x87: {  	_ =	shalt  }
.Lfunc_end0:
.L_simem_size_0:
called_computation_lowered:
.L_overlay_start_0:
0x88: {  	s2 =	sld [smem:$0x3FD9]  }
0x89: {  	s3 =	sld [smem:$0x3FFE];
	_ =	sdelay $0x1  }
0x8a: {  	s1 =	srdreg.scid  }
0x8b: {  	s0 =	sand.u32 $0x1, s1  }
0x8c: {  	s17 =	sshll.u32 s0, $0xA;
	s2 =	sadd.s32 s3, s2  }
0x8d: {  	s2 =	sadd.s32 s2, s17  }
0x8e: {  	[smem:$0x3FC4] =	sst s2  }
0x8f: {  	_ = 	snop  }
0x90: {  	s2 =	sld [smem:$0x3FC8]  }
0x91: {  	s18 =	sld [smem:$0x3FD0];
	(tm) =	ssettm $0x1  }
0x92: {  	s4 =	sld [smem:$0x3FFB];
	_ =	sdelay $0x3  }
0x93: {  	_ =	strace s4  }
0x94: {  	s4 =	sld [smem:$0x3FFC];
	_ =	sdelay $0x3  }
0x95: {  	_ =	strace s4  }
0x96: {  	s4 =	sld [smem:$0x3FFD];
	_ =	sdelay $0x3  }
0x97: {  	_ =	strace s4  }
0x98: {  	_ =	strace $0x8FFFFFFF  }
0x99: {  	s19 =	sld [smem:$0x3FDB];
	_ =	sdelay $0x1  }
0x9a: {  	s5 =	simm.s32 $_scs_section_size  }
0x9b: {  	s6 =	simm.s32 $_size__tile_overlayer_lowered;
	s7 =	simm.s32 $_tile_overlayer_lowered  }
0x9c: {  	s22 =	simm.s32 $0x1BFF;
	s21 =	sshll.u32 s7, $0x1;
	s4 =	sadd.s32 s5, s19  }
0x9d: {  	s8 =	simm.s32 $0x0;
	s20 =	sshll.u32 s6, $0x1;
	s6 =	sadd.s32 s21, s4  }
0x9e: {  	[timem:s8], [sflag:s22] =	dma.local [hbm:s6], s20  }
0x9f: {  	_ =	swait.ge [sflag:s22], s20  }
0xa0: {  	s5 =	ssub.s32 $0x0, s20;
	[sflag:s22] =	ssyncset.done $0x0  }
0xa1: {  	[sflag:s22] =	ssyncadd.s32 s5;
	_ =	sdelay $0x1  }
0xa2: {  	s23 =	simm.s32 $0x1B8B  }
0xa3: {  	_ =	swait.ge [sflag:s23], $0x1  }
0xa4: {  	[sflag:s23] =	ssyncset.done $0x0  }
0xa5: {  	s25 =	simm.s32 $0x1B8E;
	s24 =	sld [smem:$0x3FFE];
	[sflag:s23] =	ssyncadd.s32 $0xFFFFFFFF  }
0xa6: {  	s26 =	simm.s32 $execute0_lowered;
	[smem:$0x3FD2] =	sst s25  }
0xa7: {  	s6 =	sshll.u32 s26, $0x1;
	_ =	strace $0x80000046;
	[dreg:$0x1] =	wrdreg $0xFFFFFFFF  }
0xa8: {  	s28 =	simm.s32 $_size_execute0_lowered;
	s4 =	sadd.s32 s4, s6;
	[dreg:$0x0] =	wrdreg $0x0  }
0xa9: {  	s6 =	sshll.u32 s28, $0x1;
	[dreg:$0x2] =	wrdreg s4  }
0xaa: {  	[dreg:$0x3] =	wrdreg s6  }
0xab: {  	[dreg:$0x4] =	wrdreg $0xC0  }
0xac: {  	_ =	task [dreg:s8], $0x5FFFF  }
0xad: {  	[dreg:$0x1] =	wrdreg $0xFFFFFFFF  }
0xae: {  	[dreg:$0x0] =	wrdreg $0x60  }
0xaf: {  	[dreg:$0x2] =	wrdreg s18  }
0xb0: {  	[dreg:$0x3] =	wrdreg s2  }
0xb1: {  	[dreg:$0x4] =	wrdreg s24  }
0xb2: {  	[dreg:$0x5] =	wrdreg $0xA8000  }
0xb3: {  	[dreg:$0x6] =	wrdreg $0x9  }
0xb4: {  	_ =	task.clear_ibuf [dreg:s8], $0x7FFFF;
	_ =	strace $0x90000046  }
0xb5: {  	s29 =	simm.s32 $0x9;
	_ =	strace $0x80000048  }
0xb6: {  	_ =	swait.ge [sflag:s29], $0x1  }
0xb7: {  	[sflag:s29] =	ssyncadd.s32 $0xFFFFFFFF  }
0xb8: {  	_ =	strace $0x90000048  }
0xb9: {  	_ =	sfence  }
0xba: {  	s30 =	sld [smem:$0x0];
	_ =	sdelay $0x2  }
0xbb: {  	s31 =	sshll.u32 s1, $0xD;
	s1 =	sshrl.u32 s1, $0x2  }
0xbc: {  	s3 =	sand.u32 $0x4000, s31;
	s1 =	sadd.s32 s1, s30  }
0xbd: {  	s0 =	sor.u32 s3, s0;
	s1 =	sshll.u32 s1, $0x11  }
0xbe: {  	s0 =	sor.u32 s1, s0  }
0xbf: {  	s0 =	sadd.s32 $0x8F2B, s0  }
0xc0: {  	[sflag:s0] =	ssyncadd.remote.s32 $0x1  }
0xc1: {  	_ =	sfence.sel $0xFFFF  }
0xc2: {  	[dreg:$0x0] =	wrdreg $0xFFFFFFFF;
	(pc) =	sbr.abs _section_cstart, $3  }
0xc3: {  	[dreg:$0x1] =	wrdreg $0xFFFFFFFF  }
0xc4: {  	_ =	task.clear_ibuf [dreg:s8], $0x2FFFF;
	_ =	strace $0x9FFFFFFF  }
0xc5: {  	(tm) =	ssettm $0x7FFFFFFF  }
tec
execute0_lowered:
.L_overlay_start_1:
0x0: {  	(tag) =	ssettag $0x1  }
0x1: {  	s1 =	rddreg [dreg:$0x0]  }
0x2: {  	s0 =	rddreg [dreg:$0x1]  }
0x3: {  	s2 =	rddreg [dreg:$0x2]  }
0x4: {  	s3 =	rddreg [dreg:$0x3]  }
0x5: {  	s4 =	srdreg.scid;
	s9 =	stileid.u32;
	s6 =	simm.s32 $0x0  }
0x6: {  	s28 =	simm.s32 $0x2;
	s12 =	simm.s32 $0x2380;
	s29 =	simm.s32 $0x1180  }
0x7: {  	s30 =	simm.s32 $0x2500;
	s31 =	simm.s32 $0x1200;
	s11 =	simm.s32 $0x2780  }
0x8: {  	s4 =	sand.u32 $0x1, s4;
	s5 =	smul.u32 $0x2800, s9;
	[smem:$0x7FF] =	sst s6  }
0x9: {  	s7 =	sadd.s32 $0xE00, s2;
	s14 =	sadd.s32 $0x1600, s2;
	s16 =	sshll.u32 s9, $0x1  }
0xa: {  	s17 =	smul.u32 $0x50000, s9;
	_ =	strace $0x80000047;
	[dreg:$0x5] =	wrdreg s7  }
0xb: {  	s10 =	sshll.u32 s9, $0x6;
	s22 =	sadd.s32 $0x13600, s0;
	[dreg:$0x6] =	wrdreg s14  }
0xc: {  	s23 =	sadd.s32 $0x13610, s0;
	s24 =	sadd.s32 $0xE10, s2;
	[dreg:$0x7] =	wrdreg s10  }
0xd: {  	s13 =	smul.u32 $0x28000, s4;
	s15 =	ssub.s32 $0x2, s4;
	[dreg:$0xb] =	wrdreg s22  }
0xe: {  	s4 =	sor.u32 s4, s16;
	s10 =	sor.u32 $0x1C03, s10;
	[dreg:$0xc] =	wrdreg s23  }
0xf: {  	[dreg:$0xd] =	wrdreg s24;
	s23 =	simm.s32 $0x1;
	s24 =	simm.s32 $0x1100  }
0x10: {  	s8 =	sshrl.u32 s15, $0x1;
	s18 =	smul.u32 $0xA00, s4;
	s7 =	sshrl.u32 s17, $0x2  }
0x11: {  	s19 =	smul.u32 $0x5000, s4;
	[dreg:$0x8] =	wrdreg s10;
	p0 =	seq.s32 s4, $0x1F  }
0x12: {  	s4 =	simm.s32 $0x2600;
	s10 =	simm.s32 $0x2700;
	s5 =	sadd.s32 s5, s13  }
0x13: {  	s6 =	ssub.s32 s15, s8;
	s7 =	sadd.s32 s7, s3;
	s13 =	simm.s32 $0x1080  }
0x14: {  	s5 =	sadd.s32 s5, s2;
	s8 =	sadd.s32 s0, s18;
	s21 =	sshrl.u32 s19, $0x3  }
0x15: {  	s26 =	smax.u32 s6, $0x1;
	s16 =	sshrl.u32 s7, $0x3;
	s19 =	simm.s32 $0x80  }
0x16: {  	s18 =	simm.s32 $0x2400;
	s6 =	simm.s32 $0x2680;
	[dreg:$0x9] =	wrdreg s8  }
0x17: {  	s20 =	sadd.s32 $0x10, s8;
	s0 =	sadd.s32 s0, s21;
	[dreg:$0xf] =	wrdreg s26  }
0x18: {  	s25 =	sadd.s32 $0x3E00, s5;
	s21 =	simm.s32 $0x6800;
	[dreg:$0x10] =	wrdreg s16  }
0x19: {  	s26 =	simm.s32 $0x2480;
	s5 =	simm.s32 $0x1300;
	s8 =	simm.s32 $0x1380  }
0x1a: {  	[dreg:$0xa] =	wrdreg s20;
	s14 =	sadd.s32 $0x500, s0;
	s15 =	sadd.s32 $0x510, s0  }
0x1b: {  	s0 =	sadd.s32 $0x1100, s2;
	s2 =	sadd.s32 $0x1110, s2;
	[dreg:$0xe] =	wrdreg s25  }
0x1c: {  	s20 =	simm.s32 $0x2800;
	s25 =	simm.s32 $0x4;
	s14 =	smov.u32 @p0 s0  }
0x1d: {  	s15 =	smov.u32 @p0 s2;
	s0 =	simm.s32 $0x0;
	s2 =	simm.s32 $0x1280  }
.LBB2_1:
0x1e: {  	[dreg:$0x11] =	wrdreg s0  }
0x1f: {  	s7 =	rddreg [dreg:$0x6]  }
0x20: {  	s9 =	rddreg [dreg:$0x8];
	s17 =	simm.s32 @p0 $0x0  }
0x21: {  	[spmem:s16], [sflag:s9] =	dma.local [hbm:s7], $0x2800  }
0x22: {  	s7 =	simm.s32 @p0 $0x80;
	s16 =	simm.s32 @p0 $0x100;
	s9 =	rddreg [dreg:$0xb]  }
0x23: {  	[tilespmem:s17], [sflag:$0x4] =	stream.strided.gather @p0 [hbm4b:s9+s7], $0x800, s16, s7, $0x38;
	[tilespmem:$0x1E800] =	vst v63  }
0x24: {  	s17 =	simm.s32 @p0 $0x4  }
0x25: {  	_ =	swait.ge @p0 [sflag:s17], $0x800  }
0x26: {  	[sflag:s17] =	ssyncset.done @p0 $0x0  }
0x27: {  	s9 =	simm.s32 @p0 $0x1400;
	s22 =	rddreg [dreg:$0xc];
	[sflag:s17] =	ssyncadd.s32 @p0 $0xFFFFF800  }
0x28: {  	[tilespmem:s9], [sflag:$0x4] =	stream.strided.gather @p0 [hbm4b:s22+s7], $0x800, s16, s7, $0x38;
	[tilespmem:$0x1E800] =	vst v63  }
0x29: {  	_ =	swait.ge @p0 [sflag:s17], $0x800  }
0x2a: {  	[sflag:s17] =	ssyncset.done @p0 $0x0  }
0x2b: {  	s9 =	simm.s32 @p0 $0x800;
	s22 =	rddreg [dreg:$0x5];
	[sflag:s17] =	ssyncadd.s32 @p0 $0xFFFFF800  }
0x2c: {  	[tilespmem:s9], [sflag:$0x4] =	stream.strided.gather @p0 [hbm4b:s22+s7], $0xC00, s16, s7, $0x38;
	[tilespmem:$0x1E800] =	vst v63  }
0x2d: {  	_ =	swait.ge @p0 [sflag:s17], $0xC00  }
0x2e: {  	[sflag:s17] =	ssyncset.done @p0 $0x0  }
0x2f: {  	s9 =	simm.s32 @p0 $0x1C00;
	s22 =	rddreg [dreg:$0xd];
	[sflag:s17] =	ssyncadd.s32 @p0 $0xFFFFF400  }
0x30: {  	[tilespmem:s9], [sflag:$0x4] =	stream.strided.gather @p0 [hbm4b:s22+s7], $0xC00, s16, s7, $0x38;
	[tilespmem:$0x1E800] =	vst v63  }
0x31: {  	_ =	swait.ge @p0 [sflag:s17], $0xC00  }
0x32: {  	s7 =	simm.s32 @!p0 $0x80;
	s9 =	simm.s32 @!p0 $0x100;
	[sflag:s17] =	ssyncset.done @p0 $0x0  }
0x33: {  	s16 =	simm.s32 @!p0 $0x0;
	[sflag:s17] =	ssyncadd.s32 @p0 $0xFFFFF400;
	s17 =	rddreg [dreg:$0x9]  }
0x34: {  	[tilespmem:s16], [sflag:$0x4] =	stream.strided.gather @!p0 [hbm4b:s17+s7], $0x1400, s9, s7, $0x38;
	[tilespmem:$0x1E800] =	vst v63  }
0x35: {  	s16 =	simm.s32 @!p0 $0x4  }
0x36: {  	_ =	swait.ge @!p0 [sflag:s16], $0x1400  }
0x37: {  	[sflag:s16] =	ssyncset.done @!p0 $0x0  }
0x38: {  	s17 =	simm.s32 @!p0 $0x1400;
	s22 =	rddreg [dreg:$0xa];
	[sflag:s16] =	ssyncadd.s32 @!p0 $0xFFFFEC00  }
0x39: {  	[tilespmem:s17], [sflag:$0x4] =	stream.strided.gather @!p0 [hbm4b:s22+s7], $0x1400, s9, s7, $0x38;
	[tilespmem:$0x1E800] =	vst v63  }
0x3a: {  	_ =	swait.ge @!p0 [sflag:s16], $0x1400  }
0x3b: {  	[sflag:s16] =	ssyncset.done @!p0 $0x0  }
0x3c: {  	s17 =	simm.s32 $0x0;
	[sflag:s16] =	ssyncadd.s32 @!p0 $0xFFFFEC00  }
0x3d: {  	[tilespmem:s20], [sflag:$0x1] =	stream.indirect.gather [hbm4b:s1+s19], $0x80, s17, s19, $0xb8;
	[tilespmem:$0x1E800] =	vst v63  }
0x3e: {  	s22 =	simm.s32 $0x3  }
0x3f: {  	[tilespmem:s21], [sflag:$0x2] =	stream.indirect.gather [hbm4b:s1+s19], $0x80, s19, s19, $0xb8;
	[tilespmem:$0x1E800] =	vst v63  }
0x40: {  	_ =	swait.ge [sflag:s22], $0x2800  }
0x41: {  	[sflag:s22] =	ssyncset.done $0x0  }
0x42: {  	p1 =	por $0x1, $0x1;
	[sflag:s22] =	ssyncadd.s32 $0xFFFFD800  }
0x43: {  	p2 =	por $0x0, $0x0;
	s0 =	simm.s32 $0x2580;
	[bflag:$0x0] =	sbarrier.arrive $0xFFFF  }
.LBB2_2:
0x44: {  	s7 =	simm.s32 @p2 $0x80  }
0x45: {  	s9 =	simm.s32 @p2 $0x100;
	s16 =	simm.s32 @p2 $0x0;
	s17 =	simm.s32 @p2 $0x4  }
0x46: {  	[tilespmem:s16], [sflag:$0x4] =	stream.strided.gather @p2 [hbm4b:s14+s7], $0x1400, s9, s7, $0x38;
	[tilespmem:$0x1E800] =	vst v63  }
0x47: {  	_ =	swait.ge @p2 [sflag:s17], $0x1400  }
0x48: {  	[sflag:s17] =	ssyncset.done @p2 $0x0  }
0x49: {  	s22 =	simm.s32 @p2 $0x1400;
	[sflag:s17] =	ssyncadd.s32 @p2 $0xFFFFEC00  }
0x4a: {  	[tilespmem:s22], [sflag:$0x4] =	stream.strided.gather @p2 [hbm4b:s15+s7], $0x1400, s9, s7, $0x38;
	[tilespmem:$0x1E800] =	vst v63  }
0x4b: {  	_ =	swait.ge @p2 [sflag:s17], $0x1400  }
0x4c: {  	[sflag:s17] =	ssyncset.done @p2 $0x0  }
0x4d: {  	s9 =	simm.s32 @p2 $0x2800;
	[sflag:s17] =	ssyncadd.s32 @p2 $0xFFFFEC00  }
0x4e: {  	[tilespmem:s9], [sflag:$0x1] =	stream.indirect.gather @p2 [hbm4b:s1+s7], $0x80, s16, s7, $0xb8;
	[tilespmem:$0x1E800] =	vst v63  }
0x4f: {  	s9 =	simm.s32 @p2 $0x6800  }
0x50: {  	[tilespmem:s9], [sflag:$0x2] =	stream.indirect.gather @p2 [hbm4b:s1+s7], $0x80, s7, s7, $0xb8;
	[tilespmem:$0x1E800] =	vst v63  }
0x51: {  	_ =	swait.ge [sflag:s23], $0x4000  }
0x52: {  	[sflag:s23] =	ssyncset.done $0x0  }
0x53: {  	s17 =	simm.s32 $0x1400;
	[sflag:s23] =	ssyncadd.s32 $0xFFFFC000  }
0x54: {  	[spmem:s3] =	stream.indirect.scatter.add.f32 [tilespmem:s20], [sflag:$0x4], $0x80, s17, s19, $0xb8;
	[tilespmem:$0x1E800] =	vst v63  }
0x55: {  	_ =	swait.ge [sflag:s25], $0x4000  }
0x56: {  	[sflag:s25] =	ssyncset.done $0x0  }
0x57: {  	s22 =	simm.s32 $0x100;
	[sflag:s25] =	ssyncadd.s32 $0xFFFFC000  }
0x58: {  	[tilespmem:s20], [sflag:$0x1] =	stream.indirect.gather [hbm4b:s1+s19], $0x80, s22, s19, $0xb8;
	[tilespmem:$0x1E800] =	vst v63  }
0x59: {  	_ =	swait.ge [sflag:s28], $0x4000  }
0x5a: {  	[sflag:s28] =	ssyncset.done $0x0  }
0x5b: {  	s9 =	simm.s32 $0x1480;
	[sflag:s28] =	ssyncadd.s32 $0xFFFFC000  }
0x5c: {  	[spmem:s3] =	stream.indirect.scatter.add.f32 [tilespmem:s21], [sflag:$0x4], $0x80, s9, s19, $0xb8;
	[tilespmem:$0x1E800] =	vst v63  }
0x5d: {  	_ =	swait.ge [sflag:s25], $0x4000  }
0x5e: {  	[sflag:s25] =	ssyncset.done $0x0  }
0x5f: {  	s16 =	simm.s32 $0x180;
	[sflag:s25] =	ssyncadd.s32 $0xFFFFC000  }
0x60: {  	[tilespmem:s21], [sflag:$0x2] =	stream.indirect.gather [hbm4b:s1+s19], $0x80, s16, s19, $0xb8;
	[tilespmem:$0x1E800] =	vst v63  }
0x61: {  	_ =	swait.ge [sflag:s23], $0x4000  }
0x62: {  	[sflag:s23] =	ssyncset.done $0x0  }
0x63: {  	s17 =	simm.s32 $0x1500;
	[sflag:s23] =	ssyncadd.s32 $0xFFFFC000  }
0x64: {  	[spmem:s3] =	stream.indirect.scatter.add.f32 [tilespmem:s20], [sflag:$0x4], $0x80, s17, s19, $0xb8;
	[tilespmem:$0x1E800] =	vst v63  }
0x65: {  	_ =	swait.ge [sflag:s25], $0x4000  }
0x66: {  	[sflag:s25] =	ssyncset.done $0x0  }
0x67: {  	s22 =	simm.s32 $0x200;
	[sflag:s25] =	ssyncadd.s32 $0xFFFFC000  }
0x68: {  	[tilespmem:s20], [sflag:$0x1] =	stream.indirect.gather [hbm4b:s1+s19], $0x80, s22, s19, $0xb8;
	[tilespmem:$0x1E800] =	vst v63  }
0x69: {  	_ =	swait.ge [sflag:s28], $0x4000  }
0x6a: {  	[sflag:s28] =	ssyncset.done $0x0  }
0x6b: {  	s9 =	simm.s32 $0x1580;
	[sflag:s28] =	ssyncadd.s32 $0xFFFFC000  }
0x6c: {  	[spmem:s3] =	stream.indirect.scatter.add.f32 [tilespmem:s21], [sflag:$0x4], $0x80, s9, s19, $0xb8;
	[tilespmem:$0x1E800] =	vst v63  }
0x6d: {  	_ =	swait.ge [sflag:s25], $0x4000  }
0x6e: {  	[sflag:s25] =	ssyncset.done $0x0  }
0x6f: {  	s16 =	simm.s32 $0x280;
	[sflag:s25] =	ssyncadd.s32 $0xFFFFC000  }
0x70: {  	[tilespmem:s21], [sflag:$0x2] =	stream.indirect.gather [hbm4b:s1+s19], $0x80, s16, s19, $0xb8;
	[tilespmem:$0x1E800] =	vst v63  }
0x71: {  	_ =	swait.ge [sflag:s23], $0x4000  }
0x72: {  	[sflag:s23] =	ssyncset.done $0x0  }
0x73: {  	s17 =	simm.s32 $0x1600;
	[sflag:s23] =	ssyncadd.s32 $0xFFFFC000  }
0x74: {  	[spmem:s3] =	stream.indirect.scatter.add.f32 [tilespmem:s20], [sflag:$0x4], $0x80, s17, s19, $0xb8;
	[tilespmem:$0x1E800] =	vst v63  }
0x75: {  	_ =	swait.ge [sflag:s25], $0x4000  }
0x76: {  	[sflag:s25] =	ssyncset.done $0x0  }
0x77: {  	s22 =	simm.s32 $0x300;
	[sflag:s25] =	ssyncadd.s32 $0xFFFFC000  }
0x78: {  	[tilespmem:s20], [sflag:$0x1] =	stream.indirect.gather [hbm4b:s1+s19], $0x80, s22, s19, $0xb8;
	[tilespmem:$0x1E800] =	vst v63  }
0x79: {  	_ =	swait.ge [sflag:s28], $0x4000  }
0x7a: {  	[sflag:s28] =	ssyncset.done $0x0  }
0x7b: {  	s9 =	simm.s32 $0x1680;
	[sflag:s28] =	ssyncadd.s32 $0xFFFFC000  }
0x7c: {  	[spmem:s3] =	stream.indirect.scatter.add.f32 [tilespmem:s21], [sflag:$0x4], $0x80, s9, s19, $0xb8;
	[tilespmem:$0x1E800] =	vst v63  }
0x7d: {  	_ =	swait.ge [sflag:s25], $0x4000  }
0x7e: {  	[sflag:s25] =	ssyncset.done $0x0  }
0x7f: {  	s16 =	simm.s32 $0x380;
	[sflag:s25] =	ssyncadd.s32 $0xFFFFC000  }
0x80: {  	[tilespmem:s21], [sflag:$0x2] =	stream.indirect.gather [hbm4b:s1+s19], $0x80, s16, s19, $0xb8;
	[tilespmem:$0x1E800] =	vst v63  }
0x81: {  	_ =	swait.ge [sflag:s23], $0x4000  }
0x82: {  	[sflag:s23] =	ssyncset.done $0x0  }
0x83: {  	s17 =	simm.s32 $0x1700;
	[sflag:s23] =	ssyncadd.s32 $0xFFFFC000  }
0x84: {  	[spmem:s3] =	stream.indirect.scatter.add.f32 [tilespmem:s20], [sflag:$0x4], $0x80, s17, s19, $0xb8;
	[tilespmem:$0x1E800] =	vst v63  }
0x85: {  	_ =	swait.ge [sflag:s25], $0x4000  }
0x86: {  	[sflag:s25] =	ssyncset.done $0x0  }
0x87: {  	s22 =	simm.s32 $0x400;
	[sflag:s25] =	ssyncadd.s32 $0xFFFFC000  }
0x88: {  	[tilespmem:s20], [sflag:$0x1] =	stream.indirect.gather [hbm4b:s1+s19], $0x80, s22, s19, $0xb8;
	[tilespmem:$0x1E800] =	vst v63  }
0x89: {  	_ =	swait.ge [sflag:s28], $0x4000  }
0x8a: {  	[sflag:s28] =	ssyncset.done $0x0  }
0x8b: {  	s9 =	simm.s32 $0x1780;
	[sflag:s28] =	ssyncadd.s32 $0xFFFFC000  }
0x8c: {  	[spmem:s3] =	stream.indirect.scatter.add.f32 [tilespmem:s21], [sflag:$0x4], $0x80, s9, s19, $0xb8;
	[tilespmem:$0x1E800] =	vst v63  }
0x8d: {  	_ =	swait.ge [sflag:s25], $0x4000  }
0x8e: {  	[sflag:s25] =	ssyncset.done $0x0  }
0x8f: {  	s16 =	simm.s32 $0x480;
	[sflag:s25] =	ssyncadd.s32 $0xFFFFC000  }
0x90: {  	[tilespmem:s21], [sflag:$0x2] =	stream.indirect.gather [hbm4b:s1+s19], $0x80, s16, s19, $0xb8;
	[tilespmem:$0x1E800] =	vst v63  }
0x91: {  	_ =	swait.ge [sflag:s23], $0x4000  }
0x92: {  	[sflag:s23] =	ssyncset.done $0x0  }
0x93: {  	s17 =	simm.s32 $0x1800;
	[sflag:s23] =	ssyncadd.s32 $0xFFFFC000  }
0x94: {  	[spmem:s3] =	stream.indirect.scatter.add.f32 [tilespmem:s20], [sflag:$0x4], $0x80, s17, s19, $0xb8;
	[tilespmem:$0x1E800] =	vst v63  }
0x95: {  	_ =	swait.ge [sflag:s25], $0x4000  }
0x96: {  	[sflag:s25] =	ssyncset.done $0x0  }
0x97: {  	s22 =	simm.s32 $0x500;
	[sflag:s25] =	ssyncadd.s32 $0xFFFFC000  }
0x98: {  	[tilespmem:s20], [sflag:$0x1] =	stream.indirect.gather [hbm4b:s1+s19], $0x80, s22, s19, $0xb8;
	[tilespmem:$0x1E800] =	vst v63  }
0x99: {  	_ =	swait.ge [sflag:s28], $0x4000  }
0x9a: {  	[sflag:s28] =	ssyncset.done $0x0  }
0x9b: {  	s9 =	simm.s32 $0x1880;
	[sflag:s28] =	ssyncadd.s32 $0xFFFFC000  }
0x9c: {  	[spmem:s3] =	stream.indirect.scatter.add.f32 [tilespmem:s21], [sflag:$0x4], $0x80, s9, s19, $0xb8;
	[tilespmem:$0x1E800] =	vst v63  }
0x9d: {  	_ =	swait.ge [sflag:s25], $0x4000  }
0x9e: {  	[sflag:s25] =	ssyncset.done $0x0  }
0x9f: {  	s16 =	simm.s32 $0x580;
	[sflag:s25] =	ssyncadd.s32 $0xFFFFC000  }
0xa0: {  	[tilespmem:s21], [sflag:$0x2] =	stream.indirect.gather [hbm4b:s1+s19], $0x80, s16, s19, $0xb8;
	[tilespmem:$0x1E800] =	vst v63  }
0xa1: {  	_ =	swait.ge [sflag:s23], $0x4000  }
0xa2: {  	[sflag:s23] =	ssyncset.done $0x0  }
0xa3: {  	s17 =	simm.s32 $0x1900;
	[sflag:s23] =	ssyncadd.s32 $0xFFFFC000  }
0xa4: {  	[spmem:s3] =	stream.indirect.scatter.add.f32 [tilespmem:s20], [sflag:$0x4], $0x80, s17, s19, $0xb8;
	[tilespmem:$0x1E800] =	vst v63  }
0xa5: {  	_ =	swait.ge [sflag:s25], $0x4000  }
0xa6: {  	[sflag:s25] =	ssyncset.done $0x0  }
0xa7: {  	s22 =	simm.s32 $0x600;
	[sflag:s25] =	ssyncadd.s32 $0xFFFFC000  }
0xa8: {  	[tilespmem:s20], [sflag:$0x1] =	stream.indirect.gather [hbm4b:s1+s19], $0x80, s22, s19, $0xb8;
	[tilespmem:$0x1E800] =	vst v63  }
0xa9: {  	_ =	swait.ge [sflag:s28], $0x4000  }
0xaa: {  	[sflag:s28] =	ssyncset.done $0x0  }
0xab: {  	s9 =	simm.s32 $0x1980;
	[sflag:s28] =	ssyncadd.s32 $0xFFFFC000  }
0xac: {  	[spmem:s3] =	stream.indirect.scatter.add.f32 [tilespmem:s21], [sflag:$0x4], $0x80, s9, s19, $0xb8;
	[tilespmem:$0x1E800] =	vst v63  }
0xad: {  	_ =	swait.ge [sflag:s25], $0x4000  }
0xae: {  	[sflag:s25] =	ssyncset.done $0x0  }
0xaf: {  	s16 =	simm.s32 $0x680;
	[sflag:s25] =	ssyncadd.s32 $0xFFFFC000  }
0xb0: {  	[tilespmem:s21], [sflag:$0x2] =	stream.indirect.gather [hbm4b:s1+s19], $0x80, s16, s19, $0xb8;
	[tilespmem:$0x1E800] =	vst v63  }
0xb1: {  	_ =	swait.ge [sflag:s23], $0x4000  }
0xb2: {  	[sflag:s23] =	ssyncset.done $0x0  }
0xb3: {  	s17 =	simm.s32 $0x1A00;
	[sflag:s23] =	ssyncadd.s32 $0xFFFFC000  }
0xb4: {  	[spmem:s3] =	stream.indirect.scatter.add.f32 [tilespmem:s20], [sflag:$0x4], $0x80, s17, s19, $0xb8;
	[tilespmem:$0x1E800] =	vst v63  }
0xb5: {  	_ =	swait.ge [sflag:s25], $0x4000  }
0xb6: {  	[sflag:s25] =	ssyncset.done $0x0  }
0xb7: {  	s22 =	simm.s32 $0x700;
	[sflag:s25] =	ssyncadd.s32 $0xFFFFC000  }
0xb8: {  	[tilespmem:s20], [sflag:$0x1] =	stream.indirect.gather [hbm4b:s1+s19], $0x80, s22, s19, $0xb8;
	[tilespmem:$0x1E800] =	vst v63  }
0xb9: {  	_ =	swait.ge [sflag:s28], $0x4000  }
0xba: {  	[sflag:s28] =	ssyncset.done $0x0  }
0xbb: {  	s9 =	simm.s32 $0x1A80;
	[sflag:s28] =	ssyncadd.s32 $0xFFFFC000  }
0xbc: {  	[spmem:s3] =	stream.indirect.scatter.add.f32 [tilespmem:s21], [sflag:$0x4], $0x80, s9, s19, $0xb8;
	[tilespmem:$0x1E800] =	vst v63  }
0xbd: {  	_ =	swait.ge [sflag:s25], $0x4000  }
0xbe: {  	[sflag:s25] =	ssyncset.done $0x0  }
0xbf: {  	s16 =	simm.s32 $0x780;
	[sflag:s25] =	ssyncadd.s32 $0xFFFFC000  }
0xc0: {  	[tilespmem:s21], [sflag:$0x2] =	stream.indirect.gather [hbm4b:s1+s19], $0x80, s16, s19, $0xb8;
	[tilespmem:$0x1E800] =	vst v63  }
0xc1: {  	_ =	swait.ge [sflag:s23], $0x4000  }
0xc2: {  	[sflag:s23] =	ssyncset.done $0x0  }
0xc3: {  	s17 =	simm.s32 $0x1B00;
	[sflag:s23] =	ssyncadd.s32 $0xFFFFC000  }
0xc4: {  	[spmem:s3] =	stream.indirect.scatter.add.f32 [tilespmem:s20], [sflag:$0x4], $0x80, s17, s19, $0xb8;
	[tilespmem:$0x1E800] =	vst v63  }
0xc5: {  	_ =	swait.ge [sflag:s25], $0x4000  }
0xc6: {  	[sflag:s25] =	ssyncset.done $0x0  }
0xc7: {  	s22 =	simm.s32 $0x800;
	[sflag:s25] =	ssyncadd.s32 $0xFFFFC000  }
0xc8: {  	[tilespmem:s20], [sflag:$0x1] =	stream.indirect.gather [hbm4b:s1+s19], $0x80, s22, s19, $0xb8;
	[tilespmem:$0x1E800] =	vst v63  }
0xc9: {  	_ =	swait.ge [sflag:s28], $0x4000  }
0xca: {  	[sflag:s28] =	ssyncset.done $0x0  }
0xcb: {  	s9 =	simm.s32 $0x1B80;
	[sflag:s28] =	ssyncadd.s32 $0xFFFFC000  }
0xcc: {  	[spmem:s3] =	stream.indirect.scatter.add.f32 [tilespmem:s21], [sflag:$0x4], $0x80, s9, s19, $0xb8;
	[tilespmem:$0x1E800] =	vst v63  }
0xcd: {  	_ =	swait.ge [sflag:s25], $0x4000  }
0xce: {  	[sflag:s25] =	ssyncset.done $0x0  }
0xcf: {  	s16 =	simm.s32 $0x880;
	[sflag:s25] =	ssyncadd.s32 $0xFFFFC000  }
0xd0: {  	[tilespmem:s21], [sflag:$0x2] =	stream.indirect.gather [hbm4b:s1+s19], $0x80, s16, s19, $0xb8;
	[tilespmem:$0x1E800] =	vst v63  }
0xd1: {  	_ =	swait.ge [sflag:s23], $0x4000  }
0xd2: {  	[sflag:s23] =	ssyncset.done $0x0  }
0xd3: {  	s17 =	simm.s32 $0x1C00;
	[sflag:s23] =	ssyncadd.s32 $0xFFFFC000  }
0xd4: {  	[spmem:s3] =	stream.indirect.scatter.add.f32 [tilespmem:s20], [sflag:$0x4], $0x80, s17, s19, $0xb8;
	[tilespmem:$0x1E800] =	vst v63  }
0xd5: {  	_ =	swait.ge [sflag:s25], $0x4000  }
0xd6: {  	[sflag:s25] =	ssyncset.done $0x0  }
0xd7: {  	s22 =	simm.s32 $0x900;
	[sflag:s25] =	ssyncadd.s32 $0xFFFFC000  }
0xd8: {  	[tilespmem:s20], [sflag:$0x1] =	stream.indirect.gather [hbm4b:s1+s19], $0x80, s22, s19, $0xb8;
	[tilespmem:$0x1E800] =	vst v63  }
0xd9: {  	_ =	swait.ge [sflag:s28], $0x4000  }
0xda: {  	[sflag:s28] =	ssyncset.done $0x0  }
0xdb: {  	s9 =	simm.s32 $0x1C80;
	[sflag:s28] =	ssyncadd.s32 $0xFFFFC000  }
0xdc: {  	[spmem:s3] =	stream.indirect.scatter.add.f32 [tilespmem:s21], [sflag:$0x4], $0x80, s9, s19, $0xb8;
	[tilespmem:$0x1E800] =	vst v63  }
0xdd: {  	_ =	swait.ge [sflag:s25], $0x4000  }
0xde: {  	[sflag:s25] =	ssyncset.done $0x0  }
0xdf: {  	s16 =	simm.s32 $0x980;
	[sflag:s25] =	ssyncadd.s32 $0xFFFFC000  }
0xe0: {  	[tilespmem:s21], [sflag:$0x2] =	stream.indirect.gather [hbm4b:s1+s19], $0x80, s16, s19, $0xb8;
	[tilespmem:$0x1E800] =	vst v63  }
0xe1: {  	_ =	swait.ge [sflag:s23], $0x4000  }
0xe2: {  	[sflag:s23] =	ssyncset.done $0x0  }
0xe3: {  	s17 =	simm.s32 $0x1D00;
	[sflag:s23] =	ssyncadd.s32 $0xFFFFC000  }
0xe4: {  	[spmem:s3] =	stream.indirect.scatter.add.f32 [tilespmem:s20], [sflag:$0x4], $0x80, s17, s19, $0xb8;
	[tilespmem:$0x1E800] =	vst v63  }
0xe5: {  	_ =	swait.ge [sflag:s25], $0x4000  }
0xe6: {  	[sflag:s25] =	ssyncset.done $0x0  }
0xe7: {  	s22 =	simm.s32 $0xA00;
	[sflag:s25] =	ssyncadd.s32 $0xFFFFC000  }
0xe8: {  	[tilespmem:s20], [sflag:$0x1] =	stream.indirect.gather [hbm4b:s1+s19], $0x80, s22, s19, $0xb8;
	[tilespmem:$0x1E800] =	vst v63  }
0xe9: {  	_ =	swait.ge [sflag:s28], $0x4000  }
0xea: {  	[sflag:s28] =	ssyncset.done $0x0  }
0xeb: {  	s9 =	simm.s32 $0x1D80;
	[sflag:s28] =	ssyncadd.s32 $0xFFFFC000  }
0xec: {  	[spmem:s3] =	stream.indirect.scatter.add.f32 [tilespmem:s21], [sflag:$0x4], $0x80, s9, s19, $0xb8;
	[tilespmem:$0x1E800] =	vst v63  }
0xed: {  	_ =	swait.ge [sflag:s25], $0x4000  }
0xee: {  	[sflag:s25] =	ssyncset.done $0x0  }
0xef: {  	s16 =	simm.s32 $0xA80;
	[sflag:s25] =	ssyncadd.s32 $0xFFFFC000  }
0xf0: {  	[tilespmem:s21], [sflag:$0x2] =	stream.indirect.gather [hbm4b:s1+s19], $0x80, s16, s19, $0xb8;
	[tilespmem:$0x1E800] =	vst v63  }
0xf1: {  	_ =	swait.ge [sflag:s23], $0x4000  }
0xf2: {  	[sflag:s23] =	ssyncset.done $0x0  }
0xf3: {  	s17 =	simm.s32 $0x1E00;
	[sflag:s23] =	ssyncadd.s32 $0xFFFFC000  }
0xf4: {  	[spmem:s3] =	stream.indirect.scatter.add.f32 [tilespmem:s20], [sflag:$0x4], $0x80, s17, s19, $0xb8;
	[tilespmem:$0x1E800] =	vst v63  }
0xf5: {  	_ =	swait.ge [sflag:s25], $0x4000  }
0xf6: {  	[sflag:s25] =	ssyncset.done $0x0  }
0xf7: {  	s22 =	simm.s32 $0xB00;
	[sflag:s25] =	ssyncadd.s32 $0xFFFFC000  }
0xf8: {  	[tilespmem:s20], [sflag:$0x1] =	stream.indirect.gather [hbm4b:s1+s19], $0x80, s22, s19, $0xb8;
	[tilespmem:$0x1E800] =	vst v63  }
0xf9: {  	_ =	swait.ge [sflag:s28], $0x4000  }
0xfa: {  	[sflag:s28] =	ssyncset.done $0x0  }
0xfb: {  	s9 =	simm.s32 $0x1E80;
	[sflag:s28] =	ssyncadd.s32 $0xFFFFC000  }
0xfc: {  	[spmem:s3] =	stream.indirect.scatter.add.f32 [tilespmem:s21], [sflag:$0x4], $0x80, s9, s19, $0xb8;
	[tilespmem:$0x1E800] =	vst v63  }
0xfd: {  	_ =	swait.ge [sflag:s25], $0x4000  }
0xfe: {  	[sflag:s25] =	ssyncset.done $0x0  }
0xff: {  	s16 =	simm.s32 $0xB80;
	[sflag:s25] =	ssyncadd.s32 $0xFFFFC000  }
0x100: {  	[tilespmem:s21], [sflag:$0x2] =	stream.indirect.gather [hbm4b:s1+s19], $0x80, s16, s19, $0xb8;
	[tilespmem:$0x1E800] =	vst v63  }
0x101: {  	_ =	swait.ge [sflag:s23], $0x4000  }
0x102: {  	[sflag:s23] =	ssyncset.done $0x0  }
0x103: {  	s17 =	simm.s32 $0x1F00;
	[sflag:s23] =	ssyncadd.s32 $0xFFFFC000  }
0x104: {  	[spmem:s3] =	stream.indirect.scatter.add.f32 [tilespmem:s20], [sflag:$0x4], $0x80, s17, s19, $0xb8;
	[tilespmem:$0x1E800] =	vst v63  }
0x105: {  	_ =	swait.ge [sflag:s25], $0x4000  }
0x106: {  	[sflag:s25] =	ssyncset.done $0x0  }
0x107: {  	s22 =	simm.s32 $0xC00;
	[sflag:s25] =	ssyncadd.s32 $0xFFFFC000  }
0x108: {  	[tilespmem:s20], [sflag:$0x1] =	stream.indirect.gather [hbm4b:s1+s19], $0x80, s22, s19, $0xb8;
	[tilespmem:$0x1E800] =	vst v63  }
0x109: {  	_ =	swait.ge [sflag:s28], $0x4000  }
0x10a: {  	[sflag:s28] =	ssyncset.done $0x0  }
0x10b: {  	s9 =	simm.s32 $0x1F80;
	[sflag:s28] =	ssyncadd.s32 $0xFFFFC000  }
0x10c: {  	[spmem:s3] =	stream.indirect.scatter.add.f32 [tilespmem:s21], [sflag:$0x4], $0x80, s9, s19, $0xb8;
	[tilespmem:$0x1E800] =	vst v63  }
0x10d: {  	_ =	swait.ge [sflag:s25], $0x4000  }
0x10e: {  	[sflag:s25] =	ssyncset.done $0x0  }
0x10f: {  	s16 =	simm.s32 $0xC80;
	[sflag:s25] =	ssyncadd.s32 $0xFFFFC000  }
0x110: {  	[tilespmem:s21], [sflag:$0x2] =	stream.indirect.gather [hbm4b:s1+s19], $0x80, s16, s19, $0xb8;
	[tilespmem:$0x1E800] =	vst v63  }
0x111: {  	_ =	swait.ge [sflag:s23], $0x4000  }
0x112: {  	[sflag:s23] =	ssyncset.done $0x0  }
0x113: {  	s17 =	simm.s32 $0x2000;
	[sflag:s23] =	ssyncadd.s32 $0xFFFFC000  }
0x114: {  	[spmem:s3] =	stream.indirect.scatter.add.f32 [tilespmem:s20], [sflag:$0x4], $0x80, s17, s19, $0xb8;
	[tilespmem:$0x1E800] =	vst v63  }
0x115: {  	_ =	swait.ge [sflag:s25], $0x4000  }
0x116: {  	[sflag:s25] =	ssyncset.done $0x0  }
0x117: {  	s22 =	simm.s32 $0xD00;
	[sflag:s25] =	ssyncadd.s32 $0xFFFFC000  }
0x118: {  	[tilespmem:s20], [sflag:$0x1] =	stream.indirect.gather [hbm4b:s1+s19], $0x80, s22, s19, $0xb8;
	[tilespmem:$0x1E800] =	vst v63  }
0x119: {  	_ =	swait.ge [sflag:s28], $0x4000  }
0x11a: {  	[sflag:s28] =	ssyncset.done $0x0  }
0x11b: {  	s9 =	simm.s32 $0x2080;
	[sflag:s28] =	ssyncadd.s32 $0xFFFFC000  }
0x11c: {  	[spmem:s3] =	stream.indirect.scatter.add.f32 [tilespmem:s21], [sflag:$0x4], $0x80, s9, s19, $0xb8;
	[tilespmem:$0x1E800] =	vst v63  }
0x11d: {  	_ =	swait.ge [sflag:s25], $0x4000  }
0x11e: {  	[sflag:s25] =	ssyncset.done $0x0  }
0x11f: {  	s16 =	simm.s32 $0xD80;
	[sflag:s25] =	ssyncadd.s32 $0xFFFFC000  }
0x120: {  	[tilespmem:s21], [sflag:$0x2] =	stream.indirect.gather [hbm4b:s1+s19], $0x80, s16, s19, $0xb8;
	[tilespmem:$0x1E800] =	vst v63  }
0x121: {  	_ =	swait.ge [sflag:s23], $0x4000  }
0x122: {  	[sflag:s23] =	ssyncset.done $0x0  }
0x123: {  	s17 =	simm.s32 $0x2100;
	[sflag:s23] =	ssyncadd.s32 $0xFFFFC000  }
0x124: {  	[spmem:s3] =	stream.indirect.scatter.add.f32 [tilespmem:s20], [sflag:$0x4], $0x80, s17, s19, $0xb8;
	[tilespmem:$0x1E800] =	vst v63  }
0x125: {  	_ =	swait.ge [sflag:s25], $0x4000  }
0x126: {  	[sflag:s25] =	ssyncset.done $0x0  }
0x127: {  	s22 =	simm.s32 $0xE00;
	[sflag:s25] =	ssyncadd.s32 $0xFFFFC000  }
0x128: {  	[tilespmem:s20], [sflag:$0x1] =	stream.indirect.gather [hbm4b:s1+s19], $0x80, s22, s19, $0xb8;
	[tilespmem:$0x1E800] =	vst v63  }
0x129: {  	_ =	swait.ge [sflag:s28], $0x4000  }
0x12a: {  	[sflag:s28] =	ssyncset.done $0x0  }
0x12b: {  	s9 =	simm.s32 $0x2180;
	[sflag:s28] =	ssyncadd.s32 $0xFFFFC000  }
0x12c: {  	[spmem:s3] =	stream.indirect.scatter.add.f32 [tilespmem:s21], [sflag:$0x4], $0x80, s9, s19, $0xb8;
	[tilespmem:$0x1E800] =	vst v63  }
0x12d: {  	_ =	swait.ge [sflag:s25], $0x4000  }
0x12e: {  	[sflag:s25] =	ssyncset.done $0x0  }
0x12f: {  	s16 =	simm.s32 $0xE80;
	[sflag:s25] =	ssyncadd.s32 $0xFFFFC000  }
0x130: {  	[tilespmem:s21], [sflag:$0x2] =	stream.indirect.gather [hbm4b:s1+s19], $0x80, s16, s19, $0xb8;
	[tilespmem:$0x1E800] =	vst v63  }
0x131: {  	_ =	swait.ge [sflag:s23], $0x4000  }
0x132: {  	[sflag:s23] =	ssyncset.done $0x0  }
0x133: {  	s17 =	simm.s32 $0x2200;
	[sflag:s23] =	ssyncadd.s32 $0xFFFFC000  }
0x134: {  	[spmem:s3] =	stream.indirect.scatter.add.f32 [tilespmem:s20], [sflag:$0x4], $0x80, s17, s19, $0xb8;
	[tilespmem:$0x1E800] =	vst v63  }
0x135: {  	_ =	swait.ge [sflag:s25], $0x4000  }
0x136: {  	[sflag:s25] =	ssyncset.done $0x0  }
0x137: {  	s22 =	simm.s32 $0xF00;
	[sflag:s25] =	ssyncadd.s32 $0xFFFFC000  }
0x138: {  	[tilespmem:s20], [sflag:$0x1] =	stream.indirect.gather [hbm4b:s1+s19], $0x80, s22, s19, $0xb8;
	[tilespmem:$0x1E800] =	vst v63  }
0x139: {  	_ =	swait.ge [sflag:s28], $0x4000  }
0x13a: {  	[sflag:s28] =	ssyncset.done $0x0  }
0x13b: {  	s9 =	simm.s32 $0x2280;
	[sflag:s28] =	ssyncadd.s32 $0xFFFFC000  }
0x13c: {  	[spmem:s3] =	stream.indirect.scatter.add.f32 [tilespmem:s21], [sflag:$0x4], $0x80, s9, s19, $0xb8;
	[tilespmem:$0x1E800] =	vst v63  }
0x13d: {  	_ =	swait.ge [sflag:s25], $0x4000  }
0x13e: {  	[sflag:s25] =	ssyncset.done $0x0  }
0x13f: {  	s16 =	simm.s32 $0xF80;
	[sflag:s25] =	ssyncadd.s32 $0xFFFFC000  }
0x140: {  	[tilespmem:s21], [sflag:$0x2] =	stream.indirect.gather [hbm4b:s1+s19], $0x80, s16, s19, $0xb8;
	[tilespmem:$0x1E800] =	vst v63  }
0x141: {  	_ =	swait.ge [sflag:s23], $0x4000  }
0x142: {  	[sflag:s23] =	ssyncset.done $0x0  }
0x143: {  	s17 =	simm.s32 $0x2300;
	[sflag:s23] =	ssyncadd.s32 $0xFFFFC000  }
0x144: {  	[spmem:s3] =	stream.indirect.scatter.add.f32 [tilespmem:s20], [sflag:$0x4], $0x80, s17, s19, $0xb8;
	[tilespmem:$0x1E800] =	vst v63  }
0x145: {  	_ =	swait.ge [sflag:s25], $0x4000  }
0x146: {  	[sflag:s25] =	ssyncset.done $0x0  }
0x147: {  	s22 =	simm.s32 $0x1000;
	[sflag:s25] =	ssyncadd.s32 $0xFFFFC000  }
0x148: {  	[tilespmem:s20], [sflag:$0x1] =	stream.indirect.gather [hbm4b:s1+s19], $0x80, s22, s19, $0xb8;
	[tilespmem:$0x1E800] =	vst v63  }
0x149: {  	_ =	swait.ge [sflag:s28], $0x4000  }
0x14a: {  	[sflag:s28] =	ssyncset.done $0x0  }
0x14b: {  	[sflag:s28] =	ssyncadd.s32 $0xFFFFC000  }
0x14c: {  	[spmem:s3] =	stream.indirect.scatter.add.f32 [tilespmem:s21], [sflag:$0x4], $0x80, s12, s19, $0xb8;
	[tilespmem:$0x1E800] =	vst v63  }
0x14d: {  	_ =	swait.ge [sflag:s25], $0x4000  }
0x14e: {  	[sflag:s25] =	ssyncset.done $0x0  }
0x14f: {  	[sflag:s25] =	ssyncadd.s32 $0xFFFFC000  }
0x150: {  	[tilespmem:s21], [sflag:$0x2] =	stream.indirect.gather [hbm4b:s1+s19], $0x80, s13, s19, $0xb8;
	[tilespmem:$0x1E800] =	vst v63  }
0x151: {  	_ =	swait.ge [sflag:s23], $0x4000  }
0x152: {  	[sflag:s23] =	ssyncset.done $0x0  }
0x153: {  	[sflag:s23] =	ssyncadd.s32 $0xFFFFC000  }
0x154: {  	[spmem:s3] =	stream.indirect.scatter.add.f32 [tilespmem:s20], [sflag:$0x4], $0x80, s18, s19, $0xb8;
	[tilespmem:$0x1E800] =	vst v63  }
0x155: {  	_ =	swait.ge [sflag:s25], $0x4000  }
0x156: {  	[sflag:s25] =	ssyncset.done $0x0  }
0x157: {  	[sflag:s25] =	ssyncadd.s32 $0xFFFFC000  }
0x158: {  	[tilespmem:s20], [sflag:$0x1] =	stream.indirect.gather [hbm4b:s1+s19], $0x80, s24, s19, $0xb8;
	[tilespmem:$0x1E800] =	vst v63  }
0x159: {  	_ =	swait.ge [sflag:s28], $0x4000  }
0x15a: {  	[sflag:s28] =	ssyncset.done $0x0  }
0x15b: {  	[sflag:s28] =	ssyncadd.s32 $0xFFFFC000  }
0x15c: {  	[spmem:s3] =	stream.indirect.scatter.add.f32 [tilespmem:s21], [sflag:$0x4], $0x80, s26, s19, $0xb8;
	[tilespmem:$0x1E800] =	vst v63  }
0x15d: {  	_ =	swait.ge [sflag:s25], $0x4000  }
0x15e: {  	[sflag:s25] =	ssyncset.done $0x0  }
0x15f: {  	[sflag:s25] =	ssyncadd.s32 $0xFFFFC000  }
0x160: {  	[tilespmem:s21], [sflag:$0x2] =	stream.indirect.gather [hbm4b:s1+s19], $0x80, s29, s19, $0xb8;
	[tilespmem:$0x1E800] =	vst v63  }
0x161: {  	_ =	swait.ge [sflag:s23], $0x4000  }
0x162: {  	[sflag:s23] =	ssyncset.done $0x0  }
0x163: {  	[sflag:s23] =	ssyncadd.s32 $0xFFFFC000  }
0x164: {  	[spmem:s3] =	stream.indirect.scatter.add.f32 [tilespmem:s20], [sflag:$0x4], $0x80, s30, s19, $0xb8;
	[tilespmem:$0x1E800] =	vst v63  }
0x165: {  	_ =	swait.ge [sflag:s25], $0x4000  }
0x166: {  	[sflag:s25] =	ssyncset.done $0x0  }
0x167: {  	[sflag:s25] =	ssyncadd.s32 $0xFFFFC000  }
0x168: {  	[tilespmem:s20], [sflag:$0x1] =	stream.indirect.gather [hbm4b:s1+s19], $0x80, s31, s19, $0xb8;
	[tilespmem:$0x1E800] =	vst v63  }
0x169: {  	_ =	swait.ge [sflag:s28], $0x4000  }
0x16a: {  	[sflag:s28] =	ssyncset.done $0x0  }
0x16b: {  	[sflag:s28] =	ssyncadd.s32 $0xFFFFC000  }
0x16c: {  	[spmem:s3] =	stream.indirect.scatter.add.f32 [tilespmem:s21], [sflag:$0x4], $0x80, s0, s19, $0xb8;
	[tilespmem:$0x1E800] =	vst v63  }
0x16d: {  	_ =	swait.ge [sflag:s25], $0x4000  }
0x16e: {  	[sflag:s25] =	ssyncset.done $0x0  }
0x16f: {  	[sflag:s25] =	ssyncadd.s32 $0xFFFFC000  }
0x170: {  	[tilespmem:s21], [sflag:$0x2] =	stream.indirect.gather [hbm4b:s1+s19], $0x80, s2, s19, $0xb8;
	[tilespmem:$0x1E800] =	vst v63  }
0x171: {  	_ =	swait.ge [sflag:s23], $0x4000  }
0x172: {  	[sflag:s23] =	ssyncset.done $0x0  }
0x173: {  	[sflag:s23] =	ssyncadd.s32 $0xFFFFC000  }
0x174: {  	[spmem:s3] =	stream.indirect.scatter.add.f32 [tilespmem:s20], [sflag:$0x4], $0x80, s4, s19, $0xb8;
	[tilespmem:$0x1E800] =	vst v63  }
0x175: {  	_ =	swait.ge [sflag:s25], $0x4000  }
0x176: {  	[sflag:s25] =	ssyncset.done $0x0  }
0x177: {  	[sflag:s25] =	ssyncadd.s32 $0xFFFFC000  }
0x178: {  	[tilespmem:s20], [sflag:$0x1] =	stream.indirect.gather [hbm4b:s1+s19], $0x80, s5, s19, $0xb8;
	[tilespmem:$0x1E800] =	vst v63  }
0x179: {  	_ =	swait.ge [sflag:s28], $0x4000  }
0x17a: {  	[sflag:s28] =	ssyncset.done $0x0  }
0x17b: {  	[sflag:s28] =	ssyncadd.s32 $0xFFFFC000  }
0x17c: {  	[spmem:s3] =	stream.indirect.scatter.add.f32 [tilespmem:s21], [sflag:$0x4], $0x80, s6, s19, $0xb8;
	[tilespmem:$0x1E800] =	vst v63  }
0x17d: {  	_ =	swait.ge [sflag:s25], $0x4000  }
0x17e: {  	[sflag:s25] =	ssyncset.done $0x0  }
0x17f: {  	[sflag:s25] =	ssyncadd.s32 $0xFFFFC000  }
0x180: {  	[tilespmem:s21], [sflag:$0x2] =	stream.indirect.gather [hbm4b:s1+s19], $0x80, s8, s19, $0xb8;
	[tilespmem:$0x1E800] =	vst v63  }
0x181: {  	_ =	swait.ge [sflag:s23], $0x4000  }
0x182: {  	[sflag:s23] =	ssyncset.done $0x0  }
0x183: {  	[sflag:s23] =	ssyncadd.s32 $0xFFFFC000  }
0x184: {  	[spmem:s3] =	stream.indirect.scatter.add.f32 [tilespmem:s20], [sflag:$0x4], $0x80, s10, s19, $0xb8;
	[tilespmem:$0x1E800] =	vst v63  }
0x185: {  	_ =	swait.ge [sflag:s25], $0x4000  }
0x186: {  	[sflag:s25] =	ssyncset.done $0x0  }
0x187: {  	[sflag:s25] =	ssyncadd.s32 $0xFFFFC000  }
0x188: {  	_ =	swait.ge [sflag:s28], $0x4000  }
0x189: {  	p3 =	por p1, p1;
	[sflag:s28] =	ssyncset.done $0x0  }
.Ltmp0:
0x18a: {  	[sflag:s28] =	ssyncadd.s32 $0xFFFFC000;
	(pc) =	sbr.rel @p3 .LBB2_2-.Ltmp0, $4  }
0x18b: {  	[spmem:s3] =	stream.indirect.scatter.add.f32 [tilespmem:s21], [sflag:$0x4], $0x80, s11, s19, $0xb8;
	[tilespmem:$0x1E800] =	vst v63  }
0x18c: {  	_ =	swait.ge [sflag:s25], $0x4000  }
0x18d: {  	[sflag:s25] =	ssyncset.done $0x0  }
0x18e: {  	p1 =	por $0x0, $0x0;
	p2 =	por $0x1, $0x1;
	[sflag:s25] =	ssyncadd.s32 $0xFFFFC000  }
0x18f: {  	[bflag:$0x0] =	sbarrier.arrive $0xFFFF  }
0x190: {  	s7 =	rddreg [dreg:$0x7]  }
0x191: {  	s9 =	rddreg [dreg:$0xe]  }
0x192: {  	s16 =	rddreg [dreg:$0x10];
	s7 =	sor.u32 $0x1C04, s7  }
0x193: {  	[hbm:s9], [sflag:s7] =	dma.local [spmem:s16], $0x2800  }
0x194: {  	_ =	swait.ge [sflag:s25], $0x2800  }
0x195: {  	s0 =	rddreg [dreg:$0x11]  }
0x196: {  	s22 =	rddreg [dreg:$0xf];
	s0 =	sadd.s32 $0x1, s0  }
0x197: {  	p1 =	sne.s32 s0, s22  }
.Ltmp1:
0x198: {  	_ = 	snop;
	(pc) =	sbr.rel @p1 .LBB2_1-.Ltmp1, $3  }
0x199: {  	_ =	sdelay $0x1  }
0x19a: {  	[sflag:s25] =	ssyncset.done $0x0  }
0x19b: {  	[sflag:s25] =	ssyncadd.s32 $0xFFFFD800  }
0x19c: {  	_ =	sfence.sel $0x180000  }
0x19d: {  	[bflag:$0x0] =	sbarrier.arrive $0xFFFF  }
0x19e: {  	_ =	strace $0x90000047  }
0x19f: {  	s0 =	stileid.u32;
	[bflag:$0x2] =	sbarrier.arrive $0xFFFF  }
0x1a0: {  	p0 =	sne.s32 s0, $0x0;
	s0 =	rddreg [dreg:$0x4]  }
0x1a1: {  	s0 =	sadd.s32 @!p0 $0x100000, s0  }
0x1a2: {  	[sflag:s0] =	ssyncadd.tile.s32 @!p0 $0x1;
	_ =	shalt  }
.Lfunc_end2:
_tile_overlayer_lowered:
.L_overlay_start_2:
0x1a3: {  	(tag) =	ssettag $0x2  }
0x1a4: {  	s0 =	rddreg [dreg:$0x0];
	s2 =	stileid.u32  }
0x1a5: {  	s1 =	rddreg [dreg:$0x1];
	p0 =	sne.s32 s2, $0x0  }
0x1a6: {  	s3 =	rddreg [dreg:$0x2];
	[bflag:$0x3] =	sbarrier.arrive $0xFFFF;
	s2 =	simm.s32 @!p0 $0x1C04  }
0x1a7: {  	[timem:s3], [sflag:s2] =	dma.local @!p0 [hbm:s0], s1  }
0x1a8: {  	s0 =	simm.s32 @!p0 $0x4  }
0x1a9: {  	_ =	swait.ge @!p0 [sflag:s0], s1  }
0x1aa: {  	s1 =	ssub.s32 @!p0 $0x0, s1;
	[sflag:s0] =	ssyncset.done @!p0 $0x0  }
0x1ab: {  	[sflag:s0] =	ssyncadd.s32 @!p0 s1  }
0x1ac: {  	[bflag:$0x3] =	sbarrier.arrive $0xFFFF  }
0x1ad: {  	_ =	shalt  }

</sc_bundles>
